<compile_context>
chip_gen: v7x
topology: tpu7x:2x2x1
jax: 0.10.2.dev20260603
libtpu: 0.0.44.dev20260713+nightly
codegen_flags: <defaults>
</compile_context>

<pallas_src>
import functools

import jax
import jax.numpy as jnp
from jax import lax
from jax.experimental import pallas as pl
from jax.experimental.pallas import tpu as pltpu
from jax.experimental.pallas import tpu_sc as plsc

_NC = 2
_NS = 16
_NW = _NC * _NS
_L = 16
_B = 128
_CB = 16
_CP = _B * _CB
_CW = 2 * _CP


def _lj_body(n_chunks, pairs_hbm, tab_hbm, consts_hbm, out_hbm,
             idx0_v, idx1_v, rows0_v, rows1_v, consts_v, acc_v,
             sp0, sp1, sg0, sg1):
    idx_b = (idx0_v, idx1_v)
    rows_b = (rows0_v, rows1_v)
    sp_b = (sp0, sp1)
    sg_b = (sg0, sg1)
    cid = lax.axis_index("c")
    sid = lax.axis_index("s")
    wid = sid * _NC + cid

    pltpu.sync_copy(consts_hbm, consts_v)
    cv0 = consts_v[pl.ds(0, _L)]
    cv1 = consts_v[pl.ds(8, _L)]

    def cget(i):
        return cv0[i] if i < _L else cv1[i - 8]

    bi = [cget(k) for k in range(9)]
    bx = [cget(9 + k) for k in range(9)]
    cut2 = cget(18)

    lane1 = lax.iota(jnp.int32, _L)
    zero16 = jnp.zeros((_L,), jnp.int32)

    max_chunks = (n_chunks - 1) // _NW + 1

    def start_pairs(b, k):
        g_raw = k * _NW + wid
        g = jnp.where(g_raw < n_chunks, g_raw, 0)
        pltpu.async_copy(pairs_hbm.at[pl.ds(g * _CW, _CW)], idx_b[b], sp_b[b])

    def wait_pairs(b):
        pltpu.make_async_copy(pairs_hbm.at[pl.ds(0, _CW)], idx_b[b],
                              sp_b[b]).wait()

    def start_gather(b):
        pltpu.async_copy(tab_hbm.at[idx_b[b]], rows_b[b], sg_b[b])

    def wait_gather(b):
        pltpu.make_async_copy(tab_hbm.at[idx_b[b]], rows_b[b], sg_b[b]).wait()

    def compute(b):
        rows_v = rows_b[b]

        def inner(j, acc):
            jb = j // 8
            js = j - jb * 8
            r0 = jb * 256 + js * 16 + lane1
            r1 = r0 + 128
            f = [plsc.load_gather(rows_v, [r, zero16 + k])
                 for r in (r0, r1) for k in range(5)]
            x0, y0, z0, s0, e0, x1, y1, z1, s1, e1 = f

            def bfr(v):
                u = plsc.bitcast(v, jnp.int32)
                u = (u + 0x7FFF + ((u >> 16) & 1)) & -65536
                return plsc.bitcast(u, jnp.float32)

            dx = bfr(x0 - x1)
            dy = bfr(y0 - y1)
            dz = bfr(z0 - z1)
            sx = dx * bi[0] + dy * bi[3] + dz * bi[6]
            sy = dx * bi[1] + dy * bi[4] + dz * bi[7]
            sz = dx * bi[2] + dy * bi[5] + dz * bi[8]

            def wrap(s):
                y = s + 0.5
                t = y.astype(jnp.int32).astype(jnp.float32)
                fl = jnp.where(t > y, t - 1.0, t)
                return s - fl

            wx = bfr(wrap(sx))
            wy = bfr(wrap(sy))
            wz = bfr(wrap(sz))
            px = wx * bx[0] + wy * bx[3] + wz * bx[6]
            py = wx * bx[1] + wy * bx[4] + wz * bx[7]
            pz = wx * bx[2] + wy * bx[5] + wz * bx[8]
            r2 = px * px + py * py + pz * pz
            sig = (s0 + s1) * 0.5
            inv = 1.0 / r2
            inv = inv * (2.0 - r2 * inv)
            inv = inv * (2.0 - r2 * inv)
            q = (sig * sig) * inv
            t3 = q * q * q
            ene = (4.0 * (e0 * e1)) * (t3 * (t3 - 1.0))
            return acc + jnp.where(r2 <= cut2, ene, 0.0)

        return lax.fori_loop(0, _CP // _L, inner,
                             jnp.zeros((_L,), jnp.float32))

    K = max_chunks
    assert K >= 4 and K % 2 == 0, K
    assert (K - 1) * _NW - 1 < n_chunks, (K, n_chunks)
    start_pairs(0, 0)
    start_pairs(1, 1)
    wait_pairs(0)
    start_gather(0)

    def pipe_body(i, acc):
        wait_pairs(1)
        start_gather(1)
        wait_gather(0)
        acc = acc + compute(0)
        start_pairs(0, 2 * i + 2)
        wait_pairs(0)
        start_gather(0)
        wait_gather(1)
        acc = acc + compute(1)
        start_pairs(1, 2 * i + 3)
        return acc

    acc = lax.fori_loop(0, (K - 2) // 2, pipe_body,
                        jnp.zeros((_L,), jnp.float32))
    wait_pairs(1)
    start_gather(1)
    wait_gather(0)
    acc = acc + compute(0)
    wait_gather(1)
    last_valid = ((K - 1) * _NW + wid) < n_chunks
    acc = acc + jnp.where(last_valid, compute(1), 0.0)
    acc_v[...] = acc
    pltpu.sync_copy(acc_v, out_hbm.at[wid])


@functools.partial(jax.jit, static_argnums=(3,))
def _lj_launch(pairs_lin, tab, consts, n_chunks):
    mesh = plsc.VectorSubcoreMesh(core_axis_name="c", subcore_axis_name="s")
    body = functools.partial(_lj_body, n_chunks)
    out = pl.kernel(
        body,
        out_type=jax.ShapeDtypeStruct((_NW, _L), jnp.float32),
        mesh=mesh,
        compiler_params=pltpu.CompilerParams(
            needs_layout_passes=False, use_tc_tiling_on_sc=False),
        scratch_types=[
            pltpu.VMEM((_CW,), jnp.int32),
            pltpu.VMEM((_CW,), jnp.int32),
            pltpu.VMEM((_CW, 8), jnp.float32),
            pltpu.VMEM((_CW, 8), jnp.float32),
            pltpu.VMEM((24,), jnp.float32),
            pltpu.VMEM((_L,), jnp.float32),
            pltpu.SemaphoreType.DMA,
            pltpu.SemaphoreType.DMA,
            pltpu.SemaphoreType.DMA,
            pltpu.SemaphoreType.DMA,
        ],
    )(pairs_lin, tab, consts)
    return jnp.sum(out)


def kernel(coords, pairs, box, sigma, epsilon, cutoff):
    n = coords.shape[0]
    p = pairs.shape[0]
    nb = p // _B
    assert p % _B == 0 and nb % _CB == 0, p
    box = box.astype(jnp.float32)
    box_inv = jnp.linalg.inv(box)
    tab = jnp.concatenate(
        [coords.astype(jnp.float32),
         sigma.astype(jnp.float32)[:, None],
         jnp.sqrt(epsilon.astype(jnp.float32))[:, None],
         jnp.zeros((n, 3), jnp.float32)], axis=1)
    cut2 = (jnp.asarray(cutoff, jnp.float32) ** 2).reshape(1)
    def _rne_bf(x):
        u = lax.bitcast_convert_type(x, jnp.int32)
        u = (u + 0x7FFF + ((u >> 16) & 1)) & -65536
        return lax.bitcast_convert_type(u, jnp.float32)

    bi_bf = _rne_bf(box_inv)
    bx_bf = _rne_bf(box)
    consts = jnp.concatenate(
        [bi_bf.reshape(-1), bx_bf.reshape(-1), cut2,
         jnp.zeros((5,), jnp.float32)]).astype(jnp.float32)
    pairs_lin = (pairs.astype(jnp.int32).T
                 .reshape(2, nb, _B).transpose(1, 0, 2).reshape(-1))
    return _lj_launch(pairs_lin, tab, consts, nb // _CB)

# --- scband reference (transcript-rebuilt; emitter-appended) ---
"""Pipeline reference for scband-lennard-jones-24610162606258 (READ-ONLY COPY).

The authoritative reference and input builder live on the scoring server;
editing this copy changes nothing except your own understanding.
"""

import jax, jax.numpy as jnp
import numpy as np

N_NODES = 100000
N_PAIRS = 6400000


def setup_inputs(seed: int = 0) -> dict:
    key = jax.random.key(seed)
    k1, k2, k3, k4, k5, k6 = jax.random.split(key, 6)
    coords = jax.random.normal(k1, (N_NODES, 3), dtype=jnp.float32)
    # pairs: avoid self-pairs (i == j) which would give dr = 0 -> inf/nan energies
    p0 = jax.random.randint(k2, (N_PAIRS,), 0, N_NODES)
    off = jax.random.randint(k3, (N_PAIRS,), 1, N_NODES)
    p1 = (p0 + off) % N_NODES
    pairs = jnp.stack([p0, p1], axis=1)
    # box: well-conditioned (near-diagonal) periodic box so inv(box) is stable
    box = jnp.diag(jnp.array([30.0, 30.0, 30.0], dtype=jnp.float32)) + 0.01 * jax.random.normal(k4, (3, 3), dtype=jnp.float32)
    sigma = jax.random.uniform(k5, (N_NODES,), dtype=jnp.float32)
    epsilon = jax.random.uniform(k6, (N_NODES,), dtype=jnp.float32)
    cutoff = 10.0
    return {"coords": coords, "pairs": pairs, "box": box, "sigma": sigma, "epsilon": epsilon, "cutoff": cutoff}


def reference(coords, pairs, box, sigma, epsilon, cutoff):
    # Faithful translation of compute_lennard_jones_energy_ref
    dr_vecs = coords[pairs[:, 0]] - coords[pairs[:, 1]]
    box_inv = jnp.linalg.inv(box)
    ds_vecs = jnp.matmul(dr_vecs, box_inv)
    ds_vecs_pbc = ds_vecs - jnp.floor(ds_vecs + 0.5)
    dr_vecs_pbc = jnp.matmul(ds_vecs_pbc, box)
    dr = jnp.linalg.norm(dr_vecs_pbc, axis=1)
    mask = dr <= cutoff
    sigma_ij = (sigma[pairs[:, 0]] + sigma[pairs[:, 1]]) / 2
    epsilon_ij = jnp.sqrt(epsilon[pairs[:, 0]] * epsilon[pairs[:, 1]])
    tmp = (sigma_ij / dr) ** 6
    ene = 4 * epsilon_ij * tmp * (tmp - 1)
    return jnp.sum(ene * mask)

if __name__ == "__main__":
    import jax
    _d = setup_inputs()
    print(jax.jit(kernel)(*tuple(_d.values())))

</pallas_src>

<mosaic_0001>
#map = affine_map<(d0, d1) -> (0)>
#map1 = affine_map<(d0, d1) -> (0, 0)>
module attributes {stable_mosaic.version = 14 : i64} {
  func.func @_lj_body(%arg0: i32, %arg1: i32, %arg2: memref<12800000xi32, #tpu.memory_space<hbm>>, %arg3: memref<100000x8xf32, #tpu.memory_space<hbm>>, %arg4: memref<24xf32, #tpu.memory_space<hbm>>, %arg5: memref<32x16xf32, #tpu.memory_space<hbm>>, %arg6: memref<4096xi32, #tpu.memory_space<vmem>>, %arg7: memref<4096xi32, #tpu.memory_space<vmem>>, %arg8: memref<4096x8xf32, #tpu.memory_space<vmem>>, %arg9: memref<4096x8xf32, #tpu.memory_space<vmem>>, %arg10: memref<24xf32, #tpu.memory_space<vmem>>, %arg11: memref<16xf32, #tpu.memory_space<vmem>>, %arg12: memref<!tpu.dma_semaphore, #tpu.memory_space<semaphore_mem>>, %arg13: memref<!tpu.dma_semaphore, #tpu.memory_space<semaphore_mem>>, %arg14: memref<!tpu.dma_semaphore, #tpu.memory_space<semaphore_mem>>, %arg15: memref<!tpu.dma_semaphore, #tpu.memory_space<semaphore_mem>>) attributes {dimension_semantics = [#tpu.dimension_semantics<core_parallel>, #tpu.dimension_semantics<subcore_parallel>], iteration_bounds = array<i64: 2, 16>, scalar_prefetch = 0 : i64, scratch_operands = 10 : i64, tpu.core_type = #tpu.core_type<sc_vector_subcore>, window_params = [{transform_indices = #map}, {transform_indices = #map1}, {transform_indices = #map}, {transform_indices = #map1}]} {
    %mul3A = arith.constant 2 : i32
    %mul3A_0 = arith.muli %arg1, %mul3A : i32
    %add3A = arith.addi %mul3A_0, %arg0 : i32
    "tpu.region"() ({
      %run_scoped3A = tpu.sem_alloc : memref<!tpu.dma_semaphore, #tpu.memory_space<semaphore_mem>>
      tpu.enqueue_dma source(%arg4 : memref<24xf32, #tpu.memory_space<hbm>>) target(%arg10 : memref<24xf32, #tpu.memory_space<vmem>>) target_semaphore(%run_scoped3A : memref<!tpu.dma_semaphore, #tpu.memory_space<semaphore_mem>>)
      tpu.wait_dma2 semaphore(%run_scoped3A : memref<!tpu.dma_semaphore, #tpu.memory_space<semaphore_mem>>) src(%arg4 : memref<24xf32, #tpu.memory_space<hbm>>) dst(%arg10 : memref<24xf32, #tpu.memory_space<vmem>>)
      tpu.yield
    }) : () -> ()
    %get3A = arith.constant 0 : index
    %get3A_1 = tpu.vector_load %arg10[%get3A] {strides = array<i32>} : memref<24xf32, #tpu.memory_space<vmem>>, vector<16xf32>,
    %get3A_2 = arith.constant 8 : index
    %get3A_3 = tpu.vector_load %arg10[%get3A_2] {strides = array<i32>} : memref<24xf32, #tpu.memory_space<vmem>>, vector<16xf32>,
    %slice3A = vector.extract_strided_slice %get3A_1 {offsets = [0], sizes = [1], strides = [1]} : vector<16xf32> to vector<1xf32>
    %squeeze3A = vector.extract %slice3A[0] : f32 from vector<1xf32>
    %slice3A_4 = vector.extract_strided_slice %get3A_1 {offsets = [1], sizes = [1], strides = [1]} : vector<16xf32> to vector<1xf32>
    %squeeze3A_5 = vector.extract %slice3A_4[0] : f32 from vector<1xf32>
    %slice3A_6 = vector.extract_strided_slice %get3A_1 {offsets = [2], sizes = [1], strides = [1]} : vector<16xf32> to vector<1xf32>
    %squeeze3A_7 = vector.extract %slice3A_6[0] : f32 from vector<1xf32>
    %slice3A_8 = vector.extract_strided_slice %get3A_1 {offsets = [3], sizes = [1], strides = [1]} : vector<16xf32> to vector<1xf32>
    %squeeze3A_9 = vector.extract %slice3A_8[0] : f32 from vector<1xf32>
    %slice3A_10 = vector.extract_strided_slice %get3A_1 {offsets = [4], sizes = [1], strides = [1]} : vector<16xf32> to vector<1xf32>
    %squeeze3A_11 = vector.extract %slice3A_10[0] : f32 from vector<1xf32>
    %slice3A_12 = vector.extract_strided_slice %get3A_1 {offsets = [5], sizes = [1], strides = [1]} : vector<16xf32> to vector<1xf32>
    %squeeze3A_13 = vector.extract %slice3A_12[0] : f32 from vector<1xf32>
    %slice3A_14 = vector.extract_strided_slice %get3A_1 {offsets = [6], sizes = [1], strides = [1]} : vector<16xf32> to vector<1xf32>
    %squeeze3A_15 = vector.extract %slice3A_14[0] : f32 from vector<1xf32>
    %slice3A_16 = vector.extract_strided_slice %get3A_1 {offsets = [7], sizes = [1], strides = [1]} : vector<16xf32> to vector<1xf32>
    %squeeze3A_17 = vector.extract %slice3A_16[0] : f32 from vector<1xf32>
    %slice3A_18 = vector.extract_strided_slice %get3A_1 {offsets = [8], sizes = [1], strides = [1]} : vector<16xf32> to vector<1xf32>
    %squeeze3A_19 = vector.extract %slice3A_18[0] : f32 from vector<1xf32>
    %slice3A_20 = vector.extract_strided_slice %get3A_1 {offsets = [9], sizes = [1], strides = [1]} : vector<16xf32> to vector<1xf32>
    %squeeze3A_21 = vector.extract %slice3A_20[0] : f32 from vector<1xf32>
    %slice3A_22 = vector.extract_strided_slice %get3A_1 {offsets = [10], sizes = [1], strides = [1]} : vector<16xf32> to vector<1xf32>
    %squeeze3A_23 = vector.extract %slice3A_22[0] : f32 from vector<1xf32>
    %slice3A_24 = vector.extract_strided_slice %get3A_1 {offsets = [11], sizes = [1], strides = [1]} : vector<16xf32> to vector<1xf32>
    %squeeze3A_25 = vector.extract %slice3A_24[0] : f32 from vector<1xf32>
    %slice3A_26 = vector.extract_strided_slice %get3A_1 {offsets = [12], sizes = [1], strides = [1]} : vector<16xf32> to vector<1xf32>
    %squeeze3A_27 = vector.extract %slice3A_26[0] : f32 from vector<1xf32>
    %slice3A_28 = vector.extract_strided_slice %get3A_1 {offsets = [13], sizes = [1], strides = [1]} : vector<16xf32> to vector<1xf32>
    %squeeze3A_29 = vector.extract %slice3A_28[0] : f32 from vector<1xf32>
    %slice3A_30 = vector.extract_strided_slice %get3A_1 {offsets = [14], sizes = [1], strides = [1]} : vector<16xf32> to vector<1xf32>
    %squeeze3A_31 = vector.extract %slice3A_30[0] : f32 from vector<1xf32>
    %slice3A_32 = vector.extract_strided_slice %get3A_1 {offsets = [15], sizes = [1], strides = [1]} : vector<16xf32> to vector<1xf32>
    %squeeze3A_33 = vector.extract %slice3A_32[0] : f32 from vector<1xf32>
    %slice3A_34 = vector.extract_strided_slice %get3A_3 {offsets = [8], sizes = [1], strides = [1]} : vector<16xf32> to vector<1xf32>
    %squeeze3A_35 = vector.extract %slice3A_34[0] : f32 from vector<1xf32>
    %slice3A_36 = vector.extract_strided_slice %get3A_3 {offsets = [9], sizes = [1], strides = [1]} : vector<16xf32> to vector<1xf32>
    %squeeze3A_37 = vector.extract %slice3A_36[0] : f32 from vector<1xf32>
    %slice3A_38 = vector.extract_strided_slice %get3A_3 {offsets = [10], sizes = [1], strides = [1]} : vector<16xf32> to vector<1xf32>
    %squeeze3A_39 = vector.extract %slice3A_38[0] : f32 from vector<1xf32>
    %iota3A = tpu.iota {dimensions = array<i32: 0>} : vector<16xi32>
    %broadcast_in_dim3A = arith.constant 0 : i32
    %broadcast_in_dim3A_40 = vector.broadcast %broadcast_in_dim3A : i32 to vector<16xi32>
    %add3A_41 = arith.constant 0 : i32
    %add3A_42 = arith.addi %add3A_41, %add3A : i32
    %lt3A = arith.constant 3125 : i32
    %lt3A_43 = arith.cmpi slt, %add3A_42, %lt3A : i32
    %jit3A = arith.constant 0 : i32
    %select_n3A = arith.select %lt3A_43, %add3A_42, %jit3A : i32
    %mul3A_44 = arith.constant 4096 : i32
    %mul3A_45 = arith.muli %select_n3A, %mul3A_44 : i32
    %dma_start3A = tpu.memref_slice %arg2[%mul3A_45] : memref<12800000xi32, #tpu.memory_space<hbm>> -> memref<4096xi32, #tpu.memory_space<hbm>>
    %dma_start3A_46 = tpu.memref_slice %arg2[%mul3A_45] : memref<12800000xi32, #tpu.memory_space<hbm>> -> memref<4096xi32, #tpu.memory_space<hbm>>
    tpu.enqueue_dma source(%dma_start3A_46 : memref<4096xi32, #tpu.memory_space<hbm>>) target(%arg6 : memref<4096xi32, #tpu.memory_space<vmem>>) target_semaphore(%arg12 : memref<!tpu.dma_semaphore, #tpu.memory_space<semaphore_mem>>)
    %add3A_47 = arith.constant 32 : i32
    %add3A_48 = arith.addi %add3A_47, %add3A : i32
    %lt3A_49 = arith.constant 3125 : i32
    %lt3A_50 = arith.cmpi slt, %add3A_48, %lt3A_49 : i32
    %jit3A_51 = arith.constant 0 : i32
    %select_n3A_52 = arith.select %lt3A_50, %add3A_48, %jit3A_51 : i32
    %mul3A_53 = arith.constant 4096 : i32
    %mul3A_54 = arith.muli %select_n3A_52, %mul3A_53 : i32
    %dma_start3A_55 = tpu.memref_slice %arg2[%mul3A_54] : memref<12800000xi32, #tpu.memory_space<hbm>> -> memref<4096xi32, #tpu.memory_space<hbm>>
    %dma_start3A_56 = tpu.memref_slice %arg2[%mul3A_54] : memref<12800000xi32, #tpu.memory_space<hbm>> -> memref<4096xi32, #tpu.memory_space<hbm>>
    tpu.enqueue_dma source(%dma_start3A_56 : memref<4096xi32, #tpu.memory_space<hbm>>) target(%arg7 : memref<4096xi32, #tpu.memory_space<vmem>>) target_semaphore(%arg13 : memref<!tpu.dma_semaphore, #tpu.memory_space<semaphore_mem>>)
    %dma_wait3A = arith.constant 0 : i32
    %dma_wait3A_57 = tpu.memref_slice %arg2[%dma_wait3A] : memref<12800000xi32, #tpu.memory_space<hbm>> -> memref<4096xi32, #tpu.memory_space<hbm>>
    %dma_wait3A_58 = arith.constant 0 : i32
    %dma_wait3A_59 = tpu.memref_slice %arg2[%dma_wait3A_58] : memref<12800000xi32, #tpu.memory_space<hbm>> -> memref<4096xi32, #tpu.memory_space<hbm>>
    tpu.wait_dma2 semaphore(%arg12 : memref<!tpu.dma_semaphore, #tpu.memory_space<semaphore_mem>>) src(%dma_wait3A_59 : memref<4096xi32, #tpu.memory_space<hbm>>) dst(%arg6 : memref<4096xi32, #tpu.memory_space<vmem>>)
    %dma_start3A_60 = arith.constant 0 : i32
    %dma_start3A_61 = arith.constant 0 : i32
    %dma_start3A_62 = tpu.memref_slice %arg3[%dma_start3A_60, %dma_start3A_61] : memref<100000x8xf32, #tpu.memory_space<hbm>> -> memref<100000x8xf32, #tpu.memory_space<hbm>>
    tpu.enqueue_indirect_dma source(%dma_start3A_62 : memref<100000x8xf32, #tpu.memory_space<hbm>>) target(%arg8 : memref<4096x8xf32, #tpu.memory_space<vmem>>) offsets(%arg6 : memref<4096xi32, #tpu.memory_space<vmem>>) semaphore(%arg14 : memref<!tpu.dma_semaphore, #tpu.memory_space<semaphore_mem>>)
    %broadcast_in_dim3A_63 = arith.constant 0.000000e+00 : f32
    %broadcast_in_dim3A_64 = vector.broadcast %broadcast_in_dim3A_63 : f32 to vector<16xf32>
    %scan3A = arith.constant 0 : i32
    %scan3A_65 = arith.constant 48 : i32
    %scan3A_66 = arith.addi %scan3A, %scan3A_65 : i32
    %scan3A_67 = arith.constant 1 : i32
    %scan3A_68 = scf.for %scan3A_109 = %scan3A to %scan3A_66 step %scan3A_67 iter_args(%scan3A_110 = %broadcast_in_dim3A_64) -> (vector<16xf32>)  : i32 {
      %dma_wait3A_111 = arith.constant 0 : i32
      %dma_wait3A_112 = tpu.memref_slice %arg2[%dma_wait3A_111] : memref<12800000xi32, #tpu.memory_space<hbm>> -> memref<4096xi32, #tpu.memory_space<hbm>>
      %dma_wait3A_113 = arith.constant 0 : i32
      %dma_wait3A_114 = tpu.memref_slice %arg2[%dma_wait3A_113] : memref<12800000xi32, #tpu.memory_space<hbm>> -> memref<4096xi32, #tpu.memory_space<hbm>>
      tpu.wait_dma2 semaphore(%arg13 : memref<!tpu.dma_semaphore, #tpu.memory_space<semaphore_mem>>) src(%dma_wait3A_114 : memref<4096xi32, #tpu.memory_space<hbm>>) dst(%arg7 : memref<4096xi32, #tpu.memory_space<vmem>>)
      %dma_start3A_115 = arith.constant 0 : i32
      %dma_start3A_116 = arith.constant 0 : i32
      %dma_start3A_117 = tpu.memref_slice %arg3[%dma_start3A_115, %dma_start3A_116] : memref<100000x8xf32, #tpu.memory_space<hbm>> -> memref<100000x8xf32, #tpu.memory_space<hbm>>
      tpu.enqueue_indirect_dma source(%dma_start3A_117 : memref<100000x8xf32, #tpu.memory_space<hbm>>) target(%arg9 : memref<4096x8xf32, #tpu.memory_space<vmem>>) offsets(%arg7 : memref<4096xi32, #tpu.memory_space<vmem>>) semaphore(%arg15 : memref<!tpu.dma_semaphore, #tpu.memory_space<semaphore_mem>>)
      %dma_wait3A_118 = arith.constant 0 : i32
      %dma_wait3A_119 = arith.constant 0 : i32
      %dma_wait3A_120 = tpu.memref_slice %arg3[%dma_wait3A_118, %dma_wait3A_119] : memref<100000x8xf32, #tpu.memory_space<hbm>> -> memref<100000x8xf32, #tpu.memory_space<hbm>>
      tpu.wait_indirect_dma semaphore(%arg14 : memref<!tpu.dma_semaphore, #tpu.memory_space<semaphore_mem>>) src(%dma_wait3A_120 : memref<100000x8xf32, #tpu.memory_space<hbm>>) dst(%arg8 : memref<4096x8xf32, #tpu.memory_space<vmem>>)
      %broadcast_in_dim3A_121 = arith.constant 0.000000e+00 : f32
      %broadcast_in_dim3A_122 = vector.broadcast %broadcast_in_dim3A_121 : f32 to vector<16xf32>
      %scan3A_123 = arith.constant 0 : i32
      %scan3A_124 = arith.constant 128 : i32
      %scan3A_125 = arith.addi %scan3A_123, %scan3A_124 : i32
      %scan3A_126 = arith.constant 1 : i32
      %scan3A_127 = scf.for %scan3A_179 = %scan3A_123 to %scan3A_125 step %scan3A_126 iter_args(%scan3A_180 = %broadcast_in_dim3A_122) -> (vector<16xf32>)  : i32 {
        %jit3A_181 = arith.constant 8 : i32
        %div3A = arith.divsi %scan3A_179, %jit3A_181 : i32
        %sign3A = arith.constant 0 : i32
        %sign3A_182 = arith.cmpi sgt, %scan3A_179, %sign3A : i32
        %sign3A_183 = arith.extui %sign3A_182 : i1 to i32
        %sign3A_184 = arith.constant 0 : i32
        %sign3A_185 = arith.cmpi slt, %scan3A_179, %sign3A_184 : i32
        %sign3A_186 = arith.extui %sign3A_185 : i1 to i32
        %sign3A_187 = arith.subi %sign3A_183, %sign3A_186 : i32
        %sign3A_188 = arith.constant 0 : i32
        %sign3A_189 = arith.cmpi sgt, %jit3A_181, %sign3A_188 : i32
        %sign3A_190 = arith.extui %sign3A_189 : i1 to i32
        %sign3A_191 = arith.constant 0 : i32
        %sign3A_192 = arith.cmpi slt, %jit3A_181, %sign3A_191 : i32
        %sign3A_193 = arith.extui %sign3A_192 : i1 to i32
        %sign3A_194 = arith.subi %sign3A_190, %sign3A_193 : i32
        %ne3A = arith.cmpi ne, %sign3A_187, %sign3A_194 : i32
        %rem3A = arith.remsi %scan3A_179, %jit3A_181 : i32
        %ne3A_195 = arith.constant 0 : i32
        %ne3A_196 = arith.cmpi ne, %rem3A, %ne3A_195 : i32
        %and3A = arith.andi %ne3A, %ne3A_196 : i1
        %sub3A = arith.constant 1 : i32
        %sub3A_197 = arith.subi %div3A, %sub3A : i32
        %select_n3A_198 = arith.select %and3A, %sub3A_197, %div3A : i32
        %mul3A_199 = arith.constant 8 : i32
        %mul3A_200 = arith.muli %select_n3A_198, %mul3A_199 : i32
        %sub3A_201 = arith.subi %scan3A_179, %mul3A_200 : i32
        %mul3A_202 = arith.constant 256 : i32
        %mul3A_203 = arith.muli %select_n3A_198, %mul3A_202 : i32
        %mul3A_204 = arith.constant 16 : i32
        %mul3A_205 = arith.muli %sub3A_201, %mul3A_204 : i32
        %add3A_206 = arith.addi %mul3A_203, %mul3A_205 : i32
        %add3A_207 = vector.broadcast %add3A_206 : i32 to vector<16xi32>
        %add3A_208 = arith.addi %add3A_207, %iota3A : vector<16xi32>
        %add3A_209 = arith.constant 128 : i32
        %add3A_210 = vector.broadcast %add3A_209 : i32 to vector<16xi32>
        %add3A_211 = arith.addi %add3A_208, %add3A_210 : vector<16xi32>
        %add3A_212 = arith.constant 0 : i32
        %add3A_213 = vector.broadcast %add3A_212 : i32 to vector<16xi32>
        %add3A_214 = arith.addi %broadcast_in_dim3A_40, %add3A_213 : vector<16xi32>
        %gather3A = tpu.vector_load_idx %arg8[%add3A_208, %add3A_214] : memref<4096x8xf32, #tpu.memory_space<vmem>>[vector<16xi32>, vector<16xi32>], vector<16xf32>,
        %add3A_215 = arith.constant 1 : i32
        %add3A_216 = vector.broadcast %add3A_215 : i32 to vector<16xi32>
        %add3A_217 = arith.addi %broadcast_in_dim3A_40, %add3A_216 : vector<16xi32>
        %gather3A_218 = tpu.vector_load_idx %arg8[%add3A_208, %add3A_217] : memref<4096x8xf32, #tpu.memory_space<vmem>>[vector<16xi32>, vector<16xi32>], vector<16xf32>,
        %add3A_219 = arith.constant 2 : i32
        %add3A_220 = vector.broadcast %add3A_219 : i32 to vector<16xi32>
        %add3A_221 = arith.addi %broadcast_in_dim3A_40, %add3A_220 : vector<16xi32>
        %gather3A_222 = tpu.vector_load_idx %arg8[%add3A_208, %add3A_221] : memref<4096x8xf32, #tpu.memory_space<vmem>>[vector<16xi32>, vector<16xi32>], vector<16xf32>,
        %add3A_223 = arith.constant 3 : i32
        %add3A_224 = vector.broadcast %add3A_223 : i32 to vector<16xi32>
        %add3A_225 = arith.addi %broadcast_in_dim3A_40, %add3A_224 : vector<16xi32>
        %gather3A_226 = tpu.vector_load_idx %arg8[%add3A_208, %add3A_225] : memref<4096x8xf32, #tpu.memory_space<vmem>>[vector<16xi32>, vector<16xi32>], vector<16xf32>,
        %add3A_227 = arith.constant 4 : i32
        %add3A_228 = vector.broadcast %add3A_227 : i32 to vector<16xi32>
        %add3A_229 = arith.addi %broadcast_in_dim3A_40, %add3A_228 : vector<16xi32>
        %gather3A_230 = tpu.vector_load_idx %arg8[%add3A_208, %add3A_229] : memref<4096x8xf32, #tpu.memory_space<vmem>>[vector<16xi32>, vector<16xi32>], vector<16xf32>,
        %add3A_231 = arith.constant 0 : i32
        %add3A_232 = vector.broadcast %add3A_231 : i32 to vector<16xi32>
        %add3A_233 = arith.addi %broadcast_in_dim3A_40, %add3A_232 : vector<16xi32>
        %gather3A_234 = tpu.vector_load_idx %arg8[%add3A_211, %add3A_233] : memref<4096x8xf32, #tpu.memory_space<vmem>>[vector<16xi32>, vector<16xi32>], vector<16xf32>,
        %add3A_235 = arith.constant 1 : i32
        %add3A_236 = vector.broadcast %add3A_235 : i32 to vector<16xi32>
        %add3A_237 = arith.addi %broadcast_in_dim3A_40, %add3A_236 : vector<16xi32>
        %gather3A_238 = tpu.vector_load_idx %arg8[%add3A_211, %add3A_237] : memref<4096x8xf32, #tpu.memory_space<vmem>>[vector<16xi32>, vector<16xi32>], vector<16xf32>,
        %add3A_239 = arith.constant 2 : i32
        %add3A_240 = vector.broadcast %add3A_239 : i32 to vector<16xi32>
        %add3A_241 = arith.addi %broadcast_in_dim3A_40, %add3A_240 : vector<16xi32>
        %gather3A_242 = tpu.vector_load_idx %arg8[%add3A_211, %add3A_241] : memref<4096x8xf32, #tpu.memory_space<vmem>>[vector<16xi32>, vector<16xi32>], vector<16xf32>,
        %add3A_243 = arith.constant 3 : i32
        %add3A_244 = vector.broadcast %add3A_243 : i32 to vector<16xi32>
        %add3A_245 = arith.addi %broadcast_in_dim3A_40, %add3A_244 : vector<16xi32>
        %gather3A_246 = tpu.vector_load_idx %arg8[%add3A_211, %add3A_245] : memref<4096x8xf32, #tpu.memory_space<vmem>>[vector<16xi32>, vector<16xi32>], vector<16xf32>,
        %add3A_247 = arith.constant 4 : i32
        %add3A_248 = vector.broadcast %add3A_247 : i32 to vector<16xi32>
        %add3A_249 = arith.addi %broadcast_in_dim3A_40, %add3A_248 : vector<16xi32>
        %gather3A_250 = tpu.vector_load_idx %arg8[%add3A_211, %add3A_249] : memref<4096x8xf32, #tpu.memory_space<vmem>>[vector<16xi32>, vector<16xi32>], vector<16xf32>,
        %sub3A_251 = arith.subf %gather3A, %gather3A_234 : vector<16xf32>
        %bitcast3A = vector.bitcast %sub3A_251 : vector<16xf32> to vector<16xi32>
        %add3A_252 = arith.constant 32767 : i32
        %add3A_253 = vector.broadcast %add3A_252 : i32 to vector<16xi32>
        %add3A_254 = arith.addi %bitcast3A, %add3A_253 : vector<16xi32>
        %shift_right_arithmetic3A = arith.constant 16 : i32
        %shift_right_arithmetic3A_255 = vector.broadcast %shift_right_arithmetic3A : i32 to vector<16xi32>
        %shift_right_arithmetic3A_256 = arith.shrsi %bitcast3A, %shift_right_arithmetic3A_255 : vector<16xi32>
        %and3A_257 = arith.constant 1 : i32
        %and3A_258 = vector.broadcast %and3A_257 : i32 to vector<16xi32>
        %and3A_259 = arith.andi %shift_right_arithmetic3A_256, %and3A_258 : vector<16xi32>
        %add3A_260 = arith.addi %add3A_254, %and3A_259 : vector<16xi32>
        %and3A_261 = arith.constant -65536 : i32
        %and3A_262 = vector.broadcast %and3A_261 : i32 to vector<16xi32>
        %and3A_263 = arith.andi %add3A_260, %and3A_262 : vector<16xi32>
        %bitcast3A_264 = vector.bitcast %and3A_263 : vector<16xi32> to vector<16xf32>
        %sub3A_265 = arith.subf %gather3A_218, %gather3A_238 : vector<16xf32>
        %bitcast3A_266 = vector.bitcast %sub3A_265 : vector<16xf32> to vector<16xi32>
        %add3A_267 = arith.constant 32767 : i32
        %add3A_268 = vector.broadcast %add3A_267 : i32 to vector<16xi32>
        %add3A_269 = arith.addi %bitcast3A_266, %add3A_268 : vector<16xi32>
        %shift_right_arithmetic3A_270 = arith.constant 16 : i32
        %shift_right_arithmetic3A_271 = vector.broadcast %shift_right_arithmetic3A_270 : i32 to vector<16xi32>
        %shift_right_arithmetic3A_272 = arith.shrsi %bitcast3A_266, %shift_right_arithmetic3A_271 : vector<16xi32>
        %and3A_273 = arith.constant 1 : i32
        %and3A_274 = vector.broadcast %and3A_273 : i32 to vector<16xi32>
        %and3A_275 = arith.andi %shift_right_arithmetic3A_272, %and3A_274 : vector<16xi32>
        %add3A_276 = arith.addi %add3A_269, %and3A_275 : vector<16xi32>
        %and3A_277 = arith.constant -65536 : i32
        %and3A_278 = vector.broadcast %and3A_277 : i32 to vector<16xi32>
        %and3A_279 = arith.andi %add3A_276, %and3A_278 : vector<16xi32>
        %bitcast3A_280 = vector.bitcast %and3A_279 : vector<16xi32> to vector<16xf32>
        %sub3A_281 = arith.subf %gather3A_222, %gather3A_242 : vector<16xf32>
        %bitcast3A_282 = vector.bitcast %sub3A_281 : vector<16xf32> to vector<16xi32>
        %add3A_283 = arith.constant 32767 : i32
        %add3A_284 = vector.broadcast %add3A_283 : i32 to vector<16xi32>
        %add3A_285 = arith.addi %bitcast3A_282, %add3A_284 : vector<16xi32>
        %shift_right_arithmetic3A_286 = arith.constant 16 : i32
        %shift_right_arithmetic3A_287 = vector.broadcast %shift_right_arithmetic3A_286 : i32 to vector<16xi32>
        %shift_right_arithmetic3A_288 = arith.shrsi %bitcast3A_282, %shift_right_arithmetic3A_287 : vector<16xi32>
        %and3A_289 = arith.constant 1 : i32
        %and3A_290 = vector.broadcast %and3A_289 : i32 to vector<16xi32>
        %and3A_291 = arith.andi %shift_right_arithmetic3A_288, %and3A_290 : vector<16xi32>
        %add3A_292 = arith.addi %add3A_285, %and3A_291 : vector<16xi32>
        %and3A_293 = arith.constant -65536 : i32
        %and3A_294 = vector.broadcast %and3A_293 : i32 to vector<16xi32>
        %and3A_295 = arith.andi %add3A_292, %and3A_294 : vector<16xi32>
        %bitcast3A_296 = vector.bitcast %and3A_295 : vector<16xi32> to vector<16xf32>
        %mul3A_297 = vector.broadcast %squeeze3A : f32 to vector<16xf32>
        %mul3A_298 = arith.mulf %bitcast3A_264, %mul3A_297 : vector<16xf32>
        %mul3A_299 = vector.broadcast %squeeze3A_9 : f32 to vector<16xf32>
        %mul3A_300 = arith.mulf %bitcast3A_280, %mul3A_299 : vector<16xf32>
        %add3A_301 = arith.addf %mul3A_298, %mul3A_300 : vector<16xf32>
        %mul3A_302 = vector.broadcast %squeeze3A_15 : f32 to vector<16xf32>
        %mul3A_303 = arith.mulf %bitcast3A_296, %mul3A_302 : vector<16xf32>
        %add3A_304 = arith.addf %add3A_301, %mul3A_303 : vector<16xf32>
        %mul3A_305 = vector.broadcast %squeeze3A_5 : f32 to vector<16xf32>
        %mul3A_306 = arith.mulf %bitcast3A_264, %mul3A_305 : vector<16xf32>
        %mul3A_307 = vector.broadcast %squeeze3A_11 : f32 to vector<16xf32>
        %mul3A_308 = arith.mulf %bitcast3A_280, %mul3A_307 : vector<16xf32>
        %add3A_309 = arith.addf %mul3A_306, %mul3A_308 : vector<16xf32>
        %mul3A_310 = vector.broadcast %squeeze3A_17 : f32 to vector<16xf32>
        %mul3A_311 = arith.mulf %bitcast3A_296, %mul3A_310 : vector<16xf32>
        %add3A_312 = arith.addf %add3A_309, %mul3A_311 : vector<16xf32>
        %mul3A_313 = vector.broadcast %squeeze3A_7 : f32 to vector<16xf32>
        %mul3A_314 = arith.mulf %bitcast3A_264, %mul3A_313 : vector<16xf32>
        %mul3A_315 = vector.broadcast %squeeze3A_13 : f32 to vector<16xf32>
        %mul3A_316 = arith.mulf %bitcast3A_280, %mul3A_315 : vector<16xf32>
        %add3A_317 = arith.addf %mul3A_314, %mul3A_316 : vector<16xf32>
        %mul3A_318 = vector.broadcast %squeeze3A_19 : f32 to vector<16xf32>
        %mul3A_319 = arith.mulf %bitcast3A_296, %mul3A_318 : vector<16xf32>
        %add3A_320 = arith.addf %add3A_317, %mul3A_319 : vector<16xf32>
        %add3A_321 = arith.constant 5.000000e-01 : f32
        %add3A_322 = vector.broadcast %add3A_321 : f32 to vector<16xf32>
        %add3A_323 = arith.addf %add3A_304, %add3A_322 : vector<16xf32>
        %convert_element_type3A = arith.fptosi %add3A_323 : vector<16xf32> to vector<16xi32>
        %convert_element_type3A_324 = arith.sitofp %convert_element_type3A : vector<16xi32> to vector<16xf32>
        %gt3A = arith.cmpf ogt, %convert_element_type3A_324, %add3A_323 : vector<16xf32>
        %sub3A_325 = arith.constant 1.000000e+00 : f32
        %sub3A_326 = vector.broadcast %sub3A_325 : f32 to vector<16xf32>
        %sub3A_327 = arith.subf %convert_element_type3A_324, %sub3A_326 : vector<16xf32>
        %select_n3A_328 = arith.select %gt3A, %sub3A_327, %convert_element_type3A_324 : vector<16xi1>, vector<16xf32>
        %sub3A_329 = arith.subf %add3A_304, %select_n3A_328 : vector<16xf32>
        %bitcast3A_330 = vector.bitcast %sub3A_329 : vector<16xf32> to vector<16xi32>
        %add3A_331 = arith.constant 32767 : i32
        %add3A_332 = vector.broadcast %add3A_331 : i32 to vector<16xi32>
        %add3A_333 = arith.addi %bitcast3A_330, %add3A_332 : vector<16xi32>
        %shift_right_arithmetic3A_334 = arith.constant 16 : i32
        %shift_right_arithmetic3A_335 = vector.broadcast %shift_right_arithmetic3A_334 : i32 to vector<16xi32>
        %shift_right_arithmetic3A_336 = arith.shrsi %bitcast3A_330, %shift_right_arithmetic3A_335 : vector<16xi32>
        %and3A_337 = arith.constant 1 : i32
        %and3A_338 = vector.broadcast %and3A_337 : i32 to vector<16xi32>
        %and3A_339 = arith.andi %shift_right_arithmetic3A_336, %and3A_338 : vector<16xi32>
        %add3A_340 = arith.addi %add3A_333, %and3A_339 : vector<16xi32>
        %and3A_341 = arith.constant -65536 : i32
        %and3A_342 = vector.broadcast %and3A_341 : i32 to vector<16xi32>
        %and3A_343 = arith.andi %add3A_340, %and3A_342 : vector<16xi32>
        %bitcast3A_344 = vector.bitcast %and3A_343 : vector<16xi32> to vector<16xf32>
        %add3A_345 = arith.constant 5.000000e-01 : f32
        %add3A_346 = vector.broadcast %add3A_345 : f32 to vector<16xf32>
        %add3A_347 = arith.addf %add3A_312, %add3A_346 : vector<16xf32>
        %convert_element_type3A_348 = arith.fptosi %add3A_347 : vector<16xf32> to vector<16xi32>
        %convert_element_type3A_349 = arith.sitofp %convert_element_type3A_348 : vector<16xi32> to vector<16xf32>
        %gt3A_350 = arith.cmpf ogt, %convert_element_type3A_349, %add3A_347 : vector<16xf32>
        %sub3A_351 = arith.constant 1.000000e+00 : f32
        %sub3A_352 = vector.broadcast %sub3A_351 : f32 to vector<16xf32>
        %sub3A_353 = arith.subf %convert_element_type3A_349, %sub3A_352 : vector<16xf32>
        %select_n3A_354 = arith.select %gt3A_350, %sub3A_353, %convert_element_type3A_349 : vector<16xi1>, vector<16xf32>
        %sub3A_355 = arith.subf %add3A_312, %select_n3A_354 : vector<16xf32>
        %bitcast3A_356 = vector.bitcast %sub3A_355 : vector<16xf32> to vector<16xi32>
        %add3A_357 = arith.constant 32767 : i32
        %add3A_358 = vector.broadcast %add3A_357 : i32 to vector<16xi32>
        %add3A_359 = arith.addi %bitcast3A_356, %add3A_358 : vector<16xi32>
        %shift_right_arithmetic3A_360 = arith.constant 16 : i32
        %shift_right_arithmetic3A_361 = vector.broadcast %shift_right_arithmetic3A_360 : i32 to vector<16xi32>
        %shift_right_arithmetic3A_362 = arith.shrsi %bitcast3A_356, %shift_right_arithmetic3A_361 : vector<16xi32>
        %and3A_363 = arith.constant 1 : i32
        %and3A_364 = vector.broadcast %and3A_363 : i32 to vector<16xi32>
        %and3A_365 = arith.andi %shift_right_arithmetic3A_362, %and3A_364 : vector<16xi32>
        %add3A_366 = arith.addi %add3A_359, %and3A_365 : vector<16xi32>
        %and3A_367 = arith.constant -65536 : i32
        %and3A_368 = vector.broadcast %and3A_367 : i32 to vector<16xi32>
        %and3A_369 = arith.andi %add3A_366, %and3A_368 : vector<16xi32>
        %bitcast3A_370 = vector.bitcast %and3A_369 : vector<16xi32> to vector<16xf32>
        %add3A_371 = arith.constant 5.000000e-01 : f32
        %add3A_372 = vector.broadcast %add3A_371 : f32 to vector<16xf32>
        %add3A_373 = arith.addf %add3A_320, %add3A_372 : vector<16xf32>
        %convert_element_type3A_374 = arith.fptosi %add3A_373 : vector<16xf32> to vector<16xi32>
        %convert_element_type3A_375 = arith.sitofp %convert_element_type3A_374 : vector<16xi32> to vector<16xf32>
        %gt3A_376 = arith.cmpf ogt, %convert_element_type3A_375, %add3A_373 : vector<16xf32>
        %sub3A_377 = arith.constant 1.000000e+00 : f32
        %sub3A_378 = vector.broadcast %sub3A_377 : f32 to vector<16xf32>
        %sub3A_379 = arith.subf %convert_element_type3A_375, %sub3A_378 : vector<16xf32>
        %select_n3A_380 = arith.select %gt3A_376, %sub3A_379, %convert_element_type3A_375 : vector<16xi1>, vector<16xf32>
        %sub3A_381 = arith.subf %add3A_320, %select_n3A_380 : vector<16xf32>
        %bitcast3A_382 = vector.bitcast %sub3A_381 : vector<16xf32> to vector<16xi32>
        %add3A_383 = arith.constant 32767 : i32
        %add3A_384 = vector.broadcast %add3A_383 : i32 to vector<16xi32>
        %add3A_385 = arith.addi %bitcast3A_382, %add3A_384 : vector<16xi32>
        %shift_right_arithmetic3A_386 = arith.constant 16 : i32
        %shift_right_arithmetic3A_387 = vector.broadcast %shift_right_arithmetic3A_386 : i32 to vector<16xi32>
        %shift_right_arithmetic3A_388 = arith.shrsi %bitcast3A_382, %shift_right_arithmetic3A_387 : vector<16xi32>
        %and3A_389 = arith.constant 1 : i32
        %and3A_390 = vector.broadcast %and3A_389 : i32 to vector<16xi32>
        %and3A_391 = arith.andi %shift_right_arithmetic3A_388, %and3A_390 : vector<16xi32>
        %add3A_392 = arith.addi %add3A_385, %and3A_391 : vector<16xi32>
        %and3A_393 = arith.constant -65536 : i32
        %and3A_394 = vector.broadcast %and3A_393 : i32 to vector<16xi32>
        %and3A_395 = arith.andi %add3A_392, %and3A_394 : vector<16xi32>
        %bitcast3A_396 = vector.bitcast %and3A_395 : vector<16xi32> to vector<16xf32>
        %mul3A_397 = vector.broadcast %squeeze3A_21 : f32 to vector<16xf32>
        %mul3A_398 = arith.mulf %bitcast3A_344, %mul3A_397 : vector<16xf32>
        %mul3A_399 = vector.broadcast %squeeze3A_27 : f32 to vector<16xf32>
        %mul3A_400 = arith.mulf %bitcast3A_370, %mul3A_399 : vector<16xf32>
        %add3A_401 = arith.addf %mul3A_398, %mul3A_400 : vector<16xf32>
        %mul3A_402 = vector.broadcast %squeeze3A_33 : f32 to vector<16xf32>
        %mul3A_403 = arith.mulf %bitcast3A_396, %mul3A_402 : vector<16xf32>
        %add3A_404 = arith.addf %add3A_401, %mul3A_403 : vector<16xf32>
        %mul3A_405 = vector.broadcast %squeeze3A_23 : f32 to vector<16xf32>
        %mul3A_406 = arith.mulf %bitcast3A_344, %mul3A_405 : vector<16xf32>
        %mul3A_407 = vector.broadcast %squeeze3A_29 : f32 to vector<16xf32>
        %mul3A_408 = arith.mulf %bitcast3A_370, %mul3A_407 : vector<16xf32>
        %add3A_409 = arith.addf %mul3A_406, %mul3A_408 : vector<16xf32>
        %mul3A_410 = vector.broadcast %squeeze3A_35 : f32 to vector<16xf32>
        %mul3A_411 = arith.mulf %bitcast3A_396, %mul3A_410 : vector<16xf32>
        %add3A_412 = arith.addf %add3A_409, %mul3A_411 : vector<16xf32>
        %mul3A_413 = vector.broadcast %squeeze3A_25 : f32 to vector<16xf32>
        %mul3A_414 = arith.mulf %bitcast3A_344, %mul3A_413 : vector<16xf32>
        %mul3A_415 = vector.broadcast %squeeze3A_31 : f32 to vector<16xf32>
        %mul3A_416 = arith.mulf %bitcast3A_370, %mul3A_415 : vector<16xf32>
        %add3A_417 = arith.addf %mul3A_414, %mul3A_416 : vector<16xf32>
        %mul3A_418 = vector.broadcast %squeeze3A_37 : f32 to vector<16xf32>
        %mul3A_419 = arith.mulf %bitcast3A_396, %mul3A_418 : vector<16xf32>
        %add3A_420 = arith.addf %add3A_417, %mul3A_419 : vector<16xf32>
        %mul3A_421 = arith.mulf %add3A_404, %add3A_404 : vector<16xf32>
        %mul3A_422 = arith.mulf %add3A_412, %add3A_412 : vector<16xf32>
        %add3A_423 = arith.addf %mul3A_421, %mul3A_422 : vector<16xf32>
        %mul3A_424 = arith.mulf %add3A_420, %add3A_420 : vector<16xf32>
        %add3A_425 = arith.addf %add3A_423, %mul3A_424 : vector<16xf32>
        %add3A_426 = arith.addf %gather3A_226, %gather3A_246 : vector<16xf32>
        %mul3A_427 = arith.constant 5.000000e-01 : f32
        %mul3A_428 = vector.broadcast %mul3A_427 : f32 to vector<16xf32>
        %mul3A_429 = arith.mulf %add3A_426, %mul3A_428 : vector<16xf32>
        %div3A_430 = arith.constant 1.000000e+00 : f32
        %div3A_431 = vector.broadcast %div3A_430 : f32 to vector<16xf32>
        %div3A_432 = arith.divf %div3A_431, %add3A_425 : vector<16xf32>
        %mul3A_433 = arith.mulf %add3A_425, %div3A_432 : vector<16xf32>
        %sub3A_434 = arith.constant 2.000000e+00 : f32
        %sub3A_435 = vector.broadcast %sub3A_434 : f32 to vector<16xf32>
        %sub3A_436 = arith.subf %sub3A_435, %mul3A_433 : vector<16xf32>
        %mul3A_437 = arith.mulf %div3A_432, %sub3A_436 : vector<16xf32>
        %mul3A_438 = arith.mulf %add3A_425, %mul3A_437 : vector<16xf32>
        %sub3A_439 = arith.constant 2.000000e+00 : f32
        %sub3A_440 = vector.broadcast %sub3A_439 : f32 to vector<16xf32>
        %sub3A_441 = arith.subf %sub3A_440, %mul3A_438 : vector<16xf32>
        %mul3A_442 = arith.mulf %mul3A_437, %sub3A_441 : vector<16xf32>
        %mul3A_443 = arith.mulf %mul3A_429, %mul3A_429 : vector<16xf32>
        %mul3A_444 = arith.mulf %mul3A_443, %mul3A_442 : vector<16xf32>
        %mul3A_445 = arith.mulf %mul3A_444, %mul3A_444 : vector<16xf32>
        %mul3A_446 = arith.mulf %mul3A_445, %mul3A_444 : vector<16xf32>
        %mul3A_447 = arith.mulf %gather3A_230, %gather3A_250 : vector<16xf32>
        %mul3A_448 = arith.constant 4.000000e+00 : f32
        %mul3A_449 = vector.broadcast %mul3A_448 : f32 to vector<16xf32>
        %mul3A_450 = arith.mulf %mul3A_449, %mul3A_447 : vector<16xf32>
        %sub3A_451 = arith.constant 1.000000e+00 : f32
        %sub3A_452 = vector.broadcast %sub3A_451 : f32 to vector<16xf32>
        %sub3A_453 = arith.subf %mul3A_446, %sub3A_452 : vector<16xf32>
        %mul3A_454 = arith.mulf %mul3A_446, %sub3A_453 : vector<16xf32>
        %mul3A_455 = arith.mulf %mul3A_450, %mul3A_454 : vector<16xf32>
        %le3A = vector.broadcast %squeeze3A_39 : f32 to vector<16xf32>
        %le3A_456 = arith.cmpf ole, %add3A_425, %le3A : vector<16xf32>
        %jit3A_457 = arith.constant 0.000000e+00 : f32
        %broadcast_in_dim3A_458 = vector.broadcast %jit3A_457 : f32 to vector<16xf32>
        %select_n3A_459 = arith.select %le3A_456, %mul3A_455, %broadcast_in_dim3A_458 : vector<16xi1>, vector<16xf32>
        %add3A_460 = arith.addf %scan3A_180, %select_n3A_459 : vector<16xf32>
        scf.yield %add3A_460 : vector<16xf32>
      }
      %scan3A_128 = arith.constant 128 : i32
      %add3A_129 = arith.addf %scan3A_110, %scan3A_127 : vector<16xf32>
      %mul3A_130 = arith.constant 2 : i32
      %mul3A_131 = arith.muli %mul3A_130, %scan3A_109 : i32
      %add3A_132 = arith.constant 2 : i32
      %add3A_133 = arith.addi %mul3A_131, %add3A_132 : i32
      %mul3A_134 = arith.constant 32 : i32
      %mul3A_135 = arith.muli %add3A_133, %mul3A_134 : i32
      %add3A_136 = arith.addi %mul3A_135, %add3A : i32
      %lt3A_137 = arith.constant 3125 : i32
      %lt3A_138 = arith.cmpi slt, %add3A_136, %lt3A_137 : i32
      %jit3A_139 = arith.constant 0 : i32
      %select_n3A_140 = arith.select %lt3A_138, %add3A_136, %jit3A_139 : i32
      %mul3A_141 = arith.constant 4096 : i32
      %mul3A_142 = arith.muli %select_n3A_140, %mul3A_141 : i32
      %dma_start3A_143 = tpu.memref_slice %arg2[%mul3A_142] : memref<12800000xi32, #tpu.memory_space<hbm>> -> memref<4096xi32, #tpu.memory_space<hbm>>
      %dma_start3A_144 = tpu.memref_slice %arg2[%mul3A_142] : memref<12800000xi32, #tpu.memory_space<hbm>> -> memref<4096xi32, #tpu.memory_space<hbm>>
      tpu.enqueue_dma source(%dma_start3A_144 : memref<4096xi32, #tpu.memory_space<hbm>>) target(%arg6 : memref<4096xi32, #tpu.memory_space<vmem>>) target_semaphore(%arg12 : memref<!tpu.dma_semaphore, #tpu.memory_space<semaphore_mem>>)
      %dma_wait3A_145 = arith.constant 0 : i32
      %dma_wait3A_146 = tpu.memref_slice %arg2[%dma_wait3A_145] : memref<12800000xi32, #tpu.memory_space<hbm>> -> memref<4096xi32, #tpu.memory_space<hbm>>
      %dma_wait3A_147 = arith.constant 0 : i32
      %dma_wait3A_148 = tpu.memref_slice %arg2[%dma_wait3A_147] : memref<12800000xi32, #tpu.memory_space<hbm>> -> memref<4096xi32, #tpu.memory_space<hbm>>
      tpu.wait_dma2 semaphore(%arg12 : memref<!tpu.dma_semaphore, #tpu.memory_space<semaphore_mem>>) src(%dma_wait3A_148 : memref<4096xi32, #tpu.memory_space<hbm>>) dst(%arg6 : memref<4096xi32, #tpu.memory_space<vmem>>)
      %dma_start3A_149 = arith.constant 0 : i32
      %dma_start3A_150 = arith.constant 0 : i32
      %dma_start3A_151 = tpu.memref_slice %arg3[%dma_start3A_149, %dma_start3A_150] : memref<100000x8xf32, #tpu.memory_space<hbm>> -> memref<100000x8xf32, #tpu.memory_space<hbm>>
      tpu.enqueue_indirect_dma source(%dma_start3A_151 : memref<100000x8xf32, #tpu.memory_space<hbm>>) target(%arg8 : memref<4096x8xf32, #tpu.memory_space<vmem>>) offsets(%arg6 : memref<4096xi32, #tpu.memory_space<vmem>>) semaphore(%arg14 : memref<!tpu.dma_semaphore, #tpu.memory_space<semaphore_mem>>)
      %dma_wait3A_152 = arith.constant 0 : i32
      %dma_wait3A_153 = arith.constant 0 : i32
      %dma_wait3A_154 = tpu.memref_slice %arg3[%dma_wait3A_152, %dma_wait3A_153] : memref<100000x8xf32, #tpu.memory_space<hbm>> -> memref<100000x8xf32, #tpu.memory_space<hbm>>
      tpu.wait_indirect_dma semaphore(%arg15 : memref<!tpu.dma_semaphore, #tpu.memory_space<semaphore_mem>>) src(%dma_wait3A_154 : memref<100000x8xf32, #tpu.memory_space<hbm>>) dst(%arg9 : memref<4096x8xf32, #tpu.memory_space<vmem>>)
      %broadcast_in_dim3A_155 = arith.constant 0.000000e+00 : f32
      %broadcast_in_dim3A_156 = vector.broadcast %broadcast_in_dim3A_155 : f32 to vector<16xf32>
      %scan3A_157 = arith.constant 0 : i32
      %scan3A_158 = arith.constant 128 : i32
      %scan3A_159 = arith.addi %scan3A_157, %scan3A_158 : i32
      %scan3A_160 = arith.constant 1 : i32
      %scan3A_161 = scf.for %scan3A_179 = %scan3A_157 to %scan3A_159 step %scan3A_160 iter_args(%scan3A_180 = %broadcast_in_dim3A_156) -> (vector<16xf32>)  : i32 {
        %jit3A_181 = arith.constant 8 : i32
        %div3A = arith.divsi %scan3A_179, %jit3A_181 : i32
        %sign3A = arith.constant 0 : i32
        %sign3A_182 = arith.cmpi sgt, %scan3A_179, %sign3A : i32
        %sign3A_183 = arith.extui %sign3A_182 : i1 to i32
        %sign3A_184 = arith.constant 0 : i32
        %sign3A_185 = arith.cmpi slt, %scan3A_179, %sign3A_184 : i32
        %sign3A_186 = arith.extui %sign3A_185 : i1 to i32
        %sign3A_187 = arith.subi %sign3A_183, %sign3A_186 : i32
        %sign3A_188 = arith.constant 0 : i32
        %sign3A_189 = arith.cmpi sgt, %jit3A_181, %sign3A_188 : i32
        %sign3A_190 = arith.extui %sign3A_189 : i1 to i32
        %sign3A_191 = arith.constant 0 : i32
        %sign3A_192 = arith.cmpi slt, %jit3A_181, %sign3A_191 : i32
        %sign3A_193 = arith.extui %sign3A_192 : i1 to i32
        %sign3A_194 = arith.subi %sign3A_190, %sign3A_193 : i32
        %ne3A = arith.cmpi ne, %sign3A_187, %sign3A_194 : i32
        %rem3A = arith.remsi %scan3A_179, %jit3A_181 : i32
        %ne3A_195 = arith.constant 0 : i32
        %ne3A_196 = arith.cmpi ne, %rem3A, %ne3A_195 : i32
        %and3A = arith.andi %ne3A, %ne3A_196 : i1
        %sub3A = arith.constant 1 : i32
        %sub3A_197 = arith.subi %div3A, %sub3A : i32
        %select_n3A_198 = arith.select %and3A, %sub3A_197, %div3A : i32
        %mul3A_199 = arith.constant 8 : i32
        %mul3A_200 = arith.muli %select_n3A_198, %mul3A_199 : i32
        %sub3A_201 = arith.subi %scan3A_179, %mul3A_200 : i32
        %mul3A_202 = arith.constant 256 : i32
        %mul3A_203 = arith.muli %select_n3A_198, %mul3A_202 : i32
        %mul3A_204 = arith.constant 16 : i32
        %mul3A_205 = arith.muli %sub3A_201, %mul3A_204 : i32
        %add3A_206 = arith.addi %mul3A_203, %mul3A_205 : i32
        %add3A_207 = vector.broadcast %add3A_206 : i32 to vector<16xi32>
        %add3A_208 = arith.addi %add3A_207, %iota3A : vector<16xi32>
        %add3A_209 = arith.constant 128 : i32
        %add3A_210 = vector.broadcast %add3A_209 : i32 to vector<16xi32>
        %add3A_211 = arith.addi %add3A_208, %add3A_210 : vector<16xi32>
        %add3A_212 = arith.constant 0 : i32
        %add3A_213 = vector.broadcast %add3A_212 : i32 to vector<16xi32>
        %add3A_214 = arith.addi %broadcast_in_dim3A_40, %add3A_213 : vector<16xi32>
        %gather3A = tpu.vector_load_idx %arg9[%add3A_208, %add3A_214] : memref<4096x8xf32, #tpu.memory_space<vmem>>[vector<16xi32>, vector<16xi32>], vector<16xf32>,
        %add3A_215 = arith.constant 1 : i32
        %add3A_216 = vector.broadcast %add3A_215 : i32 to vector<16xi32>
        %add3A_217 = arith.addi %broadcast_in_dim3A_40, %add3A_216 : vector<16xi32>
        %gather3A_218 = tpu.vector_load_idx %arg9[%add3A_208, %add3A_217] : memref<4096x8xf32, #tpu.memory_space<vmem>>[vector<16xi32>, vector<16xi32>], vector<16xf32>,
        %add3A_219 = arith.constant 2 : i32
        %add3A_220 = vector.broadcast %add3A_219 : i32 to vector<16xi32>
        %add3A_221 = arith.addi %broadcast_in_dim3A_40, %add3A_220 : vector<16xi32>
        %gather3A_222 = tpu.vector_load_idx %arg9[%add3A_208, %add3A_221] : memref<4096x8xf32, #tpu.memory_space<vmem>>[vector<16xi32>, vector<16xi32>], vector<16xf32>,
        %add3A_223 = arith.constant 3 : i32
        %add3A_224 = vector.broadcast %add3A_223 : i32 to vector<16xi32>
        %add3A_225 = arith.addi %broadcast_in_dim3A_40, %add3A_224 : vector<16xi32>
        %gather3A_226 = tpu.vector_load_idx %arg9[%add3A_208, %add3A_225] : memref<4096x8xf32, #tpu.memory_space<vmem>>[vector<16xi32>, vector<16xi32>], vector<16xf32>,
        %add3A_227 = arith.constant 4 : i32
        %add3A_228 = vector.broadcast %add3A_227 : i32 to vector<16xi32>
        %add3A_229 = arith.addi %broadcast_in_dim3A_40, %add3A_228 : vector<16xi32>
        %gather3A_230 = tpu.vector_load_idx %arg9[%add3A_208, %add3A_229] : memref<4096x8xf32, #tpu.memory_space<vmem>>[vector<16xi32>, vector<16xi32>], vector<16xf32>,
        %add3A_231 = arith.constant 0 : i32
        %add3A_232 = vector.broadcast %add3A_231 : i32 to vector<16xi32>
        %add3A_233 = arith.addi %broadcast_in_dim3A_40, %add3A_232 : vector<16xi32>
        %gather3A_234 = tpu.vector_load_idx %arg9[%add3A_211, %add3A_233] : memref<4096x8xf32, #tpu.memory_space<vmem>>[vector<16xi32>, vector<16xi32>], vector<16xf32>,
        %add3A_235 = arith.constant 1 : i32
        %add3A_236 = vector.broadcast %add3A_235 : i32 to vector<16xi32>
        %add3A_237 = arith.addi %broadcast_in_dim3A_40, %add3A_236 : vector<16xi32>
        %gather3A_238 = tpu.vector_load_idx %arg9[%add3A_211, %add3A_237] : memref<4096x8xf32, #tpu.memory_space<vmem>>[vector<16xi32>, vector<16xi32>], vector<16xf32>,
        %add3A_239 = arith.constant 2 : i32
        %add3A_240 = vector.broadcast %add3A_239 : i32 to vector<16xi32>
        %add3A_241 = arith.addi %broadcast_in_dim3A_40, %add3A_240 : vector<16xi32>
        %gather3A_242 = tpu.vector_load_idx %arg9[%add3A_211, %add3A_241] : memref<4096x8xf32, #tpu.memory_space<vmem>>[vector<16xi32>, vector<16xi32>], vector<16xf32>,
        %add3A_243 = arith.constant 3 : i32
        %add3A_244 = vector.broadcast %add3A_243 : i32 to vector<16xi32>
        %add3A_245 = arith.addi %broadcast_in_dim3A_40, %add3A_244 : vector<16xi32>
        %gather3A_246 = tpu.vector_load_idx %arg9[%add3A_211, %add3A_245] : memref<4096x8xf32, #tpu.memory_space<vmem>>[vector<16xi32>, vector<16xi32>], vector<16xf32>,
        %add3A_247 = arith.constant 4 : i32
        %add3A_248 = vector.broadcast %add3A_247 : i32 to vector<16xi32>
        %add3A_249 = arith.addi %broadcast_in_dim3A_40, %add3A_248 : vector<16xi32>
        %gather3A_250 = tpu.vector_load_idx %arg9[%add3A_211, %add3A_249] : memref<4096x8xf32, #tpu.memory_space<vmem>>[vector<16xi32>, vector<16xi32>], vector<16xf32>,
        %sub3A_251 = arith.subf %gather3A, %gather3A_234 : vector<16xf32>
        %bitcast3A = vector.bitcast %sub3A_251 : vector<16xf32> to vector<16xi32>
        %add3A_252 = arith.constant 32767 : i32
        %add3A_253 = vector.broadcast %add3A_252 : i32 to vector<16xi32>
        %add3A_254 = arith.addi %bitcast3A, %add3A_253 : vector<16xi32>
        %shift_right_arithmetic3A = arith.constant 16 : i32
        %shift_right_arithmetic3A_255 = vector.broadcast %shift_right_arithmetic3A : i32 to vector<16xi32>
        %shift_right_arithmetic3A_256 = arith.shrsi %bitcast3A, %shift_right_arithmetic3A_255 : vector<16xi32>
        %and3A_257 = arith.constant 1 : i32
        %and3A_258 = vector.broadcast %and3A_257 : i32 to vector<16xi32>
        %and3A_259 = arith.andi %shift_right_arithmetic3A_256, %and3A_258 : vector<16xi32>
        %add3A_260 = arith.addi %add3A_254, %and3A_259 : vector<16xi32>
        %and3A_261 = arith.constant -65536 : i32
        %and3A_262 = vector.broadcast %and3A_261 : i32 to vector<16xi32>
        %and3A_263 = arith.andi %add3A_260, %and3A_262 : vector<16xi32>
        %bitcast3A_264 = vector.bitcast %and3A_263 : vector<16xi32> to vector<16xf32>
        %sub3A_265 = arith.subf %gather3A_218, %gather3A_238 : vector<16xf32>
        %bitcast3A_266 = vector.bitcast %sub3A_265 : vector<16xf32> to vector<16xi32>
        %add3A_267 = arith.constant 32767 : i32
        %add3A_268 = vector.broadcast %add3A_267 : i32 to vector<16xi32>
        %add3A_269 = arith.addi %bitcast3A_266, %add3A_268 : vector<16xi32>
        %shift_right_arithmetic3A_270 = arith.constant 16 : i32
        %shift_right_arithmetic3A_271 = vector.broadcast %shift_right_arithmetic3A_270 : i32 to vector<16xi32>
        %shift_right_arithmetic3A_272 = arith.shrsi %bitcast3A_266, %shift_right_arithmetic3A_271 : vector<16xi32>
        %and3A_273 = arith.constant 1 : i32
        %and3A_274 = vector.broadcast %and3A_273 : i32 to vector<16xi32>
        %and3A_275 = arith.andi %shift_right_arithmetic3A_272, %and3A_274 : vector<16xi32>
        %add3A_276 = arith.addi %add3A_269, %and3A_275 : vector<16xi32>
        %and3A_277 = arith.constant -65536 : i32
        %and3A_278 = vector.broadcast %and3A_277 : i32 to vector<16xi32>
        %and3A_279 = arith.andi %add3A_276, %and3A_278 : vector<16xi32>
        %bitcast3A_280 = vector.bitcast %and3A_279 : vector<16xi32> to vector<16xf32>
        %sub3A_281 = arith.subf %gather3A_222, %gather3A_242 : vector<16xf32>
        %bitcast3A_282 = vector.bitcast %sub3A_281 : vector<16xf32> to vector<16xi32>
        %add3A_283 = arith.constant 32767 : i32
        %add3A_284 = vector.broadcast %add3A_283 : i32 to vector<16xi32>
        %add3A_285 = arith.addi %bitcast3A_282, %add3A_284 : vector<16xi32>
        %shift_right_arithmetic3A_286 = arith.constant 16 : i32
        %shift_right_arithmetic3A_287 = vector.broadcast %shift_right_arithmetic3A_286 : i32 to vector<16xi32>
        %shift_right_arithmetic3A_288 = arith.shrsi %bitcast3A_282, %shift_right_arithmetic3A_287 : vector<16xi32>
        %and3A_289 = arith.constant 1 : i32
        %and3A_290 = vector.broadcast %and3A_289 : i32 to vector<16xi32>
        %and3A_291 = arith.andi %shift_right_arithmetic3A_288, %and3A_290 : vector<16xi32>
        %add3A_292 = arith.addi %add3A_285, %and3A_291 : vector<16xi32>
        %and3A_293 = arith.constant -65536 : i32
        %and3A_294 = vector.broadcast %and3A_293 : i32 to vector<16xi32>
        %and3A_295 = arith.andi %add3A_292, %and3A_294 : vector<16xi32>
        %bitcast3A_296 = vector.bitcast %and3A_295 : vector<16xi32> to vector<16xf32>
        %mul3A_297 = vector.broadcast %squeeze3A : f32 to vector<16xf32>
        %mul3A_298 = arith.mulf %bitcast3A_264, %mul3A_297 : vector<16xf32>
        %mul3A_299 = vector.broadcast %squeeze3A_9 : f32 to vector<16xf32>
        %mul3A_300 = arith.mulf %bitcast3A_280, %mul3A_299 : vector<16xf32>
        %add3A_301 = arith.addf %mul3A_298, %mul3A_300 : vector<16xf32>
        %mul3A_302 = vector.broadcast %squeeze3A_15 : f32 to vector<16xf32>
        %mul3A_303 = arith.mulf %bitcast3A_296, %mul3A_302 : vector<16xf32>
        %add3A_304 = arith.addf %add3A_301, %mul3A_303 : vector<16xf32>
        %mul3A_305 = vector.broadcast %squeeze3A_5 : f32 to vector<16xf32>
        %mul3A_306 = arith.mulf %bitcast3A_264, %mul3A_305 : vector<16xf32>
        %mul3A_307 = vector.broadcast %squeeze3A_11 : f32 to vector<16xf32>
        %mul3A_308 = arith.mulf %bitcast3A_280, %mul3A_307 : vector<16xf32>
        %add3A_309 = arith.addf %mul3A_306, %mul3A_308 : vector<16xf32>
        %mul3A_310 = vector.broadcast %squeeze3A_17 : f32 to vector<16xf32>
        %mul3A_311 = arith.mulf %bitcast3A_296, %mul3A_310 : vector<16xf32>
        %add3A_312 = arith.addf %add3A_309, %mul3A_311 : vector<16xf32>
        %mul3A_313 = vector.broadcast %squeeze3A_7 : f32 to vector<16xf32>
        %mul3A_314 = arith.mulf %bitcast3A_264, %mul3A_313 : vector<16xf32>
        %mul3A_315 = vector.broadcast %squeeze3A_13 : f32 to vector<16xf32>
        %mul3A_316 = arith.mulf %bitcast3A_280, %mul3A_315 : vector<16xf32>
        %add3A_317 = arith.addf %mul3A_314, %mul3A_316 : vector<16xf32>
        %mul3A_318 = vector.broadcast %squeeze3A_19 : f32 to vector<16xf32>
        %mul3A_319 = arith.mulf %bitcast3A_296, %mul3A_318 : vector<16xf32>
        %add3A_320 = arith.addf %add3A_317, %mul3A_319 : vector<16xf32>
        %add3A_321 = arith.constant 5.000000e-01 : f32
        %add3A_322 = vector.broadcast %add3A_321 : f32 to vector<16xf32>
        %add3A_323 = arith.addf %add3A_304, %add3A_322 : vector<16xf32>
        %convert_element_type3A = arith.fptosi %add3A_323 : vector<16xf32> to vector<16xi32>
        %convert_element_type3A_324 = arith.sitofp %convert_element_type3A : vector<16xi32> to vector<16xf32>
        %gt3A = arith.cmpf ogt, %convert_element_type3A_324, %add3A_323 : vector<16xf32>
        %sub3A_325 = arith.constant 1.000000e+00 : f32
        %sub3A_326 = vector.broadcast %sub3A_325 : f32 to vector<16xf32>
        %sub3A_327 = arith.subf %convert_element_type3A_324, %sub3A_326 : vector<16xf32>
        %select_n3A_328 = arith.select %gt3A, %sub3A_327, %convert_element_type3A_324 : vector<16xi1>, vector<16xf32>
        %sub3A_329 = arith.subf %add3A_304, %select_n3A_328 : vector<16xf32>
        %bitcast3A_330 = vector.bitcast %sub3A_329 : vector<16xf32> to vector<16xi32>
        %add3A_331 = arith.constant 32767 : i32
        %add3A_332 = vector.broadcast %add3A_331 : i32 to vector<16xi32>
        %add3A_333 = arith.addi %bitcast3A_330, %add3A_332 : vector<16xi32>
        %shift_right_arithmetic3A_334 = arith.constant 16 : i32
        %shift_right_arithmetic3A_335 = vector.broadcast %shift_right_arithmetic3A_334 : i32 to vector<16xi32>
        %shift_right_arithmetic3A_336 = arith.shrsi %bitcast3A_330, %shift_right_arithmetic3A_335 : vector<16xi32>
        %and3A_337 = arith.constant 1 : i32
        %and3A_338 = vector.broadcast %and3A_337 : i32 to vector<16xi32>
        %and3A_339 = arith.andi %shift_right_arithmetic3A_336, %and3A_338 : vector<16xi32>
        %add3A_340 = arith.addi %add3A_333, %and3A_339 : vector<16xi32>
        %and3A_341 = arith.constant -65536 : i32
        %and3A_342 = vector.broadcast %and3A_341 : i32 to vector<16xi32>
        %and3A_343 = arith.andi %add3A_340, %and3A_342 : vector<16xi32>
        %bitcast3A_344 = vector.bitcast %and3A_343 : vector<16xi32> to vector<16xf32>
        %add3A_345 = arith.constant 5.000000e-01 : f32
        %add3A_346 = vector.broadcast %add3A_345 : f32 to vector<16xf32>
        %add3A_347 = arith.addf %add3A_312, %add3A_346 : vector<16xf32>
        %convert_element_type3A_348 = arith.fptosi %add3A_347 : vector<16xf32> to vector<16xi32>
        %convert_element_type3A_349 = arith.sitofp %convert_element_type3A_348 : vector<16xi32> to vector<16xf32>
        %gt3A_350 = arith.cmpf ogt, %convert_element_type3A_349, %add3A_347 : vector<16xf32>
        %sub3A_351 = arith.constant 1.000000e+00 : f32
        %sub3A_352 = vector.broadcast %sub3A_351 : f32 to vector<16xf32>
        %sub3A_353 = arith.subf %convert_element_type3A_349, %sub3A_352 : vector<16xf32>
        %select_n3A_354 = arith.select %gt3A_350, %sub3A_353, %convert_element_type3A_349 : vector<16xi1>, vector<16xf32>
        %sub3A_355 = arith.subf %add3A_312, %select_n3A_354 : vector<16xf32>
        %bitcast3A_356 = vector.bitcast %sub3A_355 : vector<16xf32> to vector<16xi32>
        %add3A_357 = arith.constant 32767 : i32
        %add3A_358 = vector.broadcast %add3A_357 : i32 to vector<16xi32>
        %add3A_359 = arith.addi %bitcast3A_356, %add3A_358 : vector<16xi32>
        %shift_right_arithmetic3A_360 = arith.constant 16 : i32
        %shift_right_arithmetic3A_361 = vector.broadcast %shift_right_arithmetic3A_360 : i32 to vector<16xi32>
        %shift_right_arithmetic3A_362 = arith.shrsi %bitcast3A_356, %shift_right_arithmetic3A_361 : vector<16xi32>
        %and3A_363 = arith.constant 1 : i32
        %and3A_364 = vector.broadcast %and3A_363 : i32 to vector<16xi32>
        %and3A_365 = arith.andi %shift_right_arithmetic3A_362, %and3A_364 : vector<16xi32>
        %add3A_366 = arith.addi %add3A_359, %and3A_365 : vector<16xi32>
        %and3A_367 = arith.constant -65536 : i32
        %and3A_368 = vector.broadcast %and3A_367 : i32 to vector<16xi32>
        %and3A_369 = arith.andi %add3A_366, %and3A_368 : vector<16xi32>
        %bitcast3A_370 = vector.bitcast %and3A_369 : vector<16xi32> to vector<16xf32>
        %add3A_371 = arith.constant 5.000000e-01 : f32
        %add3A_372 = vector.broadcast %add3A_371 : f32 to vector<16xf32>
        %add3A_373 = arith.addf %add3A_320, %add3A_372 : vector<16xf32>
        %convert_element_type3A_374 = arith.fptosi %add3A_373 : vector<16xf32> to vector<16xi32>
        %convert_element_type3A_375 = arith.sitofp %convert_element_type3A_374 : vector<16xi32> to vector<16xf32>
        %gt3A_376 = arith.cmpf ogt, %convert_element_type3A_375, %add3A_373 : vector<16xf32>
        %sub3A_377 = arith.constant 1.000000e+00 : f32
        %sub3A_378 = vector.broadcast %sub3A_377 : f32 to vector<16xf32>
        %sub3A_379 = arith.subf %convert_element_type3A_375, %sub3A_378 : vector<16xf32>
        %select_n3A_380 = arith.select %gt3A_376, %sub3A_379, %convert_element_type3A_375 : vector<16xi1>, vector<16xf32>
        %sub3A_381 = arith.subf %add3A_320, %select_n3A_380 : vector<16xf32>
        %bitcast3A_382 = vector.bitcast %sub3A_381 : vector<16xf32> to vector<16xi32>
        %add3A_383 = arith.constant 32767 : i32
        %add3A_384 = vector.broadcast %add3A_383 : i32 to vector<16xi32>
        %add3A_385 = arith.addi %bitcast3A_382, %add3A_384 : vector<16xi32>
        %shift_right_arithmetic3A_386 = arith.constant 16 : i32
        %shift_right_arithmetic3A_387 = vector.broadcast %shift_right_arithmetic3A_386 : i32 to vector<16xi32>
        %shift_right_arithmetic3A_388 = arith.shrsi %bitcast3A_382, %shift_right_arithmetic3A_387 : vector<16xi32>
        %and3A_389 = arith.constant 1 : i32
        %and3A_390 = vector.broadcast %and3A_389 : i32 to vector<16xi32>
        %and3A_391 = arith.andi %shift_right_arithmetic3A_388, %and3A_390 : vector<16xi32>
        %add3A_392 = arith.addi %add3A_385, %and3A_391 : vector<16xi32>
        %and3A_393 = arith.constant -65536 : i32
        %and3A_394 = vector.broadcast %and3A_393 : i32 to vector<16xi32>
        %and3A_395 = arith.andi %add3A_392, %and3A_394 : vector<16xi32>
        %bitcast3A_396 = vector.bitcast %and3A_395 : vector<16xi32> to vector<16xf32>
        %mul3A_397 = vector.broadcast %squeeze3A_21 : f32 to vector<16xf32>
        %mul3A_398 = arith.mulf %bitcast3A_344, %mul3A_397 : vector<16xf32>
        %mul3A_399 = vector.broadcast %squeeze3A_27 : f32 to vector<16xf32>
        %mul3A_400 = arith.mulf %bitcast3A_370, %mul3A_399 : vector<16xf32>
        %add3A_401 = arith.addf %mul3A_398, %mul3A_400 : vector<16xf32>
        %mul3A_402 = vector.broadcast %squeeze3A_33 : f32 to vector<16xf32>
        %mul3A_403 = arith.mulf %bitcast3A_396, %mul3A_402 : vector<16xf32>
        %add3A_404 = arith.addf %add3A_401, %mul3A_403 : vector<16xf32>
        %mul3A_405 = vector.broadcast %squeeze3A_23 : f32 to vector<16xf32>
        %mul3A_406 = arith.mulf %bitcast3A_344, %mul3A_405 : vector<16xf32>
        %mul3A_407 = vector.broadcast %squeeze3A_29 : f32 to vector<16xf32>
        %mul3A_408 = arith.mulf %bitcast3A_370, %mul3A_407 : vector<16xf32>
        %add3A_409 = arith.addf %mul3A_406, %mul3A_408 : vector<16xf32>
        %mul3A_410 = vector.broadcast %squeeze3A_35 : f32 to vector<16xf32>
        %mul3A_411 = arith.mulf %bitcast3A_396, %mul3A_410 : vector<16xf32>
        %add3A_412 = arith.addf %add3A_409, %mul3A_411 : vector<16xf32>
        %mul3A_413 = vector.broadcast %squeeze3A_25 : f32 to vector<16xf32>
        %mul3A_414 = arith.mulf %bitcast3A_344, %mul3A_413 : vector<16xf32>
        %mul3A_415 = vector.broadcast %squeeze3A_31 : f32 to vector<16xf32>
        %mul3A_416 = arith.mulf %bitcast3A_370, %mul3A_415 : vector<16xf32>
        %add3A_417 = arith.addf %mul3A_414, %mul3A_416 : vector<16xf32>
        %mul3A_418 = vector.broadcast %squeeze3A_37 : f32 to vector<16xf32>
        %mul3A_419 = arith.mulf %bitcast3A_396, %mul3A_418 : vector<16xf32>
        %add3A_420 = arith.addf %add3A_417, %mul3A_419 : vector<16xf32>
        %mul3A_421 = arith.mulf %add3A_404, %add3A_404 : vector<16xf32>
        %mul3A_422 = arith.mulf %add3A_412, %add3A_412 : vector<16xf32>
        %add3A_423 = arith.addf %mul3A_421, %mul3A_422 : vector<16xf32>
        %mul3A_424 = arith.mulf %add3A_420, %add3A_420 : vector<16xf32>
        %add3A_425 = arith.addf %add3A_423, %mul3A_424 : vector<16xf32>
        %add3A_426 = arith.addf %gather3A_226, %gather3A_246 : vector<16xf32>
        %mul3A_427 = arith.constant 5.000000e-01 : f32
        %mul3A_428 = vector.broadcast %mul3A_427 : f32 to vector<16xf32>
        %mul3A_429 = arith.mulf %add3A_426, %mul3A_428 : vector<16xf32>
        %div3A_430 = arith.constant 1.000000e+00 : f32
        %div3A_431 = vector.broadcast %div3A_430 : f32 to vector<16xf32>
        %div3A_432 = arith.divf %div3A_431, %add3A_425 : vector<16xf32>
        %mul3A_433 = arith.mulf %add3A_425, %div3A_432 : vector<16xf32>
        %sub3A_434 = arith.constant 2.000000e+00 : f32
        %sub3A_435 = vector.broadcast %sub3A_434 : f32 to vector<16xf32>
        %sub3A_436 = arith.subf %sub3A_435, %mul3A_433 : vector<16xf32>
        %mul3A_437 = arith.mulf %div3A_432, %sub3A_436 : vector<16xf32>
        %mul3A_438 = arith.mulf %add3A_425, %mul3A_437 : vector<16xf32>
        %sub3A_439 = arith.constant 2.000000e+00 : f32
        %sub3A_440 = vector.broadcast %sub3A_439 : f32 to vector<16xf32>
        %sub3A_441 = arith.subf %sub3A_440, %mul3A_438 : vector<16xf32>
        %mul3A_442 = arith.mulf %mul3A_437, %sub3A_441 : vector<16xf32>
        %mul3A_443 = arith.mulf %mul3A_429, %mul3A_429 : vector<16xf32>
        %mul3A_444 = arith.mulf %mul3A_443, %mul3A_442 : vector<16xf32>
        %mul3A_445 = arith.mulf %mul3A_444, %mul3A_444 : vector<16xf32>
        %mul3A_446 = arith.mulf %mul3A_445, %mul3A_444 : vector<16xf32>
        %mul3A_447 = arith.mulf %gather3A_230, %gather3A_250 : vector<16xf32>
        %mul3A_448 = arith.constant 4.000000e+00 : f32
        %mul3A_449 = vector.broadcast %mul3A_448 : f32 to vector<16xf32>
        %mul3A_450 = arith.mulf %mul3A_449, %mul3A_447 : vector<16xf32>
        %sub3A_451 = arith.constant 1.000000e+00 : f32
        %sub3A_452 = vector.broadcast %sub3A_451 : f32 to vector<16xf32>
        %sub3A_453 = arith.subf %mul3A_446, %sub3A_452 : vector<16xf32>
        %mul3A_454 = arith.mulf %mul3A_446, %sub3A_453 : vector<16xf32>
        %mul3A_455 = arith.mulf %mul3A_450, %mul3A_454 : vector<16xf32>
        %le3A = vector.broadcast %squeeze3A_39 : f32 to vector<16xf32>
        %le3A_456 = arith.cmpf ole, %add3A_425, %le3A : vector<16xf32>
        %jit3A_457 = arith.constant 0.000000e+00 : f32
        %broadcast_in_dim3A_458 = vector.broadcast %jit3A_457 : f32 to vector<16xf32>
        %select_n3A_459 = arith.select %le3A_456, %mul3A_455, %broadcast_in_dim3A_458 : vector<16xi1>, vector<16xf32>
        %add3A_460 = arith.addf %scan3A_180, %select_n3A_459 : vector<16xf32>
        scf.yield %add3A_460 : vector<16xf32>
      }
      %scan3A_162 = arith.constant 128 : i32
      %add3A_163 = arith.addf %add3A_129, %scan3A_161 : vector<16xf32>
      %mul3A_164 = arith.constant 2 : i32
      %mul3A_165 = arith.muli %mul3A_164, %scan3A_109 : i32
      %add3A_166 = arith.constant 3 : i32
      %add3A_167 = arith.addi %mul3A_165, %add3A_166 : i32
      %mul3A_168 = arith.constant 32 : i32
      %mul3A_169 = arith.muli %add3A_167, %mul3A_168 : i32
      %add3A_170 = arith.addi %mul3A_169, %add3A : i32
      %lt3A_171 = arith.constant 3125 : i32
      %lt3A_172 = arith.cmpi slt, %add3A_170, %lt3A_171 : i32
      %jit3A_173 = arith.constant 0 : i32
      %select_n3A_174 = arith.select %lt3A_172, %add3A_170, %jit3A_173 : i32
      %mul3A_175 = arith.constant 4096 : i32
      %mul3A_176 = arith.muli %select_n3A_174, %mul3A_175 : i32
      %dma_start3A_177 = tpu.memref_slice %arg2[%mul3A_176] : memref<12800000xi32, #tpu.memory_space<hbm>> -> memref<4096xi32, #tpu.memory_space<hbm>>
      %dma_start3A_178 = tpu.memref_slice %arg2[%mul3A_176] : memref<12800000xi32, #tpu.memory_space<hbm>> -> memref<4096xi32, #tpu.memory_space<hbm>>
      tpu.enqueue_dma source(%dma_start3A_178 : memref<4096xi32, #tpu.memory_space<hbm>>) target(%arg7 : memref<4096xi32, #tpu.memory_space<vmem>>) target_semaphore(%arg13 : memref<!tpu.dma_semaphore, #tpu.memory_space<semaphore_mem>>)
      scf.yield %add3A_163 : vector<16xf32>
    }
    %scan3A_69 = arith.constant 48 : i32
    %dma_wait3A_70 = arith.constant 0 : i32
    %dma_wait3A_71 = tpu.memref_slice %arg2[%dma_wait3A_70] : memref<12800000xi32, #tpu.memory_space<hbm>> -> memref<4096xi32, #tpu.memory_space<hbm>>
    %dma_wait3A_72 = arith.constant 0 : i32
    %dma_wait3A_73 = tpu.memref_slice %arg2[%dma_wait3A_72] : memref<12800000xi32, #tpu.memory_space<hbm>> -> memref<4096xi32, #tpu.memory_space<hbm>>
    tpu.wait_dma2 semaphore(%arg13 : memref<!tpu.dma_semaphore, #tpu.memory_space<semaphore_mem>>) src(%dma_wait3A_73 : memref<4096xi32, #tpu.memory_space<hbm>>) dst(%arg7 : memref<4096xi32, #tpu.memory_space<vmem>>)
    %dma_start3A_74 = arith.constant 0 : i32
    %dma_start3A_75 = arith.constant 0 : i32
    %dma_start3A_76 = tpu.memref_slice %arg3[%dma_start3A_74, %dma_start3A_75] : memref<100000x8xf32, #tpu.memory_space<hbm>> -> memref<100000x8xf32, #tpu.memory_space<hbm>>
    tpu.enqueue_indirect_dma source(%dma_start3A_76 : memref<100000x8xf32, #tpu.memory_space<hbm>>) target(%arg9 : memref<4096x8xf32, #tpu.memory_space<vmem>>) offsets(%arg7 : memref<4096xi32, #tpu.memory_space<vmem>>) semaphore(%arg15 : memref<!tpu.dma_semaphore, #tpu.memory_space<semaphore_mem>>)
    %dma_wait3A_77 = arith.constant 0 : i32
    %dma_wait3A_78 = arith.constant 0 : i32
    %dma_wait3A_79 = tpu.memref_slice %arg3[%dma_wait3A_77, %dma_wait3A_78] : memref<100000x8xf32, #tpu.memory_space<hbm>> -> memref<100000x8xf32, #tpu.memory_space<hbm>>
    tpu.wait_indirect_dma semaphore(%arg14 : memref<!tpu.dma_semaphore, #tpu.memory_space<semaphore_mem>>) src(%dma_wait3A_79 : memref<100000x8xf32, #tpu.memory_space<hbm>>) dst(%arg8 : memref<4096x8xf32, #tpu.memory_space<vmem>>)
    %broadcast_in_dim3A_80 = arith.constant 0.000000e+00 : f32
    %broadcast_in_dim3A_81 = vector.broadcast %broadcast_in_dim3A_80 : f32 to vector<16xf32>
    %scan3A_82 = arith.constant 0 : i32
    %scan3A_83 = arith.constant 128 : i32
    %scan3A_84 = arith.addi %scan3A_82, %scan3A_83 : i32
    %scan3A_85 = arith.constant 1 : i32
    %scan3A_86 = scf.for %scan3A_109 = %scan3A_82 to %scan3A_84 step %scan3A_85 iter_args(%scan3A_110 = %broadcast_in_dim3A_81) -> (vector<16xf32>)  : i32 {
      %jit3A_111 = arith.constant 8 : i32
      %div3A = arith.divsi %scan3A_109, %jit3A_111 : i32
      %sign3A = arith.constant 0 : i32
      %sign3A_112 = arith.cmpi sgt, %scan3A_109, %sign3A : i32
      %sign3A_113 = arith.extui %sign3A_112 : i1 to i32
      %sign3A_114 = arith.constant 0 : i32
      %sign3A_115 = arith.cmpi slt, %scan3A_109, %sign3A_114 : i32
      %sign3A_116 = arith.extui %sign3A_115 : i1 to i32
      %sign3A_117 = arith.subi %sign3A_113, %sign3A_116 : i32
      %sign3A_118 = arith.constant 0 : i32
      %sign3A_119 = arith.cmpi sgt, %jit3A_111, %sign3A_118 : i32
      %sign3A_120 = arith.extui %sign3A_119 : i1 to i32
      %sign3A_121 = arith.constant 0 : i32
      %sign3A_122 = arith.cmpi slt, %jit3A_111, %sign3A_121 : i32
      %sign3A_123 = arith.extui %sign3A_122 : i1 to i32
      %sign3A_124 = arith.subi %sign3A_120, %sign3A_123 : i32
      %ne3A = arith.cmpi ne, %sign3A_117, %sign3A_124 : i32
      %rem3A = arith.remsi %scan3A_109, %jit3A_111 : i32
      %ne3A_125 = arith.constant 0 : i32
      %ne3A_126 = arith.cmpi ne, %rem3A, %ne3A_125 : i32
      %and3A = arith.andi %ne3A, %ne3A_126 : i1
      %sub3A = arith.constant 1 : i32
      %sub3A_127 = arith.subi %div3A, %sub3A : i32
      %select_n3A_128 = arith.select %and3A, %sub3A_127, %div3A : i32
      %mul3A_129 = arith.constant 8 : i32
      %mul3A_130 = arith.muli %select_n3A_128, %mul3A_129 : i32
      %sub3A_131 = arith.subi %scan3A_109, %mul3A_130 : i32
      %mul3A_132 = arith.constant 256 : i32
      %mul3A_133 = arith.muli %select_n3A_128, %mul3A_132 : i32
      %mul3A_134 = arith.constant 16 : i32
      %mul3A_135 = arith.muli %sub3A_131, %mul3A_134 : i32
      %add3A_136 = arith.addi %mul3A_133, %mul3A_135 : i32
      %add3A_137 = vector.broadcast %add3A_136 : i32 to vector<16xi32>
      %add3A_138 = arith.addi %add3A_137, %iota3A : vector<16xi32>
      %add3A_139 = arith.constant 128 : i32
      %add3A_140 = vector.broadcast %add3A_139 : i32 to vector<16xi32>
      %add3A_141 = arith.addi %add3A_138, %add3A_140 : vector<16xi32>
      %add3A_142 = arith.constant 0 : i32
      %add3A_143 = vector.broadcast %add3A_142 : i32 to vector<16xi32>
      %add3A_144 = arith.addi %broadcast_in_dim3A_40, %add3A_143 : vector<16xi32>
      %gather3A = tpu.vector_load_idx %arg8[%add3A_138, %add3A_144] : memref<4096x8xf32, #tpu.memory_space<vmem>>[vector<16xi32>, vector<16xi32>], vector<16xf32>,
      %add3A_145 = arith.constant 1 : i32
      %add3A_146 = vector.broadcast %add3A_145 : i32 to vector<16xi32>
      %add3A_147 = arith.addi %broadcast_in_dim3A_40, %add3A_146 : vector<16xi32>
      %gather3A_148 = tpu.vector_load_idx %arg8[%add3A_138, %add3A_147] : memref<4096x8xf32, #tpu.memory_space<vmem>>[vector<16xi32>, vector<16xi32>], vector<16xf32>,
      %add3A_149 = arith.constant 2 : i32
      %add3A_150 = vector.broadcast %add3A_149 : i32 to vector<16xi32>
      %add3A_151 = arith.addi %broadcast_in_dim3A_40, %add3A_150 : vector<16xi32>
      %gather3A_152 = tpu.vector_load_idx %arg8[%add3A_138, %add3A_151] : memref<4096x8xf32, #tpu.memory_space<vmem>>[vector<16xi32>, vector<16xi32>], vector<16xf32>,
      %add3A_153 = arith.constant 3 : i32
      %add3A_154 = vector.broadcast %add3A_153 : i32 to vector<16xi32>
      %add3A_155 = arith.addi %broadcast_in_dim3A_40, %add3A_154 : vector<16xi32>
      %gather3A_156 = tpu.vector_load_idx %arg8[%add3A_138, %add3A_155] : memref<4096x8xf32, #tpu.memory_space<vmem>>[vector<16xi32>, vector<16xi32>], vector<16xf32>,
      %add3A_157 = arith.constant 4 : i32
      %add3A_158 = vector.broadcast %add3A_157 : i32 to vector<16xi32>
      %add3A_159 = arith.addi %broadcast_in_dim3A_40, %add3A_158 : vector<16xi32>
      %gather3A_160 = tpu.vector_load_idx %arg8[%add3A_138, %add3A_159] : memref<4096x8xf32, #tpu.memory_space<vmem>>[vector<16xi32>, vector<16xi32>], vector<16xf32>,
      %add3A_161 = arith.constant 0 : i32
      %add3A_162 = vector.broadcast %add3A_161 : i32 to vector<16xi32>
      %add3A_163 = arith.addi %broadcast_in_dim3A_40, %add3A_162 : vector<16xi32>
      %gather3A_164 = tpu.vector_load_idx %arg8[%add3A_141, %add3A_163] : memref<4096x8xf32, #tpu.memory_space<vmem>>[vector<16xi32>, vector<16xi32>], vector<16xf32>,
      %add3A_165 = arith.constant 1 : i32
      %add3A_166 = vector.broadcast %add3A_165 : i32 to vector<16xi32>
      %add3A_167 = arith.addi %broadcast_in_dim3A_40, %add3A_166 : vector<16xi32>
      %gather3A_168 = tpu.vector_load_idx %arg8[%add3A_141, %add3A_167] : memref<4096x8xf32, #tpu.memory_space<vmem>>[vector<16xi32>, vector<16xi32>], vector<16xf32>,
      %add3A_169 = arith.constant 2 : i32
      %add3A_170 = vector.broadcast %add3A_169 : i32 to vector<16xi32>
      %add3A_171 = arith.addi %broadcast_in_dim3A_40, %add3A_170 : vector<16xi32>
      %gather3A_172 = tpu.vector_load_idx %arg8[%add3A_141, %add3A_171] : memref<4096x8xf32, #tpu.memory_space<vmem>>[vector<16xi32>, vector<16xi32>], vector<16xf32>,
      %add3A_173 = arith.constant 3 : i32
      %add3A_174 = vector.broadcast %add3A_173 : i32 to vector<16xi32>
      %add3A_175 = arith.addi %broadcast_in_dim3A_40, %add3A_174 : vector<16xi32>
      %gather3A_176 = tpu.vector_load_idx %arg8[%add3A_141, %add3A_175] : memref<4096x8xf32, #tpu.memory_space<vmem>>[vector<16xi32>, vector<16xi32>], vector<16xf32>,
      %add3A_177 = arith.constant 4 : i32
      %add3A_178 = vector.broadcast %add3A_177 : i32 to vector<16xi32>
      %add3A_179 = arith.addi %broadcast_in_dim3A_40, %add3A_178 : vector<16xi32>
      %gather3A_180 = tpu.vector_load_idx %arg8[%add3A_141, %add3A_179] : memref<4096x8xf32, #tpu.memory_space<vmem>>[vector<16xi32>, vector<16xi32>], vector<16xf32>,
      %sub3A_181 = arith.subf %gather3A, %gather3A_164 : vector<16xf32>
      %bitcast3A = vector.bitcast %sub3A_181 : vector<16xf32> to vector<16xi32>
      %add3A_182 = arith.constant 32767 : i32
      %add3A_183 = vector.broadcast %add3A_182 : i32 to vector<16xi32>
      %add3A_184 = arith.addi %bitcast3A, %add3A_183 : vector<16xi32>
      %shift_right_arithmetic3A = arith.constant 16 : i32
      %shift_right_arithmetic3A_185 = vector.broadcast %shift_right_arithmetic3A : i32 to vector<16xi32>
      %shift_right_arithmetic3A_186 = arith.shrsi %bitcast3A, %shift_right_arithmetic3A_185 : vector<16xi32>
      %and3A_187 = arith.constant 1 : i32
      %and3A_188 = vector.broadcast %and3A_187 : i32 to vector<16xi32>
      %and3A_189 = arith.andi %shift_right_arithmetic3A_186, %and3A_188 : vector<16xi32>
      %add3A_190 = arith.addi %add3A_184, %and3A_189 : vector<16xi32>
      %and3A_191 = arith.constant -65536 : i32
      %and3A_192 = vector.broadcast %and3A_191 : i32 to vector<16xi32>
      %and3A_193 = arith.andi %add3A_190, %and3A_192 : vector<16xi32>
      %bitcast3A_194 = vector.bitcast %and3A_193 : vector<16xi32> to vector<16xf32>
      %sub3A_195 = arith.subf %gather3A_148, %gather3A_168 : vector<16xf32>
      %bitcast3A_196 = vector.bitcast %sub3A_195 : vector<16xf32> to vector<16xi32>
      %add3A_197 = arith.constant 32767 : i32
      %add3A_198 = vector.broadcast %add3A_197 : i32 to vector<16xi32>
      %add3A_199 = arith.addi %bitcast3A_196, %add3A_198 : vector<16xi32>
      %shift_right_arithmetic3A_200 = arith.constant 16 : i32
      %shift_right_arithmetic3A_201 = vector.broadcast %shift_right_arithmetic3A_200 : i32 to vector<16xi32>
      %shift_right_arithmetic3A_202 = arith.shrsi %bitcast3A_196, %shift_right_arithmetic3A_201 : vector<16xi32>
      %and3A_203 = arith.constant 1 : i32
      %and3A_204 = vector.broadcast %and3A_203 : i32 to vector<16xi32>
      %and3A_205 = arith.andi %shift_right_arithmetic3A_202, %and3A_204 : vector<16xi32>
      %add3A_206 = arith.addi %add3A_199, %and3A_205 : vector<16xi32>
      %and3A_207 = arith.constant -65536 : i32
      %and3A_208 = vector.broadcast %and3A_207 : i32 to vector<16xi32>
      %and3A_209 = arith.andi %add3A_206, %and3A_208 : vector<16xi32>
      %bitcast3A_210 = vector.bitcast %and3A_209 : vector<16xi32> to vector<16xf32>
      %sub3A_211 = arith.subf %gather3A_152, %gather3A_172 : vector<16xf32>
      %bitcast3A_212 = vector.bitcast %sub3A_211 : vector<16xf32> to vector<16xi32>
      %add3A_213 = arith.constant 32767 : i32
      %add3A_214 = vector.broadcast %add3A_213 : i32 to vector<16xi32>
      %add3A_215 = arith.addi %bitcast3A_212, %add3A_214 : vector<16xi32>
      %shift_right_arithmetic3A_216 = arith.constant 16 : i32
      %shift_right_arithmetic3A_217 = vector.broadcast %shift_right_arithmetic3A_216 : i32 to vector<16xi32>
      %shift_right_arithmetic3A_218 = arith.shrsi %bitcast3A_212, %shift_right_arithmetic3A_217 : vector<16xi32>
      %and3A_219 = arith.constant 1 : i32
      %and3A_220 = vector.broadcast %and3A_219 : i32 to vector<16xi32>
      %and3A_221 = arith.andi %shift_right_arithmetic3A_218, %and3A_220 : vector<16xi32>
      %add3A_222 = arith.addi %add3A_215, %and3A_221 : vector<16xi32>
      %and3A_223 = arith.constant -65536 : i32
      %and3A_224 = vector.broadcast %and3A_223 : i32 to vector<16xi32>
      %and3A_225 = arith.andi %add3A_222, %and3A_224 : vector<16xi32>
      %bitcast3A_226 = vector.bitcast %and3A_225 : vector<16xi32> to vector<16xf32>
      %mul3A_227 = vector.broadcast %squeeze3A : f32 to vector<16xf32>
      %mul3A_228 = arith.mulf %bitcast3A_194, %mul3A_227 : vector<16xf32>
      %mul3A_229 = vector.broadcast %squeeze3A_9 : f32 to vector<16xf32>
      %mul3A_230 = arith.mulf %bitcast3A_210, %mul3A_229 : vector<16xf32>
      %add3A_231 = arith.addf %mul3A_228, %mul3A_230 : vector<16xf32>
      %mul3A_232 = vector.broadcast %squeeze3A_15 : f32 to vector<16xf32>
      %mul3A_233 = arith.mulf %bitcast3A_226, %mul3A_232 : vector<16xf32>
      %add3A_234 = arith.addf %add3A_231, %mul3A_233 : vector<16xf32>
      %mul3A_235 = vector.broadcast %squeeze3A_5 : f32 to vector<16xf32>
      %mul3A_236 = arith.mulf %bitcast3A_194, %mul3A_235 : vector<16xf32>
      %mul3A_237 = vector.broadcast %squeeze3A_11 : f32 to vector<16xf32>
      %mul3A_238 = arith.mulf %bitcast3A_210, %mul3A_237 : vector<16xf32>
      %add3A_239 = arith.addf %mul3A_236, %mul3A_238 : vector<16xf32>
      %mul3A_240 = vector.broadcast %squeeze3A_17 : f32 to vector<16xf32>
      %mul3A_241 = arith.mulf %bitcast3A_226, %mul3A_240 : vector<16xf32>
      %add3A_242 = arith.addf %add3A_239, %mul3A_241 : vector<16xf32>
      %mul3A_243 = vector.broadcast %squeeze3A_7 : f32 to vector<16xf32>
      %mul3A_244 = arith.mulf %bitcast3A_194, %mul3A_243 : vector<16xf32>
      %mul3A_245 = vector.broadcast %squeeze3A_13 : f32 to vector<16xf32>
      %mul3A_246 = arith.mulf %bitcast3A_210, %mul3A_245 : vector<16xf32>
      %add3A_247 = arith.addf %mul3A_244, %mul3A_246 : vector<16xf32>
      %mul3A_248 = vector.broadcast %squeeze3A_19 : f32 to vector<16xf32>
      %mul3A_249 = arith.mulf %bitcast3A_226, %mul3A_248 : vector<16xf32>
      %add3A_250 = arith.addf %add3A_247, %mul3A_249 : vector<16xf32>
      %add3A_251 = arith.constant 5.000000e-01 : f32
      %add3A_252 = vector.broadcast %add3A_251 : f32 to vector<16xf32>
      %add3A_253 = arith.addf %add3A_234, %add3A_252 : vector<16xf32>
      %convert_element_type3A = arith.fptosi %add3A_253 : vector<16xf32> to vector<16xi32>
      %convert_element_type3A_254 = arith.sitofp %convert_element_type3A : vector<16xi32> to vector<16xf32>
      %gt3A = arith.cmpf ogt, %convert_element_type3A_254, %add3A_253 : vector<16xf32>
      %sub3A_255 = arith.constant 1.000000e+00 : f32
      %sub3A_256 = vector.broadcast %sub3A_255 : f32 to vector<16xf32>
      %sub3A_257 = arith.subf %convert_element_type3A_254, %sub3A_256 : vector<16xf32>
      %select_n3A_258 = arith.select %gt3A, %sub3A_257, %convert_element_type3A_254 : vector<16xi1>, vector<16xf32>
      %sub3A_259 = arith.subf %add3A_234, %select_n3A_258 : vector<16xf32>
      %bitcast3A_260 = vector.bitcast %sub3A_259 : vector<16xf32> to vector<16xi32>
      %add3A_261 = arith.constant 32767 : i32
      %add3A_262 = vector.broadcast %add3A_261 : i32 to vector<16xi32>
      %add3A_263 = arith.addi %bitcast3A_260, %add3A_262 : vector<16xi32>
      %shift_right_arithmetic3A_264 = arith.constant 16 : i32
      %shift_right_arithmetic3A_265 = vector.broadcast %shift_right_arithmetic3A_264 : i32 to vector<16xi32>
      %shift_right_arithmetic3A_266 = arith.shrsi %bitcast3A_260, %shift_right_arithmetic3A_265 : vector<16xi32>
      %and3A_267 = arith.constant 1 : i32
      %and3A_268 = vector.broadcast %and3A_267 : i32 to vector<16xi32>
      %and3A_269 = arith.andi %shift_right_arithmetic3A_266, %and3A_268 : vector<16xi32>
      %add3A_270 = arith.addi %add3A_263, %and3A_269 : vector<16xi32>
      %and3A_271 = arith.constant -65536 : i32
      %and3A_272 = vector.broadcast %and3A_271 : i32 to vector<16xi32>
      %and3A_273 = arith.andi %add3A_270, %and3A_272 : vector<16xi32>
      %bitcast3A_274 = vector.bitcast %and3A_273 : vector<16xi32> to vector<16xf32>
      %add3A_275 = arith.constant 5.000000e-01 : f32
      %add3A_276 = vector.broadcast %add3A_275 : f32 to vector<16xf32>
      %add3A_277 = arith.addf %add3A_242, %add3A_276 : vector<16xf32>
      %convert_element_type3A_278 = arith.fptosi %add3A_277 : vector<16xf32> to vector<16xi32>
      %convert_element_type3A_279 = arith.sitofp %convert_element_type3A_278 : vector<16xi32> to vector<16xf32>
      %gt3A_280 = arith.cmpf ogt, %convert_element_type3A_279, %add3A_277 : vector<16xf32>
      %sub3A_281 = arith.constant 1.000000e+00 : f32
      %sub3A_282 = vector.broadcast %sub3A_281 : f32 to vector<16xf32>
      %sub3A_283 = arith.subf %convert_element_type3A_279, %sub3A_282 : vector<16xf32>
      %select_n3A_284 = arith.select %gt3A_280, %sub3A_283, %convert_element_type3A_279 : vector<16xi1>, vector<16xf32>
      %sub3A_285 = arith.subf %add3A_242, %select_n3A_284 : vector<16xf32>
      %bitcast3A_286 = vector.bitcast %sub3A_285 : vector<16xf32> to vector<16xi32>
      %add3A_287 = arith.constant 32767 : i32
      %add3A_288 = vector.broadcast %add3A_287 : i32 to vector<16xi32>
      %add3A_289 = arith.addi %bitcast3A_286, %add3A_288 : vector<16xi32>
      %shift_right_arithmetic3A_290 = arith.constant 16 : i32
      %shift_right_arithmetic3A_291 = vector.broadcast %shift_right_arithmetic3A_290 : i32 to vector<16xi32>
      %shift_right_arithmetic3A_292 = arith.shrsi %bitcast3A_286, %shift_right_arithmetic3A_291 : vector<16xi32>
      %and3A_293 = arith.constant 1 : i32
      %and3A_294 = vector.broadcast %and3A_293 : i32 to vector<16xi32>
      %and3A_295 = arith.andi %shift_right_arithmetic3A_292, %and3A_294 : vector<16xi32>
      %add3A_296 = arith.addi %add3A_289, %and3A_295 : vector<16xi32>
      %and3A_297 = arith.constant -65536 : i32
      %and3A_298 = vector.broadcast %and3A_297 : i32 to vector<16xi32>
      %and3A_299 = arith.andi %add3A_296, %and3A_298 : vector<16xi32>
      %bitcast3A_300 = vector.bitcast %and3A_299 : vector<16xi32> to vector<16xf32>
      %add3A_301 = arith.constant 5.000000e-01 : f32
      %add3A_302 = vector.broadcast %add3A_301 : f32 to vector<16xf32>
      %add3A_303 = arith.addf %add3A_250, %add3A_302 : vector<16xf32>
      %convert_element_type3A_304 = arith.fptosi %add3A_303 : vector<16xf32> to vector<16xi32>
      %convert_element_type3A_305 = arith.sitofp %convert_element_type3A_304 : vector<16xi32> to vector<16xf32>
      %gt3A_306 = arith.cmpf ogt, %convert_element_type3A_305, %add3A_303 : vector<16xf32>
      %sub3A_307 = arith.constant 1.000000e+00 : f32
      %sub3A_308 = vector.broadcast %sub3A_307 : f32 to vector<16xf32>
      %sub3A_309 = arith.subf %convert_element_type3A_305, %sub3A_308 : vector<16xf32>
      %select_n3A_310 = arith.select %gt3A_306, %sub3A_309, %convert_element_type3A_305 : vector<16xi1>, vector<16xf32>
      %sub3A_311 = arith.subf %add3A_250, %select_n3A_310 : vector<16xf32>
      %bitcast3A_312 = vector.bitcast %sub3A_311 : vector<16xf32> to vector<16xi32>
      %add3A_313 = arith.constant 32767 : i32
      %add3A_314 = vector.broadcast %add3A_313 : i32 to vector<16xi32>
      %add3A_315 = arith.addi %bitcast3A_312, %add3A_314 : vector<16xi32>
      %shift_right_arithmetic3A_316 = arith.constant 16 : i32
      %shift_right_arithmetic3A_317 = vector.broadcast %shift_right_arithmetic3A_316 : i32 to vector<16xi32>
      %shift_right_arithmetic3A_318 = arith.shrsi %bitcast3A_312, %shift_right_arithmetic3A_317 : vector<16xi32>
      %and3A_319 = arith.constant 1 : i32
      %and3A_320 = vector.broadcast %and3A_319 : i32 to vector<16xi32>
      %and3A_321 = arith.andi %shift_right_arithmetic3A_318, %and3A_320 : vector<16xi32>
      %add3A_322 = arith.addi %add3A_315, %and3A_321 : vector<16xi32>
      %and3A_323 = arith.constant -65536 : i32
      %and3A_324 = vector.broadcast %and3A_323 : i32 to vector<16xi32>
      %and3A_325 = arith.andi %add3A_322, %and3A_324 : vector<16xi32>
      %bitcast3A_326 = vector.bitcast %and3A_325 : vector<16xi32> to vector<16xf32>
      %mul3A_327 = vector.broadcast %squeeze3A_21 : f32 to vector<16xf32>
      %mul3A_328 = arith.mulf %bitcast3A_274, %mul3A_327 : vector<16xf32>
      %mul3A_329 = vector.broadcast %squeeze3A_27 : f32 to vector<16xf32>
      %mul3A_330 = arith.mulf %bitcast3A_300, %mul3A_329 : vector<16xf32>
      %add3A_331 = arith.addf %mul3A_328, %mul3A_330 : vector<16xf32>
      %mul3A_332 = vector.broadcast %squeeze3A_33 : f32 to vector<16xf32>
      %mul3A_333 = arith.mulf %bitcast3A_326, %mul3A_332 : vector<16xf32>
      %add3A_334 = arith.addf %add3A_331, %mul3A_333 : vector<16xf32>
      %mul3A_335 = vector.broadcast %squeeze3A_23 : f32 to vector<16xf32>
      %mul3A_336 = arith.mulf %bitcast3A_274, %mul3A_335 : vector<16xf32>
      %mul3A_337 = vector.broadcast %squeeze3A_29 : f32 to vector<16xf32>
      %mul3A_338 = arith.mulf %bitcast3A_300, %mul3A_337 : vector<16xf32>
      %add3A_339 = arith.addf %mul3A_336, %mul3A_338 : vector<16xf32>
      %mul3A_340 = vector.broadcast %squeeze3A_35 : f32 to vector<16xf32>
      %mul3A_341 = arith.mulf %bitcast3A_326, %mul3A_340 : vector<16xf32>
      %add3A_342 = arith.addf %add3A_339, %mul3A_341 : vector<16xf32>
      %mul3A_343 = vector.broadcast %squeeze3A_25 : f32 to vector<16xf32>
      %mul3A_344 = arith.mulf %bitcast3A_274, %mul3A_343 : vector<16xf32>
      %mul3A_345 = vector.broadcast %squeeze3A_31 : f32 to vector<16xf32>
      %mul3A_346 = arith.mulf %bitcast3A_300, %mul3A_345 : vector<16xf32>
      %add3A_347 = arith.addf %mul3A_344, %mul3A_346 : vector<16xf32>
      %mul3A_348 = vector.broadcast %squeeze3A_37 : f32 to vector<16xf32>
      %mul3A_349 = arith.mulf %bitcast3A_326, %mul3A_348 : vector<16xf32>
      %add3A_350 = arith.addf %add3A_347, %mul3A_349 : vector<16xf32>
      %mul3A_351 = arith.mulf %add3A_334, %add3A_334 : vector<16xf32>
      %mul3A_352 = arith.mulf %add3A_342, %add3A_342 : vector<16xf32>
      %add3A_353 = arith.addf %mul3A_351, %mul3A_352 : vector<16xf32>
      %mul3A_354 = arith.mulf %add3A_350, %add3A_350 : vector<16xf32>
      %add3A_355 = arith.addf %add3A_353, %mul3A_354 : vector<16xf32>
      %add3A_356 = arith.addf %gather3A_156, %gather3A_176 : vector<16xf32>
      %mul3A_357 = arith.constant 5.000000e-01 : f32
      %mul3A_358 = vector.broadcast %mul3A_357 : f32 to vector<16xf32>
      %mul3A_359 = arith.mulf %add3A_356, %mul3A_358 : vector<16xf32>
      %div3A_360 = arith.constant 1.000000e+00 : f32
      %div3A_361 = vector.broadcast %div3A_360 : f32 to vector<16xf32>
      %div3A_362 = arith.divf %div3A_361, %add3A_355 : vector<16xf32>
      %mul3A_363 = arith.mulf %add3A_355, %div3A_362 : vector<16xf32>
      %sub3A_364 = arith.constant 2.000000e+00 : f32
      %sub3A_365 = vector.broadcast %sub3A_364 : f32 to vector<16xf32>
      %sub3A_366 = arith.subf %sub3A_365, %mul3A_363 : vector<16xf32>
      %mul3A_367 = arith.mulf %div3A_362, %sub3A_366 : vector<16xf32>
      %mul3A_368 = arith.mulf %add3A_355, %mul3A_367 : vector<16xf32>
      %sub3A_369 = arith.constant 2.000000e+00 : f32
      %sub3A_370 = vector.broadcast %sub3A_369 : f32 to vector<16xf32>
      %sub3A_371 = arith.subf %sub3A_370, %mul3A_368 : vector<16xf32>
      %mul3A_372 = arith.mulf %mul3A_367, %sub3A_371 : vector<16xf32>
      %mul3A_373 = arith.mulf %mul3A_359, %mul3A_359 : vector<16xf32>
      %mul3A_374 = arith.mulf %mul3A_373, %mul3A_372 : vector<16xf32>
      %mul3A_375 = arith.mulf %mul3A_374, %mul3A_374 : vector<16xf32>
      %mul3A_376 = arith.mulf %mul3A_375, %mul3A_374 : vector<16xf32>
      %mul3A_377 = arith.mulf %gather3A_160, %gather3A_180 : vector<16xf32>
      %mul3A_378 = arith.constant 4.000000e+00 : f32
      %mul3A_379 = vector.broadcast %mul3A_378 : f32 to vector<16xf32>
      %mul3A_380 = arith.mulf %mul3A_379, %mul3A_377 : vector<16xf32>
      %sub3A_381 = arith.constant 1.000000e+00 : f32
      %sub3A_382 = vector.broadcast %sub3A_381 : f32 to vector<16xf32>
      %sub3A_383 = arith.subf %mul3A_376, %sub3A_382 : vector<16xf32>
      %mul3A_384 = arith.mulf %mul3A_376, %sub3A_383 : vector<16xf32>
      %mul3A_385 = arith.mulf %mul3A_380, %mul3A_384 : vector<16xf32>
      %le3A = vector.broadcast %squeeze3A_39 : f32 to vector<16xf32>
      %le3A_386 = arith.cmpf ole, %add3A_355, %le3A : vector<16xf32>
      %jit3A_387 = arith.constant 0.000000e+00 : f32
      %broadcast_in_dim3A_388 = vector.broadcast %jit3A_387 : f32 to vector<16xf32>
      %select_n3A_389 = arith.select %le3A_386, %mul3A_385, %broadcast_in_dim3A_388 : vector<16xi1>, vector<16xf32>
      %add3A_390 = arith.addf %scan3A_110, %select_n3A_389 : vector<16xf32>
      scf.yield %add3A_390 : vector<16xf32>
    }
    %scan3A_87 = arith.constant 128 : i32
    %add3A_88 = arith.addf %scan3A_68, %scan3A_86 : vector<16xf32>
    %dma_wait3A_89 = arith.constant 0 : i32
    %dma_wait3A_90 = arith.constant 0 : i32
    %dma_wait3A_91 = tpu.memref_slice %arg3[%dma_wait3A_89, %dma_wait3A_90] : memref<100000x8xf32, #tpu.memory_space<hbm>> -> memref<100000x8xf32, #tpu.memory_space<hbm>>
    tpu.wait_indirect_dma semaphore(%arg15 : memref<!tpu.dma_semaphore, #tpu.memory_space<semaphore_mem>>) src(%dma_wait3A_91 : memref<100000x8xf32, #tpu.memory_space<hbm>>) dst(%arg9 : memref<4096x8xf32, #tpu.memory_space<vmem>>)
    %add3A_92 = arith.constant 3104 : i32
    %add3A_93 = arith.addi %add3A_92, %add3A : i32
    %lt3A_94 = arith.constant 3125 : i32
    %lt3A_95 = arith.cmpi slt, %add3A_93, %lt3A_94 : i32
    %broadcast_in_dim3A_96 = arith.constant 0.000000e+00 : f32
    %broadcast_in_dim3A_97 = vector.broadcast %broadcast_in_dim3A_96 : f32 to vector<16xf32>
    %scan3A_98 = arith.constant 0 : i32
    %scan3A_99 = arith.constant 128 : i32
    %scan3A_100 = arith.addi %scan3A_98, %scan3A_99 : i32
    %scan3A_101 = arith.constant 1 : i32
    %scan3A_102 = scf.for %scan3A_109 = %scan3A_98 to %scan3A_100 step %scan3A_101 iter_args(%scan3A_110 = %broadcast_in_dim3A_97) -> (vector<16xf32>)  : i32 {
      %jit3A_111 = arith.constant 8 : i32
      %div3A = arith.divsi %scan3A_109, %jit3A_111 : i32
      %sign3A = arith.constant 0 : i32
      %sign3A_112 = arith.cmpi sgt, %scan3A_109, %sign3A : i32
      %sign3A_113 = arith.extui %sign3A_112 : i1 to i32
      %sign3A_114 = arith.constant 0 : i32
      %sign3A_115 = arith.cmpi slt, %scan3A_109, %sign3A_114 : i32
      %sign3A_116 = arith.extui %sign3A_115 : i1 to i32
      %sign3A_117 = arith.subi %sign3A_113, %sign3A_116 : i32
      %sign3A_118 = arith.constant 0 : i32
      %sign3A_119 = arith.cmpi sgt, %jit3A_111, %sign3A_118 : i32
      %sign3A_120 = arith.extui %sign3A_119 : i1 to i32
      %sign3A_121 = arith.constant 0 : i32
      %sign3A_122 = arith.cmpi slt, %jit3A_111, %sign3A_121 : i32
      %sign3A_123 = arith.extui %sign3A_122 : i1 to i32
      %sign3A_124 = arith.subi %sign3A_120, %sign3A_123 : i32
      %ne3A = arith.cmpi ne, %sign3A_117, %sign3A_124 : i32
      %rem3A = arith.remsi %scan3A_109, %jit3A_111 : i32
      %ne3A_125 = arith.constant 0 : i32
      %ne3A_126 = arith.cmpi ne, %rem3A, %ne3A_125 : i32
      %and3A = arith.andi %ne3A, %ne3A_126 : i1
      %sub3A = arith.constant 1 : i32
      %sub3A_127 = arith.subi %div3A, %sub3A : i32
      %select_n3A_128 = arith.select %and3A, %sub3A_127, %div3A : i32
      %mul3A_129 = arith.constant 8 : i32
      %mul3A_130 = arith.muli %select_n3A_128, %mul3A_129 : i32
      %sub3A_131 = arith.subi %scan3A_109, %mul3A_130 : i32
      %mul3A_132 = arith.constant 256 : i32
      %mul3A_133 = arith.muli %select_n3A_128, %mul3A_132 : i32
      %mul3A_134 = arith.constant 16 : i32
      %mul3A_135 = arith.muli %sub3A_131, %mul3A_134 : i32
      %add3A_136 = arith.addi %mul3A_133, %mul3A_135 : i32
      %add3A_137 = vector.broadcast %add3A_136 : i32 to vector<16xi32>
      %add3A_138 = arith.addi %add3A_137, %iota3A : vector<16xi32>
      %add3A_139 = arith.constant 128 : i32
      %add3A_140 = vector.broadcast %add3A_139 : i32 to vector<16xi32>
      %add3A_141 = arith.addi %add3A_138, %add3A_140 : vector<16xi32>
      %add3A_142 = arith.constant 0 : i32
      %add3A_143 = vector.broadcast %add3A_142 : i32 to vector<16xi32>
      %add3A_144 = arith.addi %broadcast_in_dim3A_40, %add3A_143 : vector<16xi32>
      %gather3A = tpu.vector_load_idx %arg9[%add3A_138, %add3A_144] : memref<4096x8xf32, #tpu.memory_space<vmem>>[vector<16xi32>, vector<16xi32>], vector<16xf32>,
      %add3A_145 = arith.constant 1 : i32
      %add3A_146 = vector.broadcast %add3A_145 : i32 to vector<16xi32>
      %add3A_147 = arith.addi %broadcast_in_dim3A_40, %add3A_146 : vector<16xi32>
      %gather3A_148 = tpu.vector_load_idx %arg9[%add3A_138, %add3A_147] : memref<4096x8xf32, #tpu.memory_space<vmem>>[vector<16xi32>, vector<16xi32>], vector<16xf32>,
      %add3A_149 = arith.constant 2 : i32
      %add3A_150 = vector.broadcast %add3A_149 : i32 to vector<16xi32>
      %add3A_151 = arith.addi %broadcast_in_dim3A_40, %add3A_150 : vector<16xi32>
      %gather3A_152 = tpu.vector_load_idx %arg9[%add3A_138, %add3A_151] : memref<4096x8xf32, #tpu.memory_space<vmem>>[vector<16xi32>, vector<16xi32>], vector<16xf32>,
      %add3A_153 = arith.constant 3 : i32
      %add3A_154 = vector.broadcast %add3A_153 : i32 to vector<16xi32>
      %add3A_155 = arith.addi %broadcast_in_dim3A_40, %add3A_154 : vector<16xi32>
      %gather3A_156 = tpu.vector_load_idx %arg9[%add3A_138, %add3A_155] : memref<4096x8xf32, #tpu.memory_space<vmem>>[vector<16xi32>, vector<16xi32>], vector<16xf32>,
      %add3A_157 = arith.constant 4 : i32
      %add3A_158 = vector.broadcast %add3A_157 : i32 to vector<16xi32>
      %add3A_159 = arith.addi %broadcast_in_dim3A_40, %add3A_158 : vector<16xi32>
      %gather3A_160 = tpu.vector_load_idx %arg9[%add3A_138, %add3A_159] : memref<4096x8xf32, #tpu.memory_space<vmem>>[vector<16xi32>, vector<16xi32>], vector<16xf32>,
      %add3A_161 = arith.constant 0 : i32
      %add3A_162 = vector.broadcast %add3A_161 : i32 to vector<16xi32>
      %add3A_163 = arith.addi %broadcast_in_dim3A_40, %add3A_162 : vector<16xi32>
      %gather3A_164 = tpu.vector_load_idx %arg9[%add3A_141, %add3A_163] : memref<4096x8xf32, #tpu.memory_space<vmem>>[vector<16xi32>, vector<16xi32>], vector<16xf32>,
      %add3A_165 = arith.constant 1 : i32
      %add3A_166 = vector.broadcast %add3A_165 : i32 to vector<16xi32>
      %add3A_167 = arith.addi %broadcast_in_dim3A_40, %add3A_166 : vector<16xi32>
      %gather3A_168 = tpu.vector_load_idx %arg9[%add3A_141, %add3A_167] : memref<4096x8xf32, #tpu.memory_space<vmem>>[vector<16xi32>, vector<16xi32>], vector<16xf32>,
      %add3A_169 = arith.constant 2 : i32
      %add3A_170 = vector.broadcast %add3A_169 : i32 to vector<16xi32>
      %add3A_171 = arith.addi %broadcast_in_dim3A_40, %add3A_170 : vector<16xi32>
      %gather3A_172 = tpu.vector_load_idx %arg9[%add3A_141, %add3A_171] : memref<4096x8xf32, #tpu.memory_space<vmem>>[vector<16xi32>, vector<16xi32>], vector<16xf32>,
      %add3A_173 = arith.constant 3 : i32
      %add3A_174 = vector.broadcast %add3A_173 : i32 to vector<16xi32>
      %add3A_175 = arith.addi %broadcast_in_dim3A_40, %add3A_174 : vector<16xi32>
      %gather3A_176 = tpu.vector_load_idx %arg9[%add3A_141, %add3A_175] : memref<4096x8xf32, #tpu.memory_space<vmem>>[vector<16xi32>, vector<16xi32>], vector<16xf32>,
      %add3A_177 = arith.constant 4 : i32
      %add3A_178 = vector.broadcast %add3A_177 : i32 to vector<16xi32>
      %add3A_179 = arith.addi %broadcast_in_dim3A_40, %add3A_178 : vector<16xi32>
      %gather3A_180 = tpu.vector_load_idx %arg9[%add3A_141, %add3A_179] : memref<4096x8xf32, #tpu.memory_space<vmem>>[vector<16xi32>, vector<16xi32>], vector<16xf32>,
      %sub3A_181 = arith.subf %gather3A, %gather3A_164 : vector<16xf32>
      %bitcast3A = vector.bitcast %sub3A_181 : vector<16xf32> to vector<16xi32>
      %add3A_182 = arith.constant 32767 : i32
      %add3A_183 = vector.broadcast %add3A_182 : i32 to vector<16xi32>
      %add3A_184 = arith.addi %bitcast3A, %add3A_183 : vector<16xi32>
      %shift_right_arithmetic3A = arith.constant 16 : i32
      %shift_right_arithmetic3A_185 = vector.broadcast %shift_right_arithmetic3A : i32 to vector<16xi32>
      %shift_right_arithmetic3A_186 = arith.shrsi %bitcast3A, %shift_right_arithmetic3A_185 : vector<16xi32>
      %and3A_187 = arith.constant 1 : i32
      %and3A_188 = vector.broadcast %and3A_187 : i32 to vector<16xi32>
      %and3A_189 = arith.andi %shift_right_arithmetic3A_186, %and3A_188 : vector<16xi32>
      %add3A_190 = arith.addi %add3A_184, %and3A_189 : vector<16xi32>
      %and3A_191 = arith.constant -65536 : i32
      %and3A_192 = vector.broadcast %and3A_191 : i32 to vector<16xi32>
      %and3A_193 = arith.andi %add3A_190, %and3A_192 : vector<16xi32>
      %bitcast3A_194 = vector.bitcast %and3A_193 : vector<16xi32> to vector<16xf32>
      %sub3A_195 = arith.subf %gather3A_148, %gather3A_168 : vector<16xf32>
      %bitcast3A_196 = vector.bitcast %sub3A_195 : vector<16xf32> to vector<16xi32>
      %add3A_197 = arith.constant 32767 : i32
      %add3A_198 = vector.broadcast %add3A_197 : i32 to vector<16xi32>
      %add3A_199 = arith.addi %bitcast3A_196, %add3A_198 : vector<16xi32>
      %shift_right_arithmetic3A_200 = arith.constant 16 : i32
      %shift_right_arithmetic3A_201 = vector.broadcast %shift_right_arithmetic3A_200 : i32 to vector<16xi32>
      %shift_right_arithmetic3A_202 = arith.shrsi %bitcast3A_196, %shift_right_arithmetic3A_201 : vector<16xi32>
      %and3A_203 = arith.constant 1 : i32
      %and3A_204 = vector.broadcast %and3A_203 : i32 to vector<16xi32>
      %and3A_205 = arith.andi %shift_right_arithmetic3A_202, %and3A_204 : vector<16xi32>
      %add3A_206 = arith.addi %add3A_199, %and3A_205 : vector<16xi32>
      %and3A_207 = arith.constant -65536 : i32
      %and3A_208 = vector.broadcast %and3A_207 : i32 to vector<16xi32>
      %and3A_209 = arith.andi %add3A_206, %and3A_208 : vector<16xi32>
      %bitcast3A_210 = vector.bitcast %and3A_209 : vector<16xi32> to vector<16xf32>
      %sub3A_211 = arith.subf %gather3A_152, %gather3A_172 : vector<16xf32>
      %bitcast3A_212 = vector.bitcast %sub3A_211 : vector<16xf32> to vector<16xi32>
      %add3A_213 = arith.constant 32767 : i32
      %add3A_214 = vector.broadcast %add3A_213 : i32 to vector<16xi32>
      %add3A_215 = arith.addi %bitcast3A_212, %add3A_214 : vector<16xi32>
      %shift_right_arithmetic3A_216 = arith.constant 16 : i32
      %shift_right_arithmetic3A_217 = vector.broadcast %shift_right_arithmetic3A_216 : i32 to vector<16xi32>
      %shift_right_arithmetic3A_218 = arith.shrsi %bitcast3A_212, %shift_right_arithmetic3A_217 : vector<16xi32>
      %and3A_219 = arith.constant 1 : i32
      %and3A_220 = vector.broadcast %and3A_219 : i32 to vector<16xi32>
      %and3A_221 = arith.andi %shift_right_arithmetic3A_218, %and3A_220 : vector<16xi32>
      %add3A_222 = arith.addi %add3A_215, %and3A_221 : vector<16xi32>
      %and3A_223 = arith.constant -65536 : i32
      %and3A_224 = vector.broadcast %and3A_223 : i32 to vector<16xi32>
      %and3A_225 = arith.andi %add3A_222, %and3A_224 : vector<16xi32>
      %bitcast3A_226 = vector.bitcast %and3A_225 : vector<16xi32> to vector<16xf32>
      %mul3A_227 = vector.broadcast %squeeze3A : f32 to vector<16xf32>
      %mul3A_228 = arith.mulf %bitcast3A_194, %mul3A_227 : vector<16xf32>
      %mul3A_229 = vector.broadcast %squeeze3A_9 : f32 to vector<16xf32>
      %mul3A_230 = arith.mulf %bitcast3A_210, %mul3A_229 : vector<16xf32>
      %add3A_231 = arith.addf %mul3A_228, %mul3A_230 : vector<16xf32>
      %mul3A_232 = vector.broadcast %squeeze3A_15 : f32 to vector<16xf32>
      %mul3A_233 = arith.mulf %bitcast3A_226, %mul3A_232 : vector<16xf32>
      %add3A_234 = arith.addf %add3A_231, %mul3A_233 : vector<16xf32>
      %mul3A_235 = vector.broadcast %squeeze3A_5 : f32 to vector<16xf32>
      %mul3A_236 = arith.mulf %bitcast3A_194, %mul3A_235 : vector<16xf32>
      %mul3A_237 = vector.broadcast %squeeze3A_11 : f32 to vector<16xf32>
      %mul3A_238 = arith.mulf %bitcast3A_210, %mul3A_237 : vector<16xf32>
      %add3A_239 = arith.addf %mul3A_236, %mul3A_238 : vector<16xf32>
      %mul3A_240 = vector.broadcast %squeeze3A_17 : f32 to vector<16xf32>
      %mul3A_241 = arith.mulf %bitcast3A_226, %mul3A_240 : vector<16xf32>
      %add3A_242 = arith.addf %add3A_239, %mul3A_241 : vector<16xf32>
      %mul3A_243 = vector.broadcast %squeeze3A_7 : f32 to vector<16xf32>
      %mul3A_244 = arith.mulf %bitcast3A_194, %mul3A_243 : vector<16xf32>
      %mul3A_245 = vector.broadcast %squeeze3A_13 : f32 to vector<16xf32>
      %mul3A_246 = arith.mulf %bitcast3A_210, %mul3A_245 : vector<16xf32>
      %add3A_247 = arith.addf %mul3A_244, %mul3A_246 : vector<16xf32>
      %mul3A_248 = vector.broadcast %squeeze3A_19 : f32 to vector<16xf32>
      %mul3A_249 = arith.mulf %bitcast3A_226, %mul3A_248 : vector<16xf32>
      %add3A_250 = arith.addf %add3A_247, %mul3A_249 : vector<16xf32>
      %add3A_251 = arith.constant 5.000000e-01 : f32
      %add3A_252 = vector.broadcast %add3A_251 : f32 to vector<16xf32>
      %add3A_253 = arith.addf %add3A_234, %add3A_252 : vector<16xf32>
      %convert_element_type3A = arith.fptosi %add3A_253 : vector<16xf32> to vector<16xi32>
      %convert_element_type3A_254 = arith.sitofp %convert_element_type3A : vector<16xi32> to vector<16xf32>
      %gt3A = arith.cmpf ogt, %convert_element_type3A_254, %add3A_253 : vector<16xf32>
      %sub3A_255 = arith.constant 1.000000e+00 : f32
      %sub3A_256 = vector.broadcast %sub3A_255 : f32 to vector<16xf32>
      %sub3A_257 = arith.subf %convert_element_type3A_254, %sub3A_256 : vector<16xf32>
      %select_n3A_258 = arith.select %gt3A, %sub3A_257, %convert_element_type3A_254 : vector<16xi1>, vector<16xf32>
      %sub3A_259 = arith.subf %add3A_234, %select_n3A_258 : vector<16xf32>
      %bitcast3A_260 = vector.bitcast %sub3A_259 : vector<16xf32> to vector<16xi32>
      %add3A_261 = arith.constant 32767 : i32
      %add3A_262 = vector.broadcast %add3A_261 : i32 to vector<16xi32>
      %add3A_263 = arith.addi %bitcast3A_260, %add3A_262 : vector<16xi32>
      %shift_right_arithmetic3A_264 = arith.constant 16 : i32
      %shift_right_arithmetic3A_265 = vector.broadcast %shift_right_arithmetic3A_264 : i32 to vector<16xi32>
      %shift_right_arithmetic3A_266 = arith.shrsi %bitcast3A_260, %shift_right_arithmetic3A_265 : vector<16xi32>
      %and3A_267 = arith.constant 1 : i32
      %and3A_268 = vector.broadcast %and3A_267 : i32 to vector<16xi32>
      %and3A_269 = arith.andi %shift_right_arithmetic3A_266, %and3A_268 : vector<16xi32>
      %add3A_270 = arith.addi %add3A_263, %and3A_269 : vector<16xi32>
      %and3A_271 = arith.constant -65536 : i32
      %and3A_272 = vector.broadcast %and3A_271 : i32 to vector<16xi32>
      %and3A_273 = arith.andi %add3A_270, %and3A_272 : vector<16xi32>
      %bitcast3A_274 = vector.bitcast %and3A_273 : vector<16xi32> to vector<16xf32>
      %add3A_275 = arith.constant 5.000000e-01 : f32
      %add3A_276 = vector.broadcast %add3A_275 : f32 to vector<16xf32>
      %add3A_277 = arith.addf %add3A_242, %add3A_276 : vector<16xf32>
      %convert_element_type3A_278 = arith.fptosi %add3A_277 : vector<16xf32> to vector<16xi32>
      %convert_element_type3A_279 = arith.sitofp %convert_element_type3A_278 : vector<16xi32> to vector<16xf32>
      %gt3A_280 = arith.cmpf ogt, %convert_element_type3A_279, %add3A_277 : vector<16xf32>
      %sub3A_281 = arith.constant 1.000000e+00 : f32
      %sub3A_282 = vector.broadcast %sub3A_281 : f32 to vector<16xf32>
      %sub3A_283 = arith.subf %convert_element_type3A_279, %sub3A_282 : vector<16xf32>
      %select_n3A_284 = arith.select %gt3A_280, %sub3A_283, %convert_element_type3A_279 : vector<16xi1>, vector<16xf32>
      %sub3A_285 = arith.subf %add3A_242, %select_n3A_284 : vector<16xf32>
      %bitcast3A_286 = vector.bitcast %sub3A_285 : vector<16xf32> to vector<16xi32>
      %add3A_287 = arith.constant 32767 : i32
      %add3A_288 = vector.broadcast %add3A_287 : i32 to vector<16xi32>
      %add3A_289 = arith.addi %bitcast3A_286, %add3A_288 : vector<16xi32>
      %shift_right_arithmetic3A_290 = arith.constant 16 : i32
      %shift_right_arithmetic3A_291 = vector.broadcast %shift_right_arithmetic3A_290 : i32 to vector<16xi32>
      %shift_right_arithmetic3A_292 = arith.shrsi %bitcast3A_286, %shift_right_arithmetic3A_291 : vector<16xi32>
      %and3A_293 = arith.constant 1 : i32
      %and3A_294 = vector.broadcast %and3A_293 : i32 to vector<16xi32>
      %and3A_295 = arith.andi %shift_right_arithmetic3A_292, %and3A_294 : vector<16xi32>
      %add3A_296 = arith.addi %add3A_289, %and3A_295 : vector<16xi32>
      %and3A_297 = arith.constant -65536 : i32
      %and3A_298 = vector.broadcast %and3A_297 : i32 to vector<16xi32>
      %and3A_299 = arith.andi %add3A_296, %and3A_298 : vector<16xi32>
      %bitcast3A_300 = vector.bitcast %and3A_299 : vector<16xi32> to vector<16xf32>
      %add3A_301 = arith.constant 5.000000e-01 : f32
      %add3A_302 = vector.broadcast %add3A_301 : f32 to vector<16xf32>
      %add3A_303 = arith.addf %add3A_250, %add3A_302 : vector<16xf32>
      %convert_element_type3A_304 = arith.fptosi %add3A_303 : vector<16xf32> to vector<16xi32>
      %convert_element_type3A_305 = arith.sitofp %convert_element_type3A_304 : vector<16xi32> to vector<16xf32>
      %gt3A_306 = arith.cmpf ogt, %convert_element_type3A_305, %add3A_303 : vector<16xf32>
      %sub3A_307 = arith.constant 1.000000e+00 : f32
      %sub3A_308 = vector.broadcast %sub3A_307 : f32 to vector<16xf32>
      %sub3A_309 = arith.subf %convert_element_type3A_305, %sub3A_308 : vector<16xf32>
      %select_n3A_310 = arith.select %gt3A_306, %sub3A_309, %convert_element_type3A_305 : vector<16xi1>, vector<16xf32>
      %sub3A_311 = arith.subf %add3A_250, %select_n3A_310 : vector<16xf32>
      %bitcast3A_312 = vector.bitcast %sub3A_311 : vector<16xf32> to vector<16xi32>
      %add3A_313 = arith.constant 32767 : i32
      %add3A_314 = vector.broadcast %add3A_313 : i32 to vector<16xi32>
      %add3A_315 = arith.addi %bitcast3A_312, %add3A_314 : vector<16xi32>
      %shift_right_arithmetic3A_316 = arith.constant 16 : i32
      %shift_right_arithmetic3A_317 = vector.broadcast %shift_right_arithmetic3A_316 : i32 to vector<16xi32>
      %shift_right_arithmetic3A_318 = arith.shrsi %bitcast3A_312, %shift_right_arithmetic3A_317 : vector<16xi32>
      %and3A_319 = arith.constant 1 : i32
      %and3A_320 = vector.broadcast %and3A_319 : i32 to vector<16xi32>
      %and3A_321 = arith.andi %shift_right_arithmetic3A_318, %and3A_320 : vector<16xi32>
      %add3A_322 = arith.addi %add3A_315, %and3A_321 : vector<16xi32>
      %and3A_323 = arith.constant -65536 : i32
      %and3A_324 = vector.broadcast %and3A_323 : i32 to vector<16xi32>
      %and3A_325 = arith.andi %add3A_322, %and3A_324 : vector<16xi32>
      %bitcast3A_326 = vector.bitcast %and3A_325 : vector<16xi32> to vector<16xf32>
      %mul3A_327 = vector.broadcast %squeeze3A_21 : f32 to vector<16xf32>
      %mul3A_328 = arith.mulf %bitcast3A_274, %mul3A_327 : vector<16xf32>
      %mul3A_329 = vector.broadcast %squeeze3A_27 : f32 to vector<16xf32>
      %mul3A_330 = arith.mulf %bitcast3A_300, %mul3A_329 : vector<16xf32>
      %add3A_331 = arith.addf %mul3A_328, %mul3A_330 : vector<16xf32>
      %mul3A_332 = vector.broadcast %squeeze3A_33 : f32 to vector<16xf32>
      %mul3A_333 = arith.mulf %bitcast3A_326, %mul3A_332 : vector<16xf32>
      %add3A_334 = arith.addf %add3A_331, %mul3A_333 : vector<16xf32>
      %mul3A_335 = vector.broadcast %squeeze3A_23 : f32 to vector<16xf32>
      %mul3A_336 = arith.mulf %bitcast3A_274, %mul3A_335 : vector<16xf32>
      %mul3A_337 = vector.broadcast %squeeze3A_29 : f32 to vector<16xf32>
      %mul3A_338 = arith.mulf %bitcast3A_300, %mul3A_337 : vector<16xf32>
      %add3A_339 = arith.addf %mul3A_336, %mul3A_338 : vector<16xf32>
      %mul3A_340 = vector.broadcast %squeeze3A_35 : f32 to vector<16xf32>
      %mul3A_341 = arith.mulf %bitcast3A_326, %mul3A_340 : vector<16xf32>
      %add3A_342 = arith.addf %add3A_339, %mul3A_341 : vector<16xf32>
      %mul3A_343 = vector.broadcast %squeeze3A_25 : f32 to vector<16xf32>
      %mul3A_344 = arith.mulf %bitcast3A_274, %mul3A_343 : vector<16xf32>
      %mul3A_345 = vector.broadcast %squeeze3A_31 : f32 to vector<16xf32>
      %mul3A_346 = arith.mulf %bitcast3A_300, %mul3A_345 : vector<16xf32>
      %add3A_347 = arith.addf %mul3A_344, %mul3A_346 : vector<16xf32>
      %mul3A_348 = vector.broadcast %squeeze3A_37 : f32 to vector<16xf32>
      %mul3A_349 = arith.mulf %bitcast3A_326, %mul3A_348 : vector<16xf32>
      %add3A_350 = arith.addf %add3A_347, %mul3A_349 : vector<16xf32>
      %mul3A_351 = arith.mulf %add3A_334, %add3A_334 : vector<16xf32>
      %mul3A_352 = arith.mulf %add3A_342, %add3A_342 : vector<16xf32>
      %add3A_353 = arith.addf %mul3A_351, %mul3A_352 : vector<16xf32>
      %mul3A_354 = arith.mulf %add3A_350, %add3A_350 : vector<16xf32>
      %add3A_355 = arith.addf %add3A_353, %mul3A_354 : vector<16xf32>
      %add3A_356 = arith.addf %gather3A_156, %gather3A_176 : vector<16xf32>
      %mul3A_357 = arith.constant 5.000000e-01 : f32
      %mul3A_358 = vector.broadcast %mul3A_357 : f32 to vector<16xf32>
      %mul3A_359 = arith.mulf %add3A_356, %mul3A_358 : vector<16xf32>
      %div3A_360 = arith.constant 1.000000e+00 : f32
      %div3A_361 = vector.broadcast %div3A_360 : f32 to vector<16xf32>
      %div3A_362 = arith.divf %div3A_361, %add3A_355 : vector<16xf32>
      %mul3A_363 = arith.mulf %add3A_355, %div3A_362 : vector<16xf32>
      %sub3A_364 = arith.constant 2.000000e+00 : f32
      %sub3A_365 = vector.broadcast %sub3A_364 : f32 to vector<16xf32>
      %sub3A_366 = arith.subf %sub3A_365, %mul3A_363 : vector<16xf32>
      %mul3A_367 = arith.mulf %div3A_362, %sub3A_366 : vector<16xf32>
      %mul3A_368 = arith.mulf %add3A_355, %mul3A_367 : vector<16xf32>
      %sub3A_369 = arith.constant 2.000000e+00 : f32
      %sub3A_370 = vector.broadcast %sub3A_369 : f32 to vector<16xf32>
      %sub3A_371 = arith.subf %sub3A_370, %mul3A_368 : vector<16xf32>
      %mul3A_372 = arith.mulf %mul3A_367, %sub3A_371 : vector<16xf32>
      %mul3A_373 = arith.mulf %mul3A_359, %mul3A_359 : vector<16xf32>
      %mul3A_374 = arith.mulf %mul3A_373, %mul3A_372 : vector<16xf32>
      %mul3A_375 = arith.mulf %mul3A_374, %mul3A_374 : vector<16xf32>
      %mul3A_376 = arith.mulf %mul3A_375, %mul3A_374 : vector<16xf32>
      %mul3A_377 = arith.mulf %gather3A_160, %gather3A_180 : vector<16xf32>
      %mul3A_378 = arith.constant 4.000000e+00 : f32
      %mul3A_379 = vector.broadcast %mul3A_378 : f32 to vector<16xf32>
      %mul3A_380 = arith.mulf %mul3A_379, %mul3A_377 : vector<16xf32>
      %sub3A_381 = arith.constant 1.000000e+00 : f32
      %sub3A_382 = vector.broadcast %sub3A_381 : f32 to vector<16xf32>
      %sub3A_383 = arith.subf %mul3A_376, %sub3A_382 : vector<16xf32>
      %mul3A_384 = arith.mulf %mul3A_376, %sub3A_383 : vector<16xf32>
      %mul3A_385 = arith.mulf %mul3A_380, %mul3A_384 : vector<16xf32>
      %le3A = vector.broadcast %squeeze3A_39 : f32 to vector<16xf32>
      %le3A_386 = arith.cmpf ole, %add3A_355, %le3A : vector<16xf32>
      %jit3A_387 = arith.constant 0.000000e+00 : f32
      %broadcast_in_dim3A_388 = vector.broadcast %jit3A_387 : f32 to vector<16xf32>
      %select_n3A_389 = arith.select %le3A_386, %mul3A_385, %broadcast_in_dim3A_388 : vector<16xi1>, vector<16xf32>
      %add3A_390 = arith.addf %scan3A_110, %select_n3A_389 : vector<16xf32>
      scf.yield %add3A_390 : vector<16xf32>
    }
    %scan3A_103 = arith.constant 128 : i32
    %jit3A_104 = arith.constant 0.000000e+00 : f32
    %broadcast_in_dim3A_105 = vector.broadcast %jit3A_104 : f32 to vector<16xf32>
    %select_n3A_106 = arith.select %lt3A_95, %scan3A_102, %broadcast_in_dim3A_105 : vector<16xf32>
    %add3A_107 = arith.addf %add3A_88, %select_n3A_106 : vector<16xf32>
    %swap3A = arith.constant 0 : index
    %swap3A_108 = tpu.vector_load %arg11[%swap3A] {strides = array<i32>} : memref<16xf32, #tpu.memory_space<vmem>>, vector<16xf32>,
    tpu.vector_store %arg11[%swap3A], %add3A_107 {strides = array<i32>} : memref<16xf32, #tpu.memory_space<vmem>>, vector<16xf32>,
    "tpu.region"() ({
      %run_scoped3A = tpu.sem_alloc : memref<!tpu.dma_semaphore, #tpu.memory_space<semaphore_mem>>
      %dma_start3A_109 = arith.constant 0 : i32
      %dma_start3A_110 = tpu.memref_slice %arg5[%add3A, %dma_start3A_109] : memref<32x16xf32, #tpu.memory_space<hbm>> -> memref<1x16xf32, #tpu.memory_space<hbm>>
      %dma_start3A_111 = tpu.memref_squeeze %dma_start3A_110 : memref<1x16xf32, #tpu.memory_space<hbm>> -> memref<16xf32, #tpu.memory_space<hbm>>
      %dma_start3A_112 = arith.constant 0 : i32
      %dma_start3A_113 = tpu.memref_slice %arg5[%add3A, %dma_start3A_112] : memref<32x16xf32, #tpu.memory_space<hbm>> -> memref<1x16xf32, #tpu.memory_space<hbm>>
      %dma_start3A_114 = tpu.memref_squeeze %dma_start3A_113 : memref<1x16xf32, #tpu.memory_space<hbm>> -> memref<16xf32, #tpu.memory_space<hbm>>
      tpu.enqueue_dma source(%arg11 : memref<16xf32, #tpu.memory_space<vmem>>) target(%dma_start3A_114 : memref<16xf32, #tpu.memory_space<hbm>>) target_semaphore(%run_scoped3A : memref<!tpu.dma_semaphore, #tpu.memory_space<semaphore_mem>>)
      %dma_wait3A_115 = arith.constant 0 : i32
      %dma_wait3A_116 = tpu.memref_slice %arg5[%add3A, %dma_wait3A_115] : memref<32x16xf32, #tpu.memory_space<hbm>> -> memref<1x16xf32, #tpu.memory_space<hbm>>
      %dma_wait3A_117 = tpu.memref_squeeze %dma_wait3A_116 : memref<1x16xf32, #tpu.memory_space<hbm>> -> memref<16xf32, #tpu.memory_space<hbm>>
      %dma_wait3A_118 = arith.constant 0 : i32
      %dma_wait3A_119 = tpu.memref_slice %arg5[%add3A, %dma_wait3A_118] : memref<32x16xf32, #tpu.memory_space<hbm>> -> memref<1x16xf32, #tpu.memory_space<hbm>>
      %dma_wait3A_120 = tpu.memref_squeeze %dma_wait3A_119 : memref<1x16xf32, #tpu.memory_space<hbm>> -> memref<16xf32, #tpu.memory_space<hbm>>
      tpu.wait_dma2 semaphore(%run_scoped3A : memref<!tpu.dma_semaphore, #tpu.memory_space<semaphore_mem>>) src(%arg11 : memref<16xf32, #tpu.memory_space<vmem>>) dst(%dma_wait3A_120 : memref<16xf32, #tpu.memory_space<hbm>>)
      tpu.yield
    }) : () -> ()
    return
  }
}

</mosaic_0001>

<sc_bundles>
// kernel: _lj_launch.3.cloned.1.call-start
scs
__scs_entry_jumppad:
0x0: {  	(pc) =	sbr.rel $0x88, $3  }
0x1: {  	(tag) =	ssettag $0x0;
	lr =	simm.s32 $0x1  }
0x2: {  	[smem:$0x3F9E] =	sst lr;
	_ =	strace $0xD0000000  }
0x3: {  	_ = 	snop  }
0x4: {  	_ = 	snop  }
0x5: {  	_ = 	snop  }
0x6: {  	_ = 	snop  }
0x7: {  	_ = 	snop  }
__scs_overlays_trampoline_lowered:
0x8: {  	[smem:$0x3FAD] =	sst s0  }
0x9: {  	[smem:$0x3FAE] =	sst s1  }
0xa: {  	[smem:$0x3FAF] =	sst s2  }
0xb: {  	[smem:$0x3FB0] =	sst s3  }
0xc: {  	[smem:$0x3FB1] =	sst s4  }
0xd: {  	[smem:$0x3FB2] =	sst s5  }
0xe: {  	[smem:$0x3FB3] =	sst s6  }
0xf: {  	[smem:$0x3FB4] =	sst s7  }
0x10: {  	[smem:$0x3FB5] =	sst s8  }
0x11: {  	[smem:$0x3FB6] =	sst s9;
	s0 =	simm.s32 @!p0 $0x0  }
0x12: {  	s1 =	sld [smem:$0x3F9C];
	s0 =	simm.s32 @p0 $0x1  }
0x13: {  	[smem:$0x3FB7] =	sst s0;
	s0 =	simm.s32 @!p1 $0x0  }
0x14: {  	s2 =	sld [smem:$0x3F9B];
	s0 =	simm.s32 @p1 $0x1  }
0x15: {  	[smem:$0x3FB8] =	sst s0;
	s0 =	simm.s32 @!p2 $0x0  }
0x16: {  	s3 =	sld [smem:$0x3FDB];
	s0 =	simm.s32 @p2 $0x1  }
0x17: {  	s4 =	simm.s32 $0x1BF5;
	[smem:$0x3FBA] =	sst s0  }
0x18: {  	s0 =	sld [smem:$0x3F9D];
	_ =	swait.ge [sflag:s4], $0x0  }
0x19: {  	s7 =	sld [smem:$0x3F9E]  }
0x1a: {  	s8 =	sadd.s32 $0xFFFFE003, lr  }
0x1b: {  	s9 =	sadd.s32 $0xFFFFFEF7, lr;
	s5 =	simm.s32 $0xFFFFFFFF;
	p2 =	slt.u32 s8, $0xFFFFF086  }
0x1c: {  	p1 =	slt.u32 s9, $0xF7A;
	s5 =	simm.s32 @!p2 $0x0  }
0x1d: {  	s5 =	simm.s32 @p1 $0x1;
	p0 =	seq.s32 s7, s2  }
0x1e: {  	s7 =	smul.u32 @!p0 $0xF7A, s2;
	p2 =	seq.s32 @!p0 s5, $0x0  }
0x1f: {  	s9 =	smul.u32 $0xF7A, s1;
	s8 =	simm.s32 @!p0 $0x1BF5;
	p2 =	por !p2, p0  }
0x20: {  	[sflag:s8] =	ssyncset.s32 @!p0 $0xFFFFF086;
	s6 =	sadd.s32 @!p0 s3, s7;
	s7 =	simm.s32 @!p0 $0x108  }
0x21: {  	s3 =	sadd.s32 s3, s9;
	s6 =	sadd.s32 @!p0 $0x88, s6;
	s7 =	simm.s32 @p2 $0x1082  }
0x22: {  	[simem:s7], [sflag:s8] =	dma.local @!p0 [hbm:s6], $0xF7A  }
0x23: {  	s9 =	sor.u32 $0xD0000000, s2;
	s6 =	simm.s32 $0x108;
	_ =	swait.ge @!p0 [sflag:s8], $0x0  }
0x24: {  	s3 =	sadd.s32 $0x88, s3;
	s6 =	simm.s32 @!p1 $0x1082;
	[sflag:s4] =	ssyncset.s32 $0xFFFFF086  }
0x25: {  	[simem:s6], [sflag:s4] =	dma.local [hbm:s3], $0xF7A  }
0x26: {  	[smem:$0x3F9E] =	sst s1;
	(tag) =	ssettag s2;
	_ =	strace s9  }
0x27: {  	s1 =	sld [smem:$0x3FAE]  }
0x28: {  	s2 =	sld [smem:$0x3FAF]  }
0x29: {  	s4 =	sld [smem:$0x3FB1]  }
0x2a: {  	p0 =	seq.s32 s5, $0x0;
	s5 =	sld [smem:$0x3FB2]  }
0x2b: {  	s6 =	sld [smem:$0x3FB3]  }
0x2c: {  	s7 =	sld [smem:$0x3FB4]  }
0x2d: {  	s3 =	simm.s32 $0x108;
	s8 =	sld [smem:$0x3FB5]  }
0x2e: {  	s3 =	simm.s32 @!p0 $0x1082;
	s9 =	sld [smem:$0x3FB6]  }
0x2f: {  	lr =	sadd.s32 s0, s3;
	s0 =	sld [smem:$0x3FAD]  }
0x30: {  	s3 =	sld [smem:$0x3FB0]  }
0x31: {  	[smem:$0x3FB9] =	sst s10  }
0x32: {  	s10 =	sld [smem:$0x3FB7];
	_ =	sdelay $0x3  }
0x33: {  	p0 =	seq.s32 s10, $0x1;
	s10 =	sld [smem:$0x3FB9];
	_ =	sdelay $0x3  }
0x34: {  	[smem:$0x3FB9] =	sst s10  }
0x35: {  	s10 =	sld [smem:$0x3FB8];
	_ =	sdelay $0x3  }
0x36: {  	p1 =	seq.s32 s10, $0x1;
	s10 =	sld [smem:$0x3FB9];
	_ =	sdelay $0x3  }
0x37: {  	[smem:$0x3FB9] =	sst s10  }
0x38: {  	s10 =	sld [smem:$0x3FBA]  }
0x39: {  	_ = 	snop;
	(pc) =	sbr.ind lr, $3  }
0x3a: {  	_ = 	snop  }
0x3b: {  	_ = 	snop  }
0x3c: {  	p2 =	seq.s32 s10, $0x1;
	s10 =	sld [smem:$0x3FB9]  }
0x3d: {  	_ =	shalt  }
0x3e: {  	_ =	shalt  }
0x3f: {  	_ =	shalt  }
0x40: {  	_ =	shalt  }
0x41: {  	_ =	shalt  }
0x42: {  	_ =	shalt  }
0x43: {  	_ =	shalt  }
0x44: {  	_ =	shalt  }
0x45: {  	_ =	shalt  }
0x46: {  	_ =	shalt  }
0x47: {  	_ =	shalt  }
0x48: {  	_ =	shalt  }
0x49: {  	_ =	shalt  }
0x4a: {  	_ =	shalt  }
0x4b: {  	_ =	shalt  }
0x4c: {  	_ =	shalt  }
0x4d: {  	_ =	shalt  }
0x4e: {  	_ =	shalt  }
0x4f: {  	_ =	shalt  }
0x50: {  	_ =	shalt  }
0x51: {  	_ =	shalt  }
0x52: {  	_ =	shalt  }
0x53: {  	_ =	shalt  }
0x54: {  	_ =	shalt  }
0x55: {  	_ =	shalt  }
0x56: {  	_ =	shalt  }
0x57: {  	_ =	shalt  }
0x58: {  	_ =	shalt  }
0x59: {  	_ =	shalt  }
0x5a: {  	_ =	shalt  }
0x5b: {  	_ =	shalt  }
0x5c: {  	_ =	shalt  }
0x5d: {  	_ =	shalt  }
0x5e: {  	_ =	shalt  }
0x5f: {  	_ =	shalt  }
0x60: {  	_ =	shalt  }
0x61: {  	_ =	shalt  }
0x62: {  	_ =	shalt  }
0x63: {  	_ =	shalt  }
0x64: {  	_ =	shalt  }
0x65: {  	_ =	shalt  }
0x66: {  	_ =	shalt  }
0x67: {  	_ =	shalt  }
0x68: {  	_ =	shalt  }
0x69: {  	_ =	shalt  }
0x6a: {  	_ =	shalt  }
0x6b: {  	_ =	shalt  }
0x6c: {  	_ =	shalt  }
0x6d: {  	_ =	shalt  }
0x6e: {  	_ =	shalt  }
0x6f: {  	_ =	shalt  }
0x70: {  	_ =	shalt  }
0x71: {  	_ =	shalt  }
0x72: {  	_ =	shalt  }
0x73: {  	_ =	shalt  }
0x74: {  	_ =	shalt  }
0x75: {  	_ =	shalt  }
0x76: {  	_ =	shalt  }
0x77: {  	_ =	shalt  }
0x78: {  	_ =	shalt  }
0x79: {  	_ =	shalt  }
0x7a: {  	_ =	shalt  }
0x7b: {  	_ =	shalt  }
0x7c: {  	_ =	shalt  }
0x7d: {  	_ =	shalt  }
0x7e: {  	_ =	shalt  }
0x7f: {  	_ =	shalt  }
0x80: {  	_ =	shalt  }
0x81: {  	_ =	shalt  }
0x82: {  	_ =	shalt  }
0x83: {  	_ =	shalt  }
0x84: {  	_ =	shalt  }
0x85: {  	_ =	shalt  }
0x86: {  	_ =	shalt  }
0x87: {  	_ =	shalt  }
.Lfunc_end0:
.L_simem_size_0:
called_computation_lowered:
.L_overlay_start_0:
0x88: {  	s2 =	sld [smem:$0x3FD9]  }
0x89: {  	s3 =	sld [smem:$0x3FFE];
	_ =	sdelay $0x1  }
0x8a: {  	s1 =	srdreg.scid  }
0x8b: {  	s0 =	sand.u32 $0x1, s1  }
0x8c: {  	s17 =	sshll.u32 s0, $0xA;
	s2 =	sadd.s32 s3, s2  }
0x8d: {  	s2 =	sadd.s32 s2, s17  }
0x8e: {  	[smem:$0x3FC5] =	sst s2  }
0x8f: {  	_ = 	snop  }
0x90: {  	s2 =	sld [smem:$0x3FC9]  }
0x91: {  	s18 =	sld [smem:$0x3FC7];
	(tm) =	ssettm $0x1  }
0x92: {  	s4 =	sld [smem:$0x3FFB];
	_ =	sdelay $0x3  }
0x93: {  	_ =	strace s4  }
0x94: {  	s4 =	sld [smem:$0x3FFC];
	_ =	sdelay $0x3  }
0x95: {  	_ =	strace s4  }
0x96: {  	s4 =	sld [smem:$0x3FFD];
	_ =	sdelay $0x3  }
0x97: {  	_ =	strace s4  }
0x98: {  	_ =	strace $0x8FFFFFFF  }
0x99: {  	s19 =	sld [smem:$0x3FDB];
	_ =	sdelay $0x1  }
0x9a: {  	s5 =	simm.s32 $_scs_section_size  }
0x9b: {  	s6 =	simm.s32 $_size__tile_overlayer_lowered;
	s7 =	simm.s32 $_tile_overlayer_lowered  }
0x9c: {  	s22 =	simm.s32 $0x1BFF;
	s21 =	sshll.u32 s7, $0x1;
	s4 =	sadd.s32 s5, s19  }
0x9d: {  	s8 =	simm.s32 $0x0;
	s20 =	sshll.u32 s6, $0x1;
	s6 =	sadd.s32 s21, s4  }
0x9e: {  	[timem:s8], [sflag:s22] =	dma.local [hbm:s6], s20  }
0x9f: {  	_ =	swait.ge [sflag:s22], s20  }
0xa0: {  	s5 =	ssub.s32 $0x0, s20;
	[sflag:s22] =	ssyncset.done $0x0  }
0xa1: {  	[sflag:s22] =	ssyncadd.s32 s5;
	_ =	sdelay $0x1  }
0xa2: {  	s23 =	simm.s32 $0x1B8B  }
0xa3: {  	_ =	swait.ge [sflag:s23], $0x1  }
0xa4: {  	[sflag:s23] =	ssyncset.done $0x0  }
0xa5: {  	s25 =	simm.s32 $0x1B8E;
	s24 =	sld [smem:$0x3FFE];
	[sflag:s23] =	ssyncadd.s32 $0xFFFFFFFF  }
0xa6: {  	s26 =	simm.s32 $execute0_lowered;
	[smem:$0x3FD2] =	sst s25  }
0xa7: {  	s6 =	sshll.u32 s26, $0x1;
	_ =	strace $0x80000046;
	[dreg:$0x1] =	wrdreg $0xFFFFFFFF  }
0xa8: {  	s28 =	simm.s32 $_size_execute0_lowered;
	s4 =	sadd.s32 s4, s6;
	[dreg:$0x0] =	wrdreg $0x0  }
0xa9: {  	s6 =	sshll.u32 s28, $0x1;
	[dreg:$0x2] =	wrdreg s4  }
0xaa: {  	[dreg:$0x3] =	wrdreg s6  }
0xab: {  	[dreg:$0x4] =	wrdreg $0xC0  }
0xac: {  	_ =	task [dreg:s8], $0x5FFFF  }
0xad: {  	[dreg:$0x1] =	wrdreg $0xFFFFFFFF  }
0xae: {  	[dreg:$0x0] =	wrdreg $0x60  }
0xaf: {  	[dreg:$0x2] =	wrdreg s2  }
0xb0: {  	[dreg:$0x3] =	wrdreg s24  }
0xb1: {  	[dreg:$0x4] =	wrdreg s18  }
0xb2: {  	[dreg:$0x5] =	wrdreg $0x9  }
0xb3: {  	_ =	task.clear_ibuf [dreg:s8], $0x6FFFF;
	_ =	strace $0x90000046  }
0xb4: {  	s29 =	simm.s32 $0x9;
	_ =	strace $0x80000048  }
0xb5: {  	_ =	swait.ge [sflag:s29], $0x1  }
0xb6: {  	[sflag:s29] =	ssyncadd.s32 $0xFFFFFFFF  }
0xb7: {  	_ =	strace $0x90000048  }
0xb8: {  	_ =	sfence  }
0xb9: {  	s30 =	sld [smem:$0x0];
	_ =	sdelay $0x2  }
0xba: {  	s31 =	sshll.u32 s1, $0xD;
	s1 =	sshrl.u32 s1, $0x2  }
0xbb: {  	s3 =	sand.u32 $0x4000, s31;
	s1 =	sadd.s32 s1, s30  }
0xbc: {  	s0 =	sor.u32 s3, s0;
	s1 =	sshll.u32 s1, $0x11  }
0xbd: {  	s0 =	sor.u32 s1, s0  }
0xbe: {  	s0 =	sadd.s32 $0x8F2B, s0  }
0xbf: {  	[sflag:s0] =	ssyncadd.remote.s32 $0x1  }
0xc0: {  	_ =	sfence.sel $0xFFFF  }
0xc1: {  	[dreg:$0x0] =	wrdreg $0xFFFFFFFF;
	(pc) =	sbr.abs _section_cstart, $3  }
0xc2: {  	[dreg:$0x1] =	wrdreg $0xFFFFFFFF  }
0xc3: {  	_ =	task.clear_ibuf [dreg:s8], $0x2FFFF;
	_ =	strace $0x9FFFFFFF  }
0xc4: {  	(tm) =	ssettm $0x7FFFFFFF  }
0xc5: {  	_ =	shalt  }
tec
execute0_lowered:
.L_overlay_start_1:
0x0: {  	(tag) =	ssettag $0x1  }
0x1: {  	s1 =	rddreg [dreg:$0x0]  }
0x2: {  	s10 =	rddreg [dreg:$0x1]  }
0x3: {  	s3 =	rddreg [dreg:$0x2]  }
0x4: {  	s0 =	rddreg [dreg:$0x3]  }
0x5: {  	s5 =	srdreg.scid;
	s2 =	stileid.u32  }
0x6: {  	s4 =	simm.s32 $0x0;
	s13 =	simm.s32 $0x5;
	s14 =	simm.s32 $0x1000  }
0x7: {  	s15 =	simm.s32 $0x1;
	s16 =	simm.s32 $0x2000;
	s17 =	simm.s32 $0x2  }
0x8: {  	s18 =	simm.s32 $0xA000;
	s19 =	simm.s32 $0x3;
	s20 =	simm.s32 $0x4  }
0x9: {  	s22 =	simm.s32 $0x0;
	s5 =	sand.u32 $0x1, s5;
	s6 =	sshll.u32 s2, $0x1  }
0xa: {  	[smem:$0x7FF] =	sst s4;
	s7 =	ssub.s32 $0x2, s5;
	s21 =	sor.u32 s5, s6  }
0xb: {  	_ =	strace $0x80000047;
	s5 =	sadd.s32 $0x186A00, s10;
	s31 =	sshrl.u32 s7, $0x1  }
0xc: {  	v0 =	vlaneseq.u32;
	s8 =	sshll.u32 s21, $0x9;
	s12 =	sshll.u32 s21, $0x1;
	s9 =	sor.u32 $0x60, s21  }
0xd: {  	v0 =	vmul.u32 $0x8, v0;
	p0 =	slt.u32 s21, $0x15;
	s11 =	ssub.s32 s7, s31;
	s6 =	sadd.s32 s1, s8  }
0xe: {  	s8 =	sor.u32 $0x40, s21;
	s10 =	sadd.s32 s10, s12;
	s12 =	simm.s32 $0x12000  }
0xf: {  	v1 =	vor.u32 $0x400, v0;
	s21 =	simm.s32 $0x12018;
	s7 =	sadd.s32 $0x4000, s6;
	s11 =	smax.u32 s11, $0x1  }
.LBB2_1:
0x10: {  	[tilespmem:s12], [sflag:$0x5] =	stream.linear.gather [hbm4b:s3+s4], $0x18, $0x38;
	[tilespmem:$0x12028] =	vst v63  }
0x11: {  	_ =	swait.ge [sflag:s13], $0x18  }
0x12: {  	[sflag:s13] =	ssyncset.done $0x0  }
0x13: {  	[sflag:s13] =	ssyncadd.s32 $0xFFFFFFE8  }
0x14: {  	v2 =	vld [tilespmem:$0x12000];
	_ =	sdelay $0x4  }
0x15: {  	v17 =	vbroadcast v2, $0x0  }
0x16: {  	v15 =	vbroadcast v2, $0x3;
	v13 =	vbroadcast v2, $0x6  }
0x17: {  	v3 =	vld [tilespmem:$0x12008];
	v18 =	vbroadcast v2, $0x1;
	v16 =	vbroadcast v2, $0x4  }
0x18: {  	[tilespmem:s4], [sflag:$0x1] =	stream.linear.gather [hbm4b:s6+s4], $0x1000, $0x38;
	v14 =	vbroadcast v2, $0x7;
	v21 =	vbroadcast v2, $0x2;
	[tilespmem:$0x12028] =	vst v63  }
0x19: {  	v20 =	vbroadcast v2, $0x5;
	v19 =	vbroadcast v2, $0x8  }
0x1a: {  	[tilespmem:s14], [sflag:$0x2] =	stream.linear.gather [hbm4b:s7+s4], $0x1000, $0x38;
	v6 =	vbroadcast v2, $0x9;
	v7 =	vbroadcast v2, $0xC;
	[tilespmem:$0x12028] =	vst v63  }
0x1b: {  	_ =	swait.ge [sflag:s15], $0x1000;
	v12 =	vbroadcast v2, $0xF;
	v8 =	vbroadcast v2, $0xA  }
0x1c: {  	[sflag:s15] =	ssyncset.done $0x0;
	v9 =	vbroadcast v2, $0xD;
	v5 =	vbroadcast v3, $0x8  }
0x1d: {  	s23 =	simm.s32 $0x0;
	[sflag:s15] =	ssyncadd.s32 $0xFFFFF000;
	v10 =	vbroadcast v2, $0xB;
	v11 =	vbroadcast v2, $0xE  }
0x1e: {  	v4 =	vbroadcast v3, $0x9;
	v2 =	vbroadcast v3, $0xA;
	v3 =	vimm.f32 $0.0e+00;
	[tilespmem:s16], [sflag:$0x3] =	stream.indirect.gather [hbm4b:s5+s14], $0x8, s4, s14, $0xb8;
	[tilespmem:$0x12028] =	vst v63  }
.LBB2_2:
0x1f: {  	s24 =	simm.s32 $0x0  }
0x20: {  	s24 =	sand.u32 $0xFFFFFF80, s24  }
0x21: {  	s24 =	sadd.s32 $0x0, s24  }
0x22: {  	_ =	swait.ge [sflag:s17], $0x1000;
	v22 =	vmov s24  }
0x23: {  	[sflag:s17] =	ssyncset.done $0x0;
	v22 =	vshll.u32 v22, $0x3  }
0x24: {  	[sflag:s17] =	ssyncadd.s32 $0xFFFFF000;
	v25 =	vor.u32 v0, v22  }
0x25: {  	[tilespmem:s18], [sflag:$0x4] =	stream.indirect.gather [hbm4b:s5+s14], $0x8, s14, s14, $0xb8;
	v24 =	vadd.s32 v1, v22;
	[tilespmem:$0x12028] =	vst v63  }
0x26: {  	_ =	swait.ge [sflag:s19], $0x8000;
	v22 =	vor.u32 $0x2, v25  }
0x27: {  	[sflag:s19] =	ssyncset.done $0x0;
	v23 =	vor.u32 $0x2, v24  }
0x28: {  	[sflag:s19] =	ssyncadd.s32 $0xFFFF8000;
	v26 =	vor.u32 $0x1, v25  }
0x29: {  	v27 =	vor.u32 $0x1, v24;
	v28 =	vld.idx.msk [tilespmem:v25+s16+$0x0], $0xffff  }
0x2a: {  	v29 =	vld.idx.msk [tilespmem:v24+s16+$0x0], $0xffff  }
0x2b: {  	v22 =	vld.idx.msk [tilespmem:v22+s16+$0x0], $0xffff  }
0x2c: {  	v23 =	vld.idx.msk [tilespmem:v23+s16+$0x0], $0xffff  }
0x2d: {  	v26 =	vld.idx.msk [tilespmem:v26+s16+$0x0], $0xffff  }
0x2e: {  	v27 =	vld.idx.msk [tilespmem:v27+s16+$0x0], $0xffff;
	_ =	sdelay $0x2  }
0x2f: {  	v28 =	vsub.f32 v28, v29;
	_ =	sdelay $0x1  }
0x30: {  	v26 =	vsub.f32 v26, v27;
	v22 =	vsub.f32 v22, v23;
	v23 =	vshrl.u32 v28, $0x10  }
0x31: {  	v23 =	vand.u32 $0x1, v23  }
0x32: {  	v27 =	vshrl.u32 v26, $0x10;
	v29 =	vshrl.u32 v22, $0x10;
	v23 =	vadd.s32 v23, v28  }
0x33: {  	v28 =	vand.u32 $0x1, v29;
	v27 =	vand.u32 $0x1, v27;
	v23 =	vadd.s32 $0x7FFF, v23  }
0x34: {  	v22 =	vadd.s32 v28, v22;
	v26 =	vadd.s32 v27, v26;
	v23 =	vand.u32 $0xFFFF0000, v23  }
0x35: {  	v26 =	vadd.s32 $0x7FFF, v26;
	v22 =	vadd.s32 $0x7FFF, v22;
	v27 =	vmul.f32 v23, v21  }
0x36: {  	v26 =	vand.u32 $0xFFFF0000, v26;
	v28 =	vmul.f32 v23, v17;
	v23 =	vmul.f32 v23, v18  }
0x37: {  	v22 =	vand.u32 $0xFFFF0000, v22;
	v29 =	vmul.f32 v26, v15;
	v30 =	vmul.f32 v26, v20  }
0x38: {  	v26 =	vmul.f32 v26, v16;
	v31 =	vmul.f32 v22, v19  }
0x39: {  	v28 =	vadd.f32 v29, v28;
	v29 =	vmul.f32 v22, v13;
	v27 =	vadd.f32 v30, v27  }
0x3a: {  	v23 =	vadd.f32 v26, v23;
	v22 =	vmul.f32 v22, v14  }
0x3b: {  	v26 =	vadd.f32 v29, v28;
	v27 =	vadd.f32 v31, v27  }
0x3c: {  	v28 =	vadd.f32 v22, v23  }
0x3d: {  	v29 =	vadd.f32 $5.000000000e-01, v26;
	v30 =	vadd.f32 $5.000000000e-01, v27  }
0x3e: {  	s30 =	simm.s32 $0x10;
	v31 =	vadd.f32 $5.000000000e-01, v28  }
0x3f: {  	s24 =	sand.u32 $0xFFFFFF80, s30;
	v22 =	vtrunc.f32 v29;
	v23 =	vtrunc.f32 v30  }
0x40: {  	s24 =	sadd.s32 $0x10, s24;
	v32 =	vtrunc.f32 v31;
	v23 =	vcvt.f32.s32 v23  }
0x41: {  	v33 =	vmov s24;
	v34 =	vcvt.f32.s32 v22;
	v32 =	vcvt.f32.s32 v32  }
0x42: {  	v33 =	vshll.u32 v33, $0x3;
	v35 =	vcvt.s32.f32 v23  }
0x43: {  	v22 =	vor.u32 v0, v33;
	v34 =	vcvt.s32.f32 v34;
	v32 =	vcvt.s32.f32 v32  }
0x44: {  	v52 =	vor.u32 $0x2, v22;
	v23 =	vadd.s32 v1, v33;
	v36 =	vadd.f32 $-1.000000000e+00, v35  }
0x45: {  	vm0 =	vlt.f32 v30, v35;
	v30 =	vadd.f32 $-1.000000000e+00, v34;
	v37 =	vadd.f32 $-1.000000000e+00, v32  }
0x46: {  	vm1 =	vlt.f32 v29, v34;
	vm2 =	vlt.f32 v31, v32;
	v29 =	vsel vm0, v36, v35  }
0x47: {  	v30 =	vsel vm1, v30, v34;
	v31 =	vsel vm2, v37, v32;
	v27 =	vsub.f32 v27, v29  }
0x48: {  	v29 =	vor.u32 $0x2, v23;
	v26 =	vsub.f32 v26, v30;
	v28 =	vsub.f32 v28, v31  }
0x49: {  	v30 =	vor.u32 $0x1, v22;
	v31 =	vor.u32 $0x1, v23;
	v53 =	vshrl.u32 v27, $0x10  }
0x4a: {  	v54 =	vshrl.u32 v26, $0x10;
	v55 =	vshrl.u32 v28, $0x10;
	v32 =	vand.u32 $0x1, v53  }
0x4b: {  	v34 =	vand.u32 $0x1, v54;
	v35 =	vand.u32 $0x1, v55;
	v27 =	vadd.s32 v32, v27  }
0x4c: {  	v56 =	vld.idx.msk [tilespmem:v22+s16+$0x0], $0xffff;
	v26 =	vadd.s32 v34, v26;
	v28 =	vadd.s32 v35, v28;
	v27 =	vadd.s32 $0x7FFF, v27  }
0x4d: {  	v33 =	vld.idx.msk [tilespmem:v52+s16+$0x0], $0xffff;
	v26 =	vadd.s32 $0x7FFF, v26;
	v28 =	vadd.s32 $0x7FFF, v28;
	v27 =	vand.u32 $0xFFFF0000, v27  }
0x4e: {  	v57 =	vld.idx.msk [tilespmem:v23+s16+$0x0], $0xffff;
	v26 =	vand.u32 $0xFFFF0000, v26;
	v28 =	vand.u32 $0xFFFF0000, v28;
	v58 =	vmul.f32 v27, v12  }
0x4f: {  	v30 =	vld.idx.msk [tilespmem:v30+s16+$0x0], $0xffff;
	v59 =	vmul.f32 v26, v6;
	v60 =	vmul.f32 v28, v7  }
0x50: {  	v31 =	vld.idx.msk [tilespmem:v31+s16+$0x0], $0xffff;
	v38 =	vmul.f32 v26, v8;
	v39 =	vmul.f32 v28, v9  }
0x51: {  	v29 =	vld.idx.msk [tilespmem:v29+s16+$0x0], $0xffff;
	v26 =	vmul.f32 v26, v10;
	v28 =	vmul.f32 v28, v11  }
0x52: {  	v40 =	vmul.f32 v27, v5;
	v36 =	vadd.f32 v60, v59;
	v61 =	vadd.f32 v39, v38  }
0x53: {  	v32 =	vsub.f32 v56, v57;
	v27 =	vmul.f32 v27, v4;
	v26 =	vadd.f32 v28, v26  }
0x54: {  	v63 =	vor.u32 $0x4, v25;
	v28 =	vadd.f32 v36, v58;
	v62 =	vadd.f32 v61, v40  }
0x55: {  	v25 =	vor.u32 $0x3, v25;
	v30 =	vsub.f32 v30, v31;
	v26 =	vadd.f32 v26, v27  }
0x56: {  	v29 =	vsub.f32 v33, v29;
	v27 =	vmul.f32 v28, v28;
	v28 =	vmul.f32 v62, v62  }
0x57: {  	v31 =	vshrl.u32 v32, $0x10;
	v40 =	vor.u32 $0x4, v24;
	v26 =	vmul.f32 v26, v26  }
0x58: {  	v27 =	vadd.f32 v28, v27;
	v28 =	vor.u32 $0x3, v24;
	v24 =	vand.u32 $0x1, v31  }
0x59: {  	v33 =	vshrl.u32 v29, $0x10;
	v31 =	vshrl.u32 v30, $0x10;
	v32 =	vadd.s32 v24, v32  }
0x5a: {  	v31 =	vand.u32 $0x1, v31;
	v24 =	vadd.f32 v27, v26;
	v27 =	vadd.s32 $0x7FFF, v32  }
0x5b: {  	v26 =	vand.u32 $0x1, v33;
	v30 =	vadd.s32 v31, v30;
	v27 =	vand.u32 $0xFFFF0000, v27  }
0x5c: {  	v26 =	vadd.s32 v26, v29;
	v29 =	vadd.s32 $0x7FFF, v30;
	(erf) = vrcp.f32 v24  }
0x5d: {  	v43 =	vld.idx.msk [tilespmem:v63+s16+$0x0], $0xffff;
	v30 =	vmul.f32 v27, v21;
	v29 =	vand.u32 $0xFFFF0000, v29;
	v31 =	vmul.f32 v27, v17  }
0x5e: {  	v25 =	vld.idx.msk [tilespmem:v25+s16+$0x0], $0xffff;
	v27 =	vmul.f32 v27, v18;
	v26 =	vadd.s32 $0x7FFF, v26;
	v42 =	vmul.f32 v29, v20  }
0x5f: {  	v28 =	vld.idx.msk [tilespmem:v28+s16+$0x0], $0xffff;
	v41 =	vmul.f32 v29, v15;
	v26 =	vand.u32 $0xFFFF0000, v26;
	v29 =	vmul.f32 v29, v16  }
0x60: {  	s31 =	simm.s32 $0x20;
	v45 =	vld.idx.msk [tilespmem:v40+s16+$0x0], $0xffff;
	v46 =	vmul.f32 v26, v19;
	v47 =	vmul.f32 v26, v13;
	v30 =	vadd.f32 v42, v30  }
0x61: {  	s24 =	sand.u32 $0xFFFFFF80, s31;
	v31 =	vadd.f32 v41, v31;
	v27 =	vadd.f32 v29, v27;
	v29 =	vmul.f32 v26, v14  }
0x62: {  	s24 =	sadd.s32 $0x20, s24;
	v30 =	vadd.f32 v46, v30  }
0x63: {  	v44 =	vmov s24;
	v48 =	vadd.f32 v47, v31;
	v29 =	vadd.f32 v29, v27  }
0x64: {  	v25 =	vadd.f32 v28, v25;
	v28 =	vshll.u32 v44, $0x3;
	v37 =	vadd.f32 $5.000000000e-01, v30  }
0x65: {  	v36 =	vmul.f32 v45, v43;
	v26 =	vor.u32 v0, v28;
	v50 =	vadd.f32 $5.000000000e-01, v48  }
0x66: {  	v51 =	vadd.f32 $5.000000000e-01, v29;
	v25 =	vmul.f32 $5.000000000e-01, v25;
	v49 =	vpop (erf);
	v52 =	vtrunc.f32 v37  }
0x67: {  	v27 =	vadd.s32 v1, v28;
	v28 =	vtrunc.f32 v50;
	v31 =	vmul.f32 v49, v24  }
0x68: {  	v53 =	vtrunc.f32 v51;
	v32 =	vcvt.f32.s32 v52  }
0x69: {  	v25 =	vmul.f32 v25, v25;
	v28 =	vcvt.f32.s32 v28;
	v54 =	vsub.f32 $2.000000000e+00, v31  }
0x6a: {  	v33 =	vor.u32 $0x1, v26;
	v39 =	vcvt.f32.s32 v53;
	v41 =	vcvt.s32.f32 v32  }
0x6b: {  	v34 =	vor.u32 $0x1, v27;
	v28 =	vcvt.s32.f32 v28;
	v40 =	vmul.f32 v54, v49  }
0x6c: {  	v31 =	vor.u32 $0x2, v26;
	v39 =	vcvt.s32.f32 v39;
	vm13 =	vlt.f32 v37, v41  }
0x6d: {  	v55 =	vadd.f32 $-1.000000000e+00, v41;
	v43 =	vadd.f32 $-1.000000000e+00, v28;
	v42 =	vmul.f32 v40, v24  }
0x6e: {  	vm14 =	vlt.f32 v50, v28;
	v56 =	vadd.f32 $-1.000000000e+00, v39;
	vm15 =	vlt.f32 v51, v39  }
0x6f: {  	v57 =	vsel vm13, v55, v41;
	v28 =	vsel vm14, v43, v28;
	v58 =	vsub.f32 $2.000000000e+00, v42  }
0x70: {  	v38 =	vsel vm15, v56, v39;
	v30 =	vsub.f32 v30, v57;
	v35 =	vsub.f32 v48, v28  }
0x71: {  	v32 =	vor.u32 $0x2, v27;
	v38 =	vsub.f32 v29, v38;
	v29 =	vmul.f32 v58, v40  }
0x72: {  	v28 =	vmul.f32 $4.000000000e+00, v36;
	v59 =	vshrl.u32 v30, $0x10;
	v60 =	vshrl.u32 v35, $0x10  }
0x73: {  	v61 =	vshrl.u32 v38, $0x10;
	v62 =	vand.u32 $0x1, v59;
	v29 =	vmul.f32 v29, v25  }
0x74: {  	v39 =	vand.u32 $0x1, v61;
	v63 =	vadd.s32 v62, v30;
	v25 =	vand.u32 $0x1, v60  }
0x75: {  	v37 =	vadd.s32 v39, v38;
	v25 =	vadd.s32 v25, v35;
	v30 =	vmul.f32 v29, v29  }
0x76: {  	s25 =	simm.s32 $0x3;
	s24 =	simm.s32 $0x20;
	v35 =	vadd.s32 $0x7FFF, v63;
	v36 =	vadd.s32 $0x7FFF, v25;
	v25 =	vimm.f32 $0.0e+00  }
.LBB2_3:
0x77: {  	p1 =	sne.s32 s25, $0x7F;
	v38 =	vld.idx.msk [tilespmem:v26+s16+$0x0], $0xffff;
	v37 =	vadd.s32 $0x7FFF, v37;
	v35 =	vand.u32 $0xFFFF0000, v35;
	v29 =	vmul.f32 v30, v29  }
0x78: {  	v36 =	vand.u32 $0xFFFF0000, v36;
	v30 =	vld.idx.msk [tilespmem:v27+s16+$0x0], $0xffff;
	v37 =	vand.u32 $0xFFFF0000, v37;
	v39 =	vmul.f32 v35, v12  }
0x79: {  	v40 =	vmul.f32 v36, v6;
	v41 =	vmul.f32 v35, v5;
	v31 =	vld.idx.msk [tilespmem:v31+s16+$0x0], $0xffff;
	v42 =	vadd.f32 $-1.000000000e+00, v29  }
0x7a: {  	v44 =	vmul.f32 v36, v8;
	v43 =	vmul.f32 v37, v7;
	v32 =	vld.idx.msk [tilespmem:v32+s16+$0x0], $0xffff  }
0x7b: {  	v45 =	vor.u32 $0x4, v22;
	v46 =	vmul.f32 v37, v9;
	v33 =	vld.idx.msk [tilespmem:v33+s16+$0x0], $0xffff;
	v29 =	vmul.f32 v42, v29  }
0x7c: {  	v36 =	vmul.f32 v36, v10;
	v37 =	vmul.f32 v37, v11;
	v42 =	vor.u32 $0x4, v23;
	v34 =	vld.idx.msk [tilespmem:v34+s16+$0x0], $0xffff  }
0x7d: {  	v40 =	vadd.f32 v43, v40;
	v43 =	vadd.f32 v46, v44;
	v28 =	vmul.f32 v29, v28  }
0x7e: {  	vm0 =	vle.f32 v24, v2;
	v35 =	vmul.f32 v35, v4;
	v29 =	vadd.f32 v37, v36  }
0x7f: {  	v24 =	vadd.f32 v40, v39;
	v36 =	vadd.f32 v43, v41;
	v28 =	vnsel vm0, $0x0, v28  }
0x80: {  	v30 =	vsub.f32 v38, v30;
	v37 =	vor.u32 $0x3, v22;
	v22 =	vmovc v26;
	v25 =	vadd.f32 v28, v25  }
0x81: {  	v26 =	vadd.f32 v29, v35;
	v24 =	vmul.f32 v24, v24;
	v28 =	vmul.f32 v36, v36  }
0x82: {  	v31 =	vsub.f32 v31, v32;
	v32 =	vor.u32 $0x3, v23;
	v23 =	vmovc v27;
	v29 =	vsub.f32 v33, v34  }
0x83: {  	v27 =	vshrl.u32 v30, $0x10;
	v26 =	vmul.f32 v26, v26;
	v24 =	vadd.f32 v28, v24  }
0x84: {  	v27 =	vand.u32 $0x1, v27;
	v33 =	vshrl.u32 v31, $0x10;
	v28 =	vshrl.u32 v29, $0x10  }
0x85: {  	v27 =	vadd.s32 v27, v30;
	v30 =	vand.u32 $0x1, v33;
	v24 =	vadd.f32 v24, v26  }
0x86: {  	v26 =	vadd.s32 $0x7FFF, v27;
	v27 =	vand.u32 $0x1, v28;
	v28 =	vadd.s32 v30, v31;
	v30 =	vld.idx.msk [tilespmem:v37+s16+$0x0], $0xffff  }
0x87: {  	v26 =	vand.u32 $0xFFFF0000, v26;
	v27 =	vadd.s32 v27, v29;
	v29 =	vld.idx.msk [tilespmem:v32+s16+$0x0], $0xffff;
	(erf) = vrcp.f32 v24  }
0x88: {  	s26 =	sshll.u32 s25, $0x4;
	v28 =	vadd.s32 $0x7FFF, v28;
	v27 =	vadd.s32 $0x7FFF, v27;
	v31 =	vmul.f32 v26, v21  }
0x89: {  	s24 =	sadd.s32 $0x10, s24;
	s26 =	sand.u32 $0xFFFFFF80, s26;
	v27 =	vand.u32 $0xFFFF0000, v27;
	v32 =	vmul.f32 v26, v17;
	v26 =	vmul.f32 v26, v18;
	v33 =	vld.idx.msk [tilespmem:v45+s16+$0x0], $0xffff  }
0x8a: {  	s26 =	sadd.s32 s26, s24;
	v28 =	vand.u32 $0xFFFF0000, v28;
	v34 =	vmul.f32 v27, v15;
	v35 =	vmul.f32 v27, v20;
	v36 =	vld.idx.msk [tilespmem:v42+s16+$0x0], $0xffff  }
0x8b: {  	v37 =	vmov s26;
	v38 =	vmul.f32 v28, v19;
	v27 =	vmul.f32 v27, v16  }
0x8c: {  	v32 =	vadd.f32 v34, v32;
	v34 =	vmul.f32 v28, v13;
	v31 =	vadd.f32 v35, v31  }
0x8d: {  	v27 =	vadd.f32 v27, v26;
	v28 =	vmul.f32 v28, v14;
	v29 =	vadd.f32 v29, v30  }
0x8e: {  	v30 =	vshll.u32 v37, $0x3;
	v34 =	vadd.f32 v34, v32;
	v35 =	vadd.f32 v38, v31  }
0x8f: {  	v28 =	vadd.f32 v28, v27;
	v26 =	vor.u32 v0, v30;
	v27 =	vmul.f32 $5.000000000e-01, v29  }
0x90: {  	v29 =	vadd.f32 $5.000000000e-01, v34;
	v37 =	vadd.f32 $5.000000000e-01, v35;
	v36 =	vmul.f32 v36, v33;
	v33 =	vpop (erf)  }
0x91: {  	v38 =	vadd.f32 $5.000000000e-01, v28;
	v39 =	vmul.f32 v27, v27;
	v31 =	vmul.f32 v33, v24  }
0x92: {  	v27 =	vadd.s32 v1, v30;
	v30 =	vtrunc.f32 v29;
	v32 =	vtrunc.f32 v37  }
0x93: {  	v40 =	vtrunc.f32 v38;
	v41 =	vcvt.f32.s32 v32;
	v42 =	vsub.f32 $2.000000000e+00, v31  }
0x94: {  	v30 =	vcvt.f32.s32 v30;
	v40 =	vcvt.f32.s32 v40;
	v31 =	vor.u32 $0x2, v26  }
0x95: {  	v32 =	vor.u32 $0x2, v27;
	v41 =	vcvt.s32.f32 v41;
	v42 =	vmul.f32 v42, v33  }
0x96: {  	v30 =	vcvt.s32.f32 v30;
	v40 =	vcvt.s32.f32 v40;
	v33 =	vor.u32 $0x1, v26  }
0x97: {  	vm0 =	vlt.f32 v37, v41;
	v37 =	vadd.f32 $-1.000000000e+00, v41;
	v43 =	vmul.f32 v42, v24  }
0x98: {  	vm1 =	vlt.f32 v29, v30;
	v29 =	vadd.f32 $-1.000000000e+00, v30;
	v44 =	vadd.f32 $-1.000000000e+00, v40  }
0x99: {  	vm2 =	vlt.f32 v38, v40;
	v37 =	vsel vm0, v37, v41;
	v38 =	vsub.f32 $2.000000000e+00, v43  }
0x9a: {  	v29 =	vsel vm1, v29, v30;
	v30 =	vsel vm2, v44, v40;
	v35 =	vsub.f32 v35, v37  }
0x9b: {  	v37 =	vsub.f32 v34, v29;
	v40 =	vsub.f32 v28, v30;
	v29 =	vmul.f32 v38, v42  }
.Ltmp0:
0x9c: {  	v34 =	vor.u32 $0x1, v27;
	v28 =	vmul.f32 $4.000000000e+00, v36;
	v30 =	vshrl.u32 v35, $0x10;
	(pc) =	sbr.rel @p1 .LBB2_3-.Ltmp0, $4  }
0x9d: {  	v36 =	vshrl.u32 v37, $0x10;
	v38 =	vshrl.u32 v40, $0x10;
	v29 =	vmul.f32 v29, v39  }
0x9e: {  	v36 =	vand.u32 $0x1, v36;
	v30 =	vand.u32 $0x1, v30;
	v38 =	vand.u32 $0x1, v38  }
0x9f: {  	v36 =	vadd.s32 v36, v37;
	v35 =	vadd.s32 v30, v35;
	v30 =	vmul.f32 v29, v29  }
0xa0: {  	s25 =	sadd.s32 $0x1, s25;
	v36 =	vadd.s32 $0x7FFF, v36;
	v37 =	vadd.s32 v38, v40;
	v35 =	vadd.s32 $0x7FFF, v35  }
0xa1: {  	_ =	sdelay $0x3  }
0xa2: {  	v38 =	vld.idx.msk [tilespmem:v26+s16+$0x0], $0xffff  }
0xa3: {  	v39 =	vld.idx.msk [tilespmem:v27+s16+$0x0], $0xffff  }
0xa4: {  	v31 =	vld.idx.msk [tilespmem:v31+s16+$0x0], $0xffff  }
0xa5: {  	v32 =	vld.idx.msk [tilespmem:v32+s16+$0x0], $0xffff  }
0xa6: {  	v33 =	vld.idx.msk [tilespmem:v33+s16+$0x0], $0xffff  }
0xa7: {  	v34 =	vld.idx.msk [tilespmem:v34+s16+$0x0], $0xffff;
	_ =	sdelay $0x2  }
0xa8: {  	v38 =	vsub.f32 v38, v39;
	_ =	sdelay $0x1  }
0xa9: {  	v33 =	vsub.f32 v33, v34;
	v31 =	vsub.f32 v31, v32;
	v56 =	vshrl.u32 v38, $0x10  }
0xaa: {  	v37 =	vadd.s32 $0x7FFF, v37;
	v36 =	vand.u32 $0xFFFF0000, v36;
	v32 =	vand.u32 $0x1, v56  }
0xab: {  	v34 =	vshrl.u32 v33, $0x10;
	v57 =	vshrl.u32 v31, $0x10;
	v32 =	vadd.s32 v32, v38  }
0xac: {  	v58 =	vand.u32 $0x1, v57;
	v34 =	vand.u32 $0x1, v34;
	v32 =	vadd.s32 $0x7FFF, v32  }
0xad: {  	v31 =	vadd.s32 v58, v31;
	v33 =	vadd.s32 v34, v33;
	v32 =	vand.u32 $0xFFFF0000, v32  }
0xae: {  	v33 =	vadd.s32 $0x7FFF, v33;
	v31 =	vadd.s32 $0x7FFF, v31;
	v59 =	vmul.f32 v32, v21  }
0xaf: {  	v33 =	vand.u32 $0xFFFF0000, v33;
	v60 =	vmul.f32 v32, v17;
	v32 =	vmul.f32 v32, v18  }
0xb0: {  	v31 =	vand.u32 $0xFFFF0000, v31;
	v61 =	vmul.f32 v33, v15;
	v40 =	vmul.f32 v33, v20  }
0xb1: {  	v35 =	vand.u32 $0xFFFF0000, v35;
	v33 =	vmul.f32 v33, v16;
	v41 =	vmul.f32 v31, v19  }
0xb2: {  	v62 =	vmul.f32 v31, v13;
	v38 =	vadd.f32 v61, v60;
	v34 =	vadd.f32 v40, v59  }
0xb3: {  	v63 =	vand.u32 $0xFFFF0000, v37;
	v31 =	vmul.f32 v31, v14;
	v32 =	vadd.f32 v33, v32  }
0xb4: {  	v49 =	vmul.f32 v36, v6;
	v48 =	vadd.f32 v62, v38;
	v34 =	vadd.f32 v41, v34  }
0xb5: {  	v51 =	vmul.f32 v36, v8;
	v36 =	vmul.f32 v36, v10;
	v31 =	vadd.f32 v31, v32  }
0xb6: {  	v50 =	vmul.f32 v63, v7;
	v52 =	vadd.f32 $5.000000000e-01, v48;
	v41 =	vadd.f32 $5.000000000e-01, v34  }
0xb7: {  	v42 =	vmul.f32 v63, v9;
	v56 =	vmul.f32 v35, v12;
	v43 =	vadd.f32 $5.000000000e-01, v31  }
0xb8: {  	v44 =	vtrunc.f32 v52;
	v45 =	vtrunc.f32 v41  }
0xb9: {  	v46 =	vtrunc.f32 v43;
	v45 =	vcvt.f32.s32 v45  }
0xba: {  	v44 =	vcvt.f32.s32 v44;
	v46 =	vcvt.f32.s32 v46  }
0xbb: {  	v33 =	vmul.f32 v63, v11;
	v53 =	vcvt.s32.f32 v45  }
0xbc: {  	v54 =	vcvt.s32.f32 v44;
	v55 =	vcvt.s32.f32 v46  }
0xbd: {  	v61 =	vmul.f32 v35, v5;
	v33 =	vadd.f32 v33, v36;
	v57 =	vadd.f32 $-1.000000000e+00, v53  }
0xbe: {  	vm0 =	vlt.f32 v41, v53;
	v58 =	vadd.f32 $-1.000000000e+00, v54;
	v46 =	vadd.f32 $-1.000000000e+00, v55  }
0xbf: {  	vm1 =	vlt.f32 v52, v54;
	vm2 =	vlt.f32 v43, v55;
	v36 =	vsel vm0, v57, v53  }
0xc0: {  	v59 =	vsel vm1, v58, v54;
	v60 =	vsel vm2, v46, v55;
	v34 =	vsub.f32 v34, v36  }
0xc1: {  	v35 =	vmul.f32 v35, v4;
	v37 =	vsub.f32 v48, v59;
	v31 =	vsub.f32 v31, v60  }
0xc2: {  	v38 =	vadd.f32 v50, v49;
	v32 =	vadd.f32 v42, v51;
	v62 =	vshrl.u32 v34, $0x10  }
0xc3: {  	v63 =	vshrl.u32 v37, $0x10;
	v44 =	vshrl.u32 v31, $0x10;
	v39 =	vand.u32 $0x1, v62  }
0xc4: {  	v40 =	vand.u32 $0x1, v63;
	v41 =	vand.u32 $0x1, v44;
	v34 =	vadd.s32 v39, v34  }
0xc5: {  	v37 =	vadd.s32 v40, v37;
	v31 =	vadd.s32 v41, v31;
	v34 =	vadd.s32 $0x7FFF, v34  }
0xc6: {  	v37 =	vadd.s32 $0x7FFF, v37;
	v31 =	vadd.s32 $0x7FFF, v31;
	v34 =	vand.u32 $0xFFFF0000, v34  }
0xc7: {  	v37 =	vand.u32 $0xFFFF0000, v37;
	v31 =	vand.u32 $0xFFFF0000, v31;
	v45 =	vmul.f32 v34, v12  }
0xc8: {  	v38 =	vadd.f32 v38, v56;
	v46 =	vmul.f32 v37, v6;
	v47 =	vmul.f32 v31, v7  }
0xc9: {  	v32 =	vadd.f32 v32, v61;
	v49 =	vmul.f32 v37, v8;
	v50 =	vmul.f32 v31, v9  }
0xca: {  	v33 =	vadd.f32 v33, v35;
	v51 =	vmul.f32 v37, v10;
	v31 =	vmul.f32 v31, v11  }
0xcb: {  	v52 =	vmul.f32 v34, v5;
	v36 =	vadd.f32 v47, v46;
	v53 =	vadd.f32 v50, v49  }
0xcc: {  	v38 =	vmul.f32 v38, v38;
	v32 =	vmul.f32 v32, v32;
	v31 =	vadd.f32 v31, v51  }
0xcd: {  	v34 =	vmul.f32 v34, v4;
	v54 =	vadd.f32 v36, v45;
	v55 =	vadd.f32 v53, v52  }
0xce: {  	v56 =	vor.u32 $0x3, v23;
	v33 =	vmul.f32 v33, v33;
	v32 =	vadd.f32 v32, v38  }
0xcf: {  	v31 =	vadd.f32 v31, v34;
	v57 =	vmul.f32 v54, v54;
	v58 =	vmul.f32 v55, v55  }
0xd0: {  	v23 =	vor.u32 $0x4, v23;
	v32 =	vadd.f32 v32, v33;
	v48 =	vor.u32 $0x3, v22  }
0xd1: {  	v59 =	vor.u32 $0x4, v22;
	v31 =	vmul.f32 v31, v31;
	v22 =	vadd.f32 v58, v57  }
0xd2: {  	(erf) = vrcp.f32 v32;
	v60 =	vor.u32 $0x3, v26  }
0xd3: {  	v26 =	vor.u32 $0x4, v26;
	v22 =	vadd.f32 v22, v31  }
0xd4: {  	v62 =	vor.u32 $0x3, v27  }
0xd5: {  	v23 =	vld.idx.msk [tilespmem:v23+s16+$0x0], $0xffff;
	v27 =	vor.u32 $0x4, v27;
	(erf) = vrcp.f32 v22  }
0xd6: {  	v61 =	vld.idx.msk [tilespmem:v48+s16+$0x0], $0xffff  }
0xd7: {  	v33 =	vld.idx.msk [tilespmem:v60+s16+$0x0], $0xffff  }
0xd8: {  	s24 =	sshll.u32 s23, $0x6;
	v37 =	vld.idx.msk [tilespmem:v26+s16+$0x0], $0xffff  }
0xd9: {  	s25 =	sadd.s32 s8, s24;
	v35 =	vld.idx.msk [tilespmem:v62+s16+$0x0], $0xffff  }
0xda: {  	s25 =	sshll.u32 s25, $0x9;
	v38 =	vld.idx.msk [tilespmem:v27+s16+$0x0], $0xffff  }
0xdb: {  	s26 =	simm.s32 $0x0;
	s29 =	simm.s32 $0x0;
	s25 =	sadd.s32 s1, s25;
	v26 =	vpop (erf);
	v36 =	vld.idx.msk [tilespmem:v59+s16+$0x0], $0xffff  }
0xdc: {  	v27 =	vmul.f32 v26, v32;
	v31 =	vld.idx.msk [tilespmem:v56+s16+$0x0], $0xffff;
	[tilespmem:s26], [sflag:$0x1] =	stream.linear.gather [hbm4b:s25+s26], $0x1000, $0x38  }
0xdd: {  	s25 =	sand.u32 $0xFFFFFF80, s29  }
0xde: {  	v27 =	vsub.f32 $2.000000000e+00, v27;
	s25 =	sadd.s32 $0x0, s25;
	v63 =	vpop (erf)  }
0xdf: {  	v44 =	vmov s25;
	_ =	swait.ge [sflag:s15], $0x1000  }
0xe0: {  	v45 =	vmul.f32 v27, v26;
	v26 =	vshll.u32 v44, $0x3;
	[sflag:s15] =	ssyncset.done $0x0  }
0xe1: {  	v27 =	vor.u32 v0, v26;
	[sflag:s15] =	ssyncadd.s32 $0xFFFFF000  }
0xe2: {  	v46 =	vmul.f32 v45, v32;
	v26 =	vadd.s32 v1, v26;
	[tilespmem:s16], [sflag:$0x3] =	stream.indirect.gather [hbm4b:s5+s14], $0x8, s26, s14, $0xb8;
	[tilespmem:$0x12028] =	vst v63  }
0xe3: {  	v31 =	vadd.f32 v31, v61;
	v48 =	vor.u32 $0x2, v27;
	v47 =	vmul.f32 v63, v22;
	_ =	swait.ge [sflag:s20], $0x8000  }
0xe4: {  	v29 =	vmul.f32 v30, v29;
	v34 =	vsub.f32 $2.000000000e+00, v46;
	v49 =	vor.u32 $0x2, v26;
	[sflag:s20] =	ssyncset.done $0x0  }
0xe5: {  	v50 =	vor.u32 $0x1, v27;
	v31 =	vmul.f32 $5.000000000e-01, v31;
	v30 =	vsub.f32 $2.000000000e+00, v47;
	[sflag:s20] =	ssyncadd.s32 $0xFFFF8000  }
0xe6: {  	v53 =	vadd.f32 $-1.000000000e+00, v29;
	v34 =	vmul.f32 v34, v45;
	v51 =	vor.u32 $0x1, v26;
	v52 =	vld.idx.msk [tilespmem:v27+s18+$0x0], $0xffff  }
0xe7: {  	v31 =	vmul.f32 v31, v31;
	v30 =	vmul.f32 v30, v63;
	v54 =	vld.idx.msk [tilespmem:v26+s18+$0x0], $0xffff  }
0xe8: {  	v29 =	vmul.f32 v53, v29;
	v33 =	vadd.f32 v35, v33;
	v55 =	vld.idx.msk [tilespmem:v48+s18+$0x0], $0xffff  }
0xe9: {  	v31 =	vmul.f32 v34, v31;
	v56 =	vmul.f32 v30, v22;
	v57 =	vld.idx.msk [tilespmem:v49+s18+$0x0], $0xffff  }
0xea: {  	v28 =	vmul.f32 v29, v28;
	v29 =	vmul.f32 $5.000000000e-01, v33;
	v40 =	vld.idx.msk [tilespmem:v50+s18+$0x0], $0xffff  }
0xeb: {  	v58 =	vmul.f32 v31, v31;
	v60 =	vld.idx.msk [tilespmem:v51+s18+$0x0], $0xffff;
	v59 =	vsub.f32 $2.000000000e+00, v56  }
0xec: {  	vm7 =	vle.f32 v24, v2;
	v23 =	vmul.f32 v23, v36;
	v24 =	vmul.f32 v29, v29  }
0xed: {  	v31 =	vmul.f32 v58, v31;
	v29 =	vmul.f32 v59, v30  }
0xee: {  	vm8 =	vle.f32 v32, v2;
	v28 =	vnsel vm7, $0x0, v28;
	v30 =	vsub.f32 v52, v54  }
0xef: {  	v23 =	vmul.f32 $4.000000000e+00, v23;
	v61 =	vadd.f32 $-1.000000000e+00, v31;
	v24 =	vmul.f32 v29, v24  }
0xf0: {  	v29 =	vsub.f32 v40, v60;
	v34 =	vsub.f32 v55, v57;
	v62 =	vshrl.u32 v30, $0x10  }
0xf1: {  	v31 =	vmul.f32 v61, v31;
	v63 =	vmul.f32 v24, v24;
	v35 =	vand.u32 $0x1, v62  }
0xf2: {  	v44 =	vshrl.u32 v29, $0x10;
	v45 =	vshrl.u32 v34, $0x10;
	v30 =	vadd.s32 v35, v30  }
0xf3: {  	v46 =	vand.u32 $0x1, v45;
	v36 =	vand.u32 $0x1, v44;
	v30 =	vadd.s32 $0x7FFF, v30  }
0xf4: {  	v34 =	vadd.s32 v46, v34;
	v29 =	vadd.s32 v36, v29;
	v30 =	vand.u32 $0xFFFF0000, v30  }
0xf5: {  	v29 =	vadd.s32 $0x7FFF, v29;
	v34 =	vadd.s32 $0x7FFF, v34;
	v47 =	vmul.f32 v30, v21  }
0xf6: {  	v29 =	vand.u32 $0xFFFF0000, v29;
	v48 =	vmul.f32 v30, v17;
	v30 =	vmul.f32 v30, v18  }
0xf7: {  	v34 =	vand.u32 $0xFFFF0000, v34;
	v49 =	vmul.f32 v29, v15;
	v50 =	vmul.f32 v29, v20  }
0xf8: {  	v25 =	vadd.f32 v28, v25;
	v28 =	vmul.f32 v29, v16;
	v29 =	vmul.f32 v34, v19  }
0xf9: {  	v51 =	vmul.f32 v34, v13;
	v36 =	vadd.f32 v49, v48;
	v35 =	vadd.f32 v50, v47  }
0xfa: {  	v24 =	vmul.f32 v63, v24;
	v28 =	vadd.f32 v28, v30;
	v30 =	vmul.f32 v34, v14  }
0xfb: {  	v23 =	vmul.f32 v31, v23;
	v31 =	vadd.f32 v51, v36;
	v29 =	vadd.f32 v29, v35  }
0xfc: {  	v52 =	vmul.f32 v38, v37;
	v53 =	vadd.f32 $-1.000000000e+00, v24;
	v28 =	vadd.f32 v30, v28  }
0xfd: {  	vm12 =	vle.f32 v22, v2;
	v30 =	vadd.f32 $5.000000000e-01, v31;
	v54 =	vadd.f32 $5.000000000e-01, v29  }
0xfe: {  	s30 =	simm.s32 $0x10;
	v33 =	vmul.f32 $4.000000000e+00, v52;
	v24 =	vmul.f32 v53, v24;
	v55 =	vadd.f32 $5.000000000e-01, v28  }
0xff: {  	s25 =	sand.u32 $0xFFFFFF80, s30;
	v23 =	vnsel vm8, $0x0, v23;
	v56 =	vtrunc.f32 v30;
	v57 =	vtrunc.f32 v54  }
0x100: {  	s25 =	sadd.s32 $0x10, s25;
	v25 =	vadd.f32 v23, v25;
	v23 =	vtrunc.f32 v55;
	v36 =	vcvt.f32.s32 v57  }
0x101: {  	v58 =	vmov s25;
	v35 =	vcvt.f32.s32 v56;
	v59 =	vcvt.f32.s32 v23  }
0x102: {  	v33 =	vmul.f32 v24, v33;
	v24 =	vshll.u32 v58, $0x3;
	v36 =	vcvt.s32.f32 v36  }
0x103: {  	v23 =	vor.u32 v0, v24;
	v35 =	vcvt.s32.f32 v35;
	v60 =	vcvt.s32.f32 v59  }
0x104: {  	v24 =	vadd.s32 v1, v24;
	v61 =	vor.u32 $0x2, v23;
	v62 =	vadd.f32 $-1.000000000e+00, v36  }
0x105: {  	vm9 =	vlt.f32 v54, v36;
	v63 =	vadd.f32 $-1.000000000e+00, v35;
	v44 =	vadd.f32 $-1.000000000e+00, v60  }
0x106: {  	vm10 =	vlt.f32 v30, v35;
	vm11 =	vlt.f32 v55, v60;
	v30 =	vsel vm9, v62, v36  }
0x107: {  	v32 =	vsel vm10, v63, v35;
	v34 =	vsel vm11, v44, v60;
	v29 =	vsub.f32 v29, v30  }
0x108: {  	v45 =	vor.u32 $0x1, v23;
	v31 =	vsub.f32 v31, v32;
	v28 =	vsub.f32 v28, v34  }
0x109: {  	v46 =	vor.u32 $0x1, v24;
	v30 =	vor.u32 $0x2, v24;
	v47 =	vshrl.u32 v29, $0x10  }
0x10a: {  	v48 =	vshrl.u32 v31, $0x10;
	v49 =	vshrl.u32 v28, $0x10;
	v35 =	vand.u32 $0x1, v47  }
0x10b: {  	v36 =	vand.u32 $0x1, v48;
	v37 =	vand.u32 $0x1, v49;
	v29 =	vadd.s32 v35, v29  }
0x10c: {  	v31 =	vadd.s32 v36, v31;
	v28 =	vadd.s32 v37, v28;
	v29 =	vadd.s32 $0x7FFF, v29  }
0x10d: {  	v50 =	vld.idx.msk [tilespmem:v23+s18+$0x0], $0xffff;
	v31 =	vadd.s32 $0x7FFF, v31;
	v28 =	vadd.s32 $0x7FFF, v28;
	v29 =	vand.u32 $0xFFFF0000, v29  }
0x10e: {  	v51 =	vld.idx.msk [tilespmem:v24+s18+$0x0], $0xffff;
	v31 =	vand.u32 $0xFFFF0000, v31;
	v28 =	vand.u32 $0xFFFF0000, v28;
	v52 =	vmul.f32 v29, v12  }
0x10f: {  	v58 =	vor.u32 $0x4, v27;
	v38 =	vld.idx.msk [tilespmem:v61+s18+$0x0], $0xffff;
	v53 =	vmul.f32 v31, v6;
	v54 =	vmul.f32 v28, v7  }
0x110: {  	v27 =	vor.u32 $0x3, v27;
	v30 =	vld.idx.msk [tilespmem:v30+s18+$0x0], $0xffff;
	v55 =	vmul.f32 v31, v8;
	v56 =	vmul.f32 v28, v9  }
0x111: {  	v22 =	vnsel vm12, $0x0, v33;
	v32 =	vld.idx.msk [tilespmem:v45+s18+$0x0], $0xffff;
	v31 =	vmul.f32 v31, v10;
	v28 =	vmul.f32 v28, v11  }
0x112: {  	v34 =	vld.idx.msk [tilespmem:v46+s18+$0x0], $0xffff;
	v57 =	vmul.f32 v29, v5;
	v39 =	vadd.f32 v54, v53;
	v33 =	vadd.f32 v56, v55  }
0x113: {  	v59 =	vor.u32 $0x4, v26;
	v35 =	vsub.f32 v50, v51;
	v28 =	vadd.f32 v28, v31  }
0x114: {  	v29 =	vmul.f32 v29, v4;
	v31 =	vadd.f32 v39, v52;
	v33 =	vadd.f32 v33, v57  }
0x115: {  	v60 =	vor.u32 $0x3, v26;
	v26 =	vshrl.u32 v35, $0x10;
	v30 =	vsub.f32 v38, v30  }
0x116: {  	v28 =	vadd.f32 v28, v29;
	v29 =	vmul.f32 v31, v31;
	v31 =	vmul.f32 v33, v33  }
0x117: {  	v32 =	vsub.f32 v32, v34;
	v26 =	vand.u32 $0x1, v26;
	v61 =	vshrl.u32 v30, $0x10  }
0x118: {  	v28 =	vmul.f32 v28, v28;
	v34 =	vand.u32 $0x1, v61;
	v29 =	vadd.f32 v31, v29  }
0x119: {  	v35 =	vadd.s32 v26, v35;
	v30 =	vadd.s32 v34, v30  }
0x11a: {  	v31 =	vshrl.u32 v32, $0x10;
	v30 =	vadd.s32 $0x7FFF, v30;
	v26 =	vadd.f32 v29, v28  }
0x11b: {  	v22 =	vadd.f32 v22, v25;
	v27 =	vld.idx.msk [tilespmem:v27+s18+$0x0], $0xffff;
	v30 =	vand.u32 $0xFFFF0000, v30;
	v29 =	vand.u32 $0x1, v31  }
0x11c: {  	v42 =	vld.idx.msk [tilespmem:v58+s18+$0x0], $0xffff;
	v28 =	vadd.s32 $0x7FFF, v35;
	v29 =	vadd.s32 v29, v32;
	(erf) = vrcp.f32 v26  }
0x11d: {  	s31 =	simm.s32 $0x20;
	v31 =	vld.idx.msk [tilespmem:v60+s18+$0x0], $0xffff;
	v46 =	vmul.f32 v30, v19;
	v28 =	vand.u32 $0xFFFF0000, v28;
	v29 =	vadd.s32 $0x7FFF, v29  }
0x11e: {  	s25 =	sand.u32 $0xFFFFFF80, s31;
	v37 =	vld.idx.msk [tilespmem:v59+s18+$0x0], $0xffff;
	v62 =	vmul.f32 v28, v21;
	v63 =	vmul.f32 v28, v17;
	v29 =	vand.u32 $0xFFFF0000, v29  }
0x11f: {  	s25 =	sadd.s32 $0x20, s25;
	v25 =	vimm.f32 $0.0e+00;
	v43 =	vmul.f32 v29, v15;
	v44 =	vmul.f32 v29, v20  }
0x120: {  	v45 =	vmov s25;
	v28 =	vmul.f32 v28, v18;
	v29 =	vmul.f32 v29, v16  }
0x121: {  	v47 =	vmul.f32 v30, v13;
	v33 =	vadd.f32 v43, v63;
	v32 =	vadd.f32 v44, v62  }
0x122: {  	v28 =	vadd.f32 v29, v28;
	v29 =	vmul.f32 v30, v14;
	v30 =	vadd.f32 v31, v27  }
0x123: {  	v37 =	vmul.f32 v37, v42;
	v35 =	vadd.f32 v47, v33;
	v36 =	vadd.f32 v46, v32  }
0x124: {  	v31 =	vshll.u32 v45, $0x3;
	v29 =	vadd.f32 v29, v28;
	v28 =	vmul.f32 $5.000000000e-01, v30  }
0x125: {  	v27 =	vor.u32 v0, v31;
	v30 =	vadd.f32 $5.000000000e-01, v35;
	v48 =	vadd.f32 $5.000000000e-01, v36;
	v49 =	vpop (erf)  }
0x126: {  	v50 =	vadd.f32 $5.000000000e-01, v29;
	v52 =	vmul.f32 v28, v28;
	v51 =	vmul.f32 v49, v26  }
0x127: {  	v28 =	vadd.s32 v1, v31;
	v31 =	vtrunc.f32 v30;
	v53 =	vtrunc.f32 v48  }
0x128: {  	v54 =	vtrunc.f32 v50;
	v55 =	vcvt.f32.s32 v53;
	v56 =	vsub.f32 $2.000000000e+00, v51  }
0x129: {  	v32 =	vor.u32 $0x2, v27;
	v31 =	vcvt.f32.s32 v31;
	v41 =	vcvt.f32.s32 v54  }
0x12a: {  	v34 =	vor.u32 $0x1, v27;
	v42 =	vcvt.s32.f32 v55;
	v43 =	vmul.f32 v56, v49  }
0x12b: {  	v33 =	vor.u32 $0x2, v28;
	v31 =	vcvt.s32.f32 v31;
	v41 =	vcvt.s32.f32 v41  }
0x12c: {  	vm13 =	vlt.f32 v48, v42;
	v57 =	vadd.f32 $-1.000000000e+00, v42;
	v58 =	vmul.f32 v43, v26  }
0x12d: {  	vm14 =	vlt.f32 v30, v31;
	v30 =	vadd.f32 $-1.000000000e+00, v31;
	v59 =	vadd.f32 $-1.000000000e+00, v41  }
0x12e: {  	vm15 =	vlt.f32 v50, v41;
	v38 =	vsel vm13, v57, v42;
	v60 =	vsub.f32 $2.000000000e+00, v58  }
0x12f: {  	v30 =	vsel vm14, v30, v31;
	v31 =	vsel vm15, v59, v41;
	v36 =	vsub.f32 v36, v38  }
0x130: {  	v61 =	vsub.f32 v35, v30;
	v41 =	vsub.f32 v29, v31;
	v30 =	vmul.f32 v60, v43  }
0x131: {  	v35 =	vor.u32 $0x1, v28;
	v29 =	vmul.f32 $4.000000000e+00, v37;
	v31 =	vshrl.u32 v36, $0x10  }
0x132: {  	v62 =	vshrl.u32 v61, $0x10;
	v63 =	vshrl.u32 v41, $0x10;
	v30 =	vmul.f32 v30, v52  }
0x133: {  	v37 =	vand.u32 $0x1, v62;
	v39 =	vand.u32 $0x1, v63;
	v31 =	vand.u32 $0x1, v31  }
0x134: {  	v37 =	vadd.s32 v37, v61;
	v36 =	vadd.s32 v31, v36;
	v31 =	vmul.f32 v30, v30  }
0x135: {  	s26 =	simm.s32 $0x3;
	s25 =	simm.s32 $0x20;
	v38 =	vadd.s32 v39, v41;
	v37 =	vadd.s32 $0x7FFF, v37;
	v36 =	vadd.s32 $0x7FFF, v36  }
.LBB2_5:
0x136: {  	p1 =	sne.s32 s26, $0x7F;
	v39 =	vld.idx.msk [tilespmem:v27+s18+$0x0], $0xffff;
	v38 =	vadd.s32 $0x7FFF, v38;
	v36 =	vand.u32 $0xFFFF0000, v36;
	v30 =	vmul.f32 v31, v30  }
0x137: {  	v37 =	vand.u32 $0xFFFF0000, v37;
	v31 =	vld.idx.msk [tilespmem:v28+s18+$0x0], $0xffff;
	v38 =	vand.u32 $0xFFFF0000, v38;
	v40 =	vmul.f32 v36, v12  }
0x138: {  	v41 =	vmul.f32 v37, v6;
	v42 =	vmul.f32 v36, v5;
	v32 =	vld.idx.msk [tilespmem:v32+s18+$0x0], $0xffff;
	v43 =	vadd.f32 $-1.000000000e+00, v30  }
0x139: {  	v45 =	vmul.f32 v37, v8;
	v44 =	vmul.f32 v38, v7;
	v33 =	vld.idx.msk [tilespmem:v33+s18+$0x0], $0xffff  }
0x13a: {  	v46 =	vor.u32 $0x4, v23;
	v47 =	vmul.f32 v38, v9;
	v34 =	vld.idx.msk [tilespmem:v34+s18+$0x0], $0xffff;
	v30 =	vmul.f32 v43, v30  }
0x13b: {  	v37 =	vmul.f32 v37, v10;
	v38 =	vmul.f32 v38, v11;
	v43 =	vor.u32 $0x4, v24;
	v35 =	vld.idx.msk [tilespmem:v35+s18+$0x0], $0xffff  }
0x13c: {  	v41 =	vadd.f32 v44, v41;
	v44 =	vadd.f32 v47, v45;
	v29 =	vmul.f32 v30, v29  }
0x13d: {  	vm0 =	vle.f32 v26, v2;
	v36 =	vmul.f32 v36, v4;
	v30 =	vadd.f32 v38, v37  }
0x13e: {  	v26 =	vadd.f32 v41, v40;
	v37 =	vadd.f32 v44, v42;
	v29 =	vnsel vm0, $0x0, v29  }
0x13f: {  	v31 =	vsub.f32 v39, v31;
	v38 =	vor.u32 $0x3, v23;
	v23 =	vmovc v27;
	v25 =	vadd.f32 v29, v25  }
0x140: {  	v27 =	vadd.f32 v30, v36;
	v26 =	vmul.f32 v26, v26;
	v29 =	vmul.f32 v37, v37  }
0x141: {  	v32 =	vsub.f32 v32, v33;
	v33 =	vor.u32 $0x3, v24;
	v24 =	vmovc v28;
	v30 =	vsub.f32 v34, v35  }
0x142: {  	v28 =	vshrl.u32 v31, $0x10;
	v27 =	vmul.f32 v27, v27;
	v26 =	vadd.f32 v29, v26  }
0x143: {  	v28 =	vand.u32 $0x1, v28;
	v34 =	vshrl.u32 v32, $0x10;
	v29 =	vshrl.u32 v30, $0x10  }
0x144: {  	v28 =	vadd.s32 v28, v31;
	v31 =	vand.u32 $0x1, v34;
	v26 =	vadd.f32 v26, v27  }
0x145: {  	v27 =	vadd.s32 $0x7FFF, v28;
	v28 =	vand.u32 $0x1, v29;
	v29 =	vadd.s32 v31, v32;
	v31 =	vld.idx.msk [tilespmem:v38+s18+$0x0], $0xffff  }
0x146: {  	v27 =	vand.u32 $0xFFFF0000, v27;
	v28 =	vadd.s32 v28, v30;
	v30 =	vld.idx.msk [tilespmem:v33+s18+$0x0], $0xffff;
	(erf) = vrcp.f32 v26  }
0x147: {  	s28 =	sshll.u32 s26, $0x4;
	v29 =	vadd.s32 $0x7FFF, v29;
	v28 =	vadd.s32 $0x7FFF, v28;
	v32 =	vmul.f32 v27, v21  }
0x148: {  	s25 =	sadd.s32 $0x10, s25;
	s28 =	sand.u32 $0xFFFFFF80, s28;
	v28 =	vand.u32 $0xFFFF0000, v28;
	v33 =	vmul.f32 v27, v17;
	v27 =	vmul.f32 v27, v18;
	v34 =	vld.idx.msk [tilespmem:v46+s18+$0x0], $0xffff  }
0x149: {  	s28 =	sadd.s32 s28, s25;
	v29 =	vand.u32 $0xFFFF0000, v29;
	v35 =	vmul.f32 v28, v15;
	v36 =	vmul.f32 v28, v20;
	v37 =	vld.idx.msk [tilespmem:v43+s18+$0x0], $0xffff  }
0x14a: {  	v38 =	vmov s28;
	v39 =	vmul.f32 v29, v19;
	v28 =	vmul.f32 v28, v16  }
0x14b: {  	v33 =	vadd.f32 v35, v33;
	v35 =	vmul.f32 v29, v13;
	v32 =	vadd.f32 v36, v32  }
0x14c: {  	v28 =	vadd.f32 v28, v27;
	v29 =	vmul.f32 v29, v14;
	v30 =	vadd.f32 v30, v31  }
0x14d: {  	v31 =	vshll.u32 v38, $0x3;
	v35 =	vadd.f32 v35, v33;
	v36 =	vadd.f32 v39, v32  }
0x14e: {  	v29 =	vadd.f32 v29, v28;
	v27 =	vor.u32 v0, v31;
	v28 =	vmul.f32 $5.000000000e-01, v30  }
0x14f: {  	v30 =	vadd.f32 $5.000000000e-01, v35;
	v38 =	vadd.f32 $5.000000000e-01, v36;
	v37 =	vmul.f32 v37, v34;
	v34 =	vpop (erf)  }
0x150: {  	v39 =	vadd.f32 $5.000000000e-01, v29;
	v40 =	vmul.f32 v28, v28;
	v32 =	vmul.f32 v34, v26  }
0x151: {  	v28 =	vadd.s32 v1, v31;
	v31 =	vtrunc.f32 v30;
	v33 =	vtrunc.f32 v38  }
0x152: {  	v41 =	vtrunc.f32 v39;
	v42 =	vcvt.f32.s32 v33;
	v43 =	vsub.f32 $2.000000000e+00, v32  }
0x153: {  	v31 =	vcvt.f32.s32 v31;
	v41 =	vcvt.f32.s32 v41;
	v32 =	vor.u32 $0x2, v27  }
0x154: {  	v33 =	vor.u32 $0x2, v28;
	v42 =	vcvt.s32.f32 v42;
	v43 =	vmul.f32 v43, v34  }
0x155: {  	v31 =	vcvt.s32.f32 v31;
	v41 =	vcvt.s32.f32 v41;
	v34 =	vor.u32 $0x1, v27  }
0x156: {  	vm0 =	vlt.f32 v38, v42;
	v38 =	vadd.f32 $-1.000000000e+00, v42;
	v44 =	vmul.f32 v43, v26  }
0x157: {  	vm1 =	vlt.f32 v30, v31;
	v30 =	vadd.f32 $-1.000000000e+00, v31;
	v45 =	vadd.f32 $-1.000000000e+00, v41  }
0x158: {  	vm2 =	vlt.f32 v39, v41;
	v38 =	vsel vm0, v38, v42;
	v39 =	vsub.f32 $2.000000000e+00, v44  }
0x159: {  	v30 =	vsel vm1, v30, v31;
	v31 =	vsel vm2, v45, v41;
	v36 =	vsub.f32 v36, v38  }
0x15a: {  	v38 =	vsub.f32 v35, v30;
	v41 =	vsub.f32 v29, v31;
	v30 =	vmul.f32 v39, v43  }
.Ltmp1:
0x15b: {  	v35 =	vor.u32 $0x1, v28;
	v29 =	vmul.f32 $4.000000000e+00, v37;
	v31 =	vshrl.u32 v36, $0x10;
	(pc) =	sbr.rel @p1 .LBB2_5-.Ltmp1, $4  }
0x15c: {  	v37 =	vshrl.u32 v38, $0x10;
	v39 =	vshrl.u32 v41, $0x10;
	v30 =	vmul.f32 v30, v40  }
0x15d: {  	v37 =	vand.u32 $0x1, v37;
	v31 =	vand.u32 $0x1, v31;
	v39 =	vand.u32 $0x1, v39  }
0x15e: {  	v37 =	vadd.s32 v37, v38;
	v36 =	vadd.s32 v31, v36;
	v31 =	vmul.f32 v30, v30  }
0x15f: {  	s26 =	sadd.s32 $0x1, s26;
	v37 =	vadd.s32 $0x7FFF, v37;
	v38 =	vadd.s32 v39, v41;
	v36 =	vadd.s32 $0x7FFF, v36  }
0x160: {  	_ =	sdelay $0x3  }
0x161: {  	v39 =	vld.idx.msk [tilespmem:v27+s18+$0x0], $0xffff  }
0x162: {  	v40 =	vld.idx.msk [tilespmem:v28+s18+$0x0], $0xffff  }
0x163: {  	v34 =	vld.idx.msk [tilespmem:v34+s18+$0x0], $0xffff  }
0x164: {  	v35 =	vld.idx.msk [tilespmem:v35+s18+$0x0], $0xffff  }
0x165: {  	v32 =	vld.idx.msk [tilespmem:v32+s18+$0x0], $0xffff  }
0x166: {  	v33 =	vld.idx.msk [tilespmem:v33+s18+$0x0], $0xffff;
	_ =	sdelay $0x1  }
0x167: {  	v39 =	vsub.f32 v39, v40  }
0x168: {  	v34 =	vsub.f32 v34, v35  }
0x169: {  	v53 =	vshrl.u32 v39, $0x10  }
0x16a: {  	v32 =	vsub.f32 v32, v33;
	v55 =	vshrl.u32 v34, $0x10;
	v54 =	vand.u32 $0x1, v53  }
0x16b: {  	v35 =	vand.u32 $0x1, v55;
	v33 =	vadd.s32 v54, v39  }
0x16c: {  	v56 =	vshrl.u32 v32, $0x10;
	v34 =	vadd.s32 v35, v34;
	v33 =	vadd.s32 $0x7FFF, v33  }
0x16d: {  	v57 =	vand.u32 $0x1, v56;
	v34 =	vadd.s32 $0x7FFF, v34;
	v33 =	vand.u32 $0xFFFF0000, v33  }
0x16e: {  	v32 =	vadd.s32 v57, v32;
	v34 =	vand.u32 $0xFFFF0000, v34;
	v58 =	vmul.f32 v33, v21  }
0x16f: {  	v32 =	vadd.s32 $0x7FFF, v32;
	v59 =	vmul.f32 v33, v17;
	v60 =	vmul.f32 v34, v20  }
0x170: {  	v32 =	vand.u32 $0xFFFF0000, v32;
	v33 =	vmul.f32 v33, v18;
	v41 =	vmul.f32 v34, v15  }
0x171: {  	v38 =	vadd.s32 $0x7FFF, v38;
	v34 =	vmul.f32 v34, v16;
	v42 =	vmul.f32 v32, v19  }
0x172: {  	v61 =	vmul.f32 v32, v13;
	v35 =	vadd.f32 v60, v58;
	v39 =	vadd.f32 v41, v59  }
0x173: {  	v62 =	vand.u32 $0xFFFF0000, v37;
	v32 =	vmul.f32 v32, v14;
	v33 =	vadd.f32 v34, v33  }
0x174: {  	v63 =	vand.u32 $0xFFFF0000, v38;
	v34 =	vadd.f32 v42, v35;
	v48 =	vadd.f32 v61, v39  }
0x175: {  	v49 =	vmul.f32 v62, v6;
	v52 =	vmul.f32 v62, v8;
	v32 =	vadd.f32 v32, v33  }
0x176: {  	v51 =	vmul.f32 v63, v7;
	v50 =	vadd.f32 $5.000000000e-01, v34;
	v53 =	vadd.f32 $5.000000000e-01, v48  }
0x177: {  	v43 =	vmul.f32 v63, v9;
	v37 =	vmul.f32 v63, v11;
	v44 =	vadd.f32 $5.000000000e-01, v32  }
0x178: {  	v45 =	vtrunc.f32 v50;
	v46 =	vtrunc.f32 v53  }
0x179: {  	v47 =	vtrunc.f32 v44;
	v45 =	vcvt.f32.s32 v45  }
0x17a: {  	v36 =	vand.u32 $0xFFFF0000, v36;
	v46 =	vcvt.f32.s32 v46;
	v47 =	vcvt.f32.s32 v47  }
0x17b: {  	v58 =	vmul.f32 v36, v12;
	v45 =	vcvt.s32.f32 v45  }
0x17c: {  	v54 =	vadd.f32 v43, v52;
	v55 =	vcvt.s32.f32 v46;
	v56 =	vcvt.s32.f32 v47  }
0x17d: {  	v39 =	vadd.f32 v51, v49;
	v35 =	vmul.f32 v62, v10;
	v57 =	vadd.f32 $-1.000000000e+00, v45  }
0x17e: {  	vm0 =	vlt.f32 v50, v45;
	v59 =	vadd.f32 $-1.000000000e+00, v55;
	v60 =	vadd.f32 $-1.000000000e+00, v56  }
0x17f: {  	vm12 =	vlt.f32 v53, v55;
	vm1 =	vlt.f32 v44, v56;
	v33 =	vsel vm0, v57, v45  }
0x180: {  	v41 =	vsel vm12, v59, v55;
	v61 =	vsel vm1, v60, v56;
	v33 =	vsub.f32 v34, v33  }
0x181: {  	v62 =	vmul.f32 v36, v5;
	v38 =	vsub.f32 v48, v41;
	v32 =	vsub.f32 v32, v61  }
0x182: {  	v36 =	vmul.f32 v36, v4;
	v35 =	vadd.f32 v37, v35;
	v63 =	vshrl.u32 v33, $0x10  }
0x183: {  	v41 =	vshrl.u32 v38, $0x10;
	v42 =	vshrl.u32 v32, $0x10;
	v37 =	vand.u32 $0x1, v63  }
0x184: {  	v41 =	vand.u32 $0x1, v41;
	v42 =	vand.u32 $0x1, v42;
	v33 =	vadd.s32 v37, v33  }
0x185: {  	v45 =	vadd.s32 v41, v38;
	v32 =	vadd.s32 v42, v32;
	v33 =	vadd.s32 $0x7FFF, v33  }
0x186: {  	v37 =	vadd.s32 $0x7FFF, v45;
	v32 =	vadd.s32 $0x7FFF, v32;
	v33 =	vand.u32 $0xFFFF0000, v33  }
0x187: {  	v37 =	vand.u32 $0xFFFF0000, v37;
	v32 =	vand.u32 $0xFFFF0000, v32;
	v46 =	vmul.f32 v33, v12  }
0x188: {  	v39 =	vadd.f32 v39, v58;
	v48 =	vmul.f32 v37, v6;
	v49 =	vmul.f32 v32, v7  }
0x189: {  	v35 =	vadd.f32 v35, v36;
	v50 =	vmul.f32 v37, v8;
	v51 =	vmul.f32 v32, v9  }
0x18a: {  	v34 =	vadd.f32 v54, v62;
	v52 =	vmul.f32 v37, v10;
	v32 =	vmul.f32 v32, v11  }
0x18b: {  	v53 =	vmul.f32 v33, v5;
	v41 =	vadd.f32 v49, v48;
	v40 =	vadd.f32 v51, v50  }
0x18c: {  	v39 =	vmul.f32 v39, v39;
	v34 =	vmul.f32 v34, v34;
	v32 =	vadd.f32 v32, v52  }
0x18d: {  	v33 =	vmul.f32 v33, v4;
	v54 =	vadd.f32 v41, v46;
	v37 =	vadd.f32 v40, v53  }
0x18e: {  	v35 =	vmul.f32 v35, v35;
	v34 =	vadd.f32 v34, v39  }
0x18f: {  	v32 =	vadd.f32 v32, v33;
	v55 =	vmul.f32 v54, v54;
	v56 =	vmul.f32 v37, v37;
	_ =	sdelay $0x1  }
0x190: {  	v34 =	vadd.f32 v34, v35;
	v32 =	vmul.f32 v32, v32;
	v33 =	vadd.f32 v56, v55;
	_ =	sdelay $0x1  }
0x191: {  	(erf) = vrcp.f32 v34;
	v32 =	vadd.f32 v33, v32;
	_ =	sdelay $0x1  }
0x192: {  	(erf) = vrcp.f32 v32;
	_ =	sdelay $0x1  }
0x193: {  	v59 =	vor.u32 $0x3, v27  }
0x194: {  	v58 =	vor.u32 $0x3, v24  }
0x195: {  	v57 =	vor.u32 $0x3, v23  }
0x196: {  	v61 =	vor.u32 $0x3, v28;
	_ =	sdelay $0x1  }
0x197: {  	v36 =	vld.idx.msk [tilespmem:v59+s18+$0x0], $0xffff;
	v60 =	vpop (erf)  }
0x198: {  	v35 =	vld.idx.msk [tilespmem:v58+s18+$0x0], $0xffff;
	v62 =	vmul.f32 v60, v34  }
0x199: {  	v33 =	vld.idx.msk [tilespmem:v57+s18+$0x0], $0xffff;
	v63 =	vpop (erf)  }
0x19a: {  	v38 =	vld.idx.msk [tilespmem:v61+s18+$0x0], $0xffff;
	v39 =	vsub.f32 $2.000000000e+00, v62;
	v44 =	vmul.f32 v63, v32;
	_ =	sdelay $0x1  }
0x19b: {  	v37 =	vmul.f32 v39, v60;
	v45 =	vsub.f32 $2.000000000e+00, v44  }
0x19c: {  	v47 =	vor.u32 $0x4, v24  }
0x19d: {  	v33 =	vadd.f32 v35, v33;
	v46 =	vmul.f32 v37, v34;
	v39 =	vmul.f32 v45, v63  }
0x19e: {  	v23 =	vor.u32 $0x4, v23;
	v49 =	vor.u32 $0x4, v27;
	v36 =	vadd.f32 v38, v36  }
0x19f: {  	v33 =	vmul.f32 $5.000000000e-01, v33;
	v35 =	vsub.f32 $2.000000000e+00, v46;
	v48 =	vmul.f32 v39, v32  }
0x1a0: {  	v50 =	vor.u32 $0x4, v28;
	v36 =	vmul.f32 $5.000000000e-01, v36  }
0x1a1: {  	v33 =	vmul.f32 v33, v33;
	v35 =	vmul.f32 v35, v37;
	v51 =	vsub.f32 $2.000000000e+00, v48  }
0x1a2: {  	v24 =	vld.idx.msk [tilespmem:v47+s18+$0x0], $0xffff;
	v52 =	vmul.f32 v36, v36  }
0x1a3: {  	v23 =	vld.idx.msk [tilespmem:v23+s18+$0x0], $0xffff;
	v33 =	vmul.f32 v35, v33;
	v53 =	vmul.f32 v51, v39  }
0x1a4: {  	v30 =	vmul.f32 v31, v30;
	v27 =	vld.idx.msk [tilespmem:v49+s18+$0x0], $0xffff  }
0x1a5: {  	v28 =	vld.idx.msk [tilespmem:v50+s18+$0x0], $0xffff;
	v54 =	vmul.f32 v33, v33;
	v55 =	vmul.f32 v53, v52;
	_ =	sdelay $0x1  }
0x1a6: {  	v56 =	vadd.f32 $-1.000000000e+00, v30;
	v33 =	vmul.f32 v54, v33;
	v36 =	vmul.f32 v55, v55  }
0x1a7: {  	v23 =	vmul.f32 v24, v23  }
0x1a8: {  	v30 =	vmul.f32 v56, v30;
	v57 =	vadd.f32 $-1.000000000e+00, v33;
	v31 =	vmul.f32 v36, v55  }
0x1a9: {  	v23 =	vmul.f32 $4.000000000e+00, v23;
	v27 =	vmul.f32 v28, v27  }
0x1aa: {  	v29 =	vmul.f32 v30, v29;
	v24 =	vmul.f32 v57, v33;
	v58 =	vadd.f32 $-1.000000000e+00, v31  }
0x1ab: {  	vm13 =	vle.f32 v26, v2;
	v60 =	vmul.f32 $4.000000000e+00, v27  }
0x1ac: {  	s24 =	sadd.s32 s9, s24;
	v59 =	vnsel vm13, $0x0, v29;
	v23 =	vmul.f32 v24, v23;
	v61 =	vmul.f32 v58, v31  }
0x1ad: {  	s23 =	sadd.s32 $0x1, s23;
	p1 =	slt.u32 s24, $0xC35;
	s24 =	sshll.u32 s24, $0x9;
	vm14 =	vle.f32 v34, v2;
	v24 =	vadd.f32 v59, v25  }
0x1ae: {  	s24 =	simm.s32 @!p1 $0x0;
	p1 =	sne.s32 s23, $0x30;
	v23 =	vnsel vm14, $0x0, v23;
	v62 =	vmul.f32 v61, v60  }
.Ltmp2:
0x1af: {  	vm15 =	vle.f32 v32, v2;
	v23 =	vadd.f32 v23, v24;
	(pc) =	sbr.rel @p1 .LBB2_2-.Ltmp2, $4  }
0x1b0: {  	v63 =	vnsel vm15, $0x0, v62  }
0x1b1: {  	v3 =	vadd.f32 v22, v3;
	v23 =	vadd.f32 v63, v23  }
0x1b2: {  	s24 =	sadd.s32 s1, s24  }
0x1b3: {  	[tilespmem:s14], [sflag:$0x2] =	stream.linear.gather [hbm4b:s24+s4], $0x1000, $0x38;
	v3 =	vadd.f32 v23, v3;
	[tilespmem:$0x12028] =	vst v63  }
0x1b4: {  	s23 =	simm.s32 $0x0  }
0x1b5: {  	s23 =	sand.u32 $0xFFFFFF80, s23  }
0x1b6: {  	s23 =	sadd.s32 $0x0, s23  }
0x1b7: {  	_ =	swait.ge [sflag:s17], $0x1000;
	v22 =	vmov s23  }
0x1b8: {  	[sflag:s17] =	ssyncset.done $0x0;
	v22 =	vshll.u32 v22, $0x3  }
0x1b9: {  	[sflag:s17] =	ssyncadd.s32 $0xFFFFF000;
	v25 =	vor.u32 v0, v22  }
0x1ba: {  	[tilespmem:s18], [sflag:$0x4] =	stream.indirect.gather [hbm4b:s5+s14], $0x8, s14, s14, $0xb8;
	v26 =	vadd.s32 v1, v22;
	[tilespmem:$0x12028] =	vst v63  }
0x1bb: {  	_ =	swait.ge [sflag:s19], $0x8000;
	v22 =	vor.u32 $0x2, v25  }
0x1bc: {  	[sflag:s19] =	ssyncset.done $0x0;
	v23 =	vor.u32 $0x2, v26  }
0x1bd: {  	[sflag:s19] =	ssyncadd.s32 $0xFFFF8000;
	v24 =	vor.u32 $0x1, v25  }
0x1be: {  	v27 =	vor.u32 $0x1, v26;
	v28 =	vld.idx.msk [tilespmem:v25+s16+$0x0], $0xffff  }
0x1bf: {  	v29 =	vld.idx.msk [tilespmem:v26+s16+$0x0], $0xffff  }
0x1c0: {  	v22 =	vld.idx.msk [tilespmem:v22+s16+$0x0], $0xffff  }
0x1c1: {  	v23 =	vld.idx.msk [tilespmem:v23+s16+$0x0], $0xffff  }
0x1c2: {  	v24 =	vld.idx.msk [tilespmem:v24+s16+$0x0], $0xffff  }
0x1c3: {  	v27 =	vld.idx.msk [tilespmem:v27+s16+$0x0], $0xffff;
	_ =	sdelay $0x2  }
0x1c4: {  	v28 =	vsub.f32 v28, v29;
	_ =	sdelay $0x1  }
0x1c5: {  	v24 =	vsub.f32 v24, v27;
	v22 =	vsub.f32 v22, v23;
	v23 =	vshrl.u32 v28, $0x10  }
0x1c6: {  	v23 =	vand.u32 $0x1, v23  }
0x1c7: {  	v27 =	vshrl.u32 v24, $0x10;
	v29 =	vshrl.u32 v22, $0x10;
	v23 =	vadd.s32 v23, v28  }
0x1c8: {  	v28 =	vand.u32 $0x1, v29;
	v27 =	vand.u32 $0x1, v27;
	v23 =	vadd.s32 $0x7FFF, v23  }
0x1c9: {  	v22 =	vadd.s32 v28, v22;
	v24 =	vadd.s32 v27, v24;
	v23 =	vand.u32 $0xFFFF0000, v23  }
0x1ca: {  	v24 =	vadd.s32 $0x7FFF, v24;
	v22 =	vadd.s32 $0x7FFF, v22;
	v27 =	vmul.f32 v23, v21  }
0x1cb: {  	v24 =	vand.u32 $0xFFFF0000, v24;
	v28 =	vmul.f32 v23, v17;
	v23 =	vmul.f32 v23, v18  }
0x1cc: {  	v22 =	vand.u32 $0xFFFF0000, v22;
	v29 =	vmul.f32 v24, v15;
	v30 =	vmul.f32 v24, v20  }
0x1cd: {  	v24 =	vmul.f32 v24, v16;
	v31 =	vmul.f32 v22, v19  }
0x1ce: {  	v28 =	vadd.f32 v29, v28;
	v29 =	vmul.f32 v22, v13;
	v27 =	vadd.f32 v30, v27  }
0x1cf: {  	v23 =	vadd.f32 v24, v23;
	v22 =	vmul.f32 v22, v14  }
0x1d0: {  	v28 =	vadd.f32 v29, v28;
	v27 =	vadd.f32 v31, v27  }
0x1d1: {  	v22 =	vadd.f32 v22, v23  }
0x1d2: {  	v29 =	vadd.f32 $5.000000000e-01, v28;
	v30 =	vadd.f32 $5.000000000e-01, v27  }
0x1d3: {  	s30 =	simm.s32 $0x10;
	v31 =	vadd.f32 $5.000000000e-01, v22  }
0x1d4: {  	s23 =	sand.u32 $0xFFFFFF80, s30;
	v23 =	vtrunc.f32 v29;
	v24 =	vtrunc.f32 v30  }
0x1d5: {  	s23 =	sadd.s32 $0x10, s23;
	v32 =	vtrunc.f32 v31;
	v24 =	vcvt.f32.s32 v24  }
0x1d6: {  	v33 =	vmov s23;
	v34 =	vcvt.f32.s32 v23;
	v32 =	vcvt.f32.s32 v32  }
0x1d7: {  	v33 =	vshll.u32 v33, $0x3;
	v35 =	vcvt.s32.f32 v24  }
0x1d8: {  	v23 =	vor.u32 v0, v33;
	v34 =	vcvt.s32.f32 v34;
	v32 =	vcvt.s32.f32 v32  }
0x1d9: {  	v50 =	vor.u32 $0x2, v23;
	v24 =	vadd.s32 v1, v33;
	v36 =	vadd.f32 $-1.000000000e+00, v35  }
0x1da: {  	vm0 =	vlt.f32 v30, v35;
	v30 =	vadd.f32 $-1.000000000e+00, v34;
	v37 =	vadd.f32 $-1.000000000e+00, v32  }
0x1db: {  	vm1 =	vlt.f32 v29, v34;
	vm2 =	vlt.f32 v31, v32;
	v29 =	vsel vm0, v36, v35  }
0x1dc: {  	v30 =	vsel vm1, v30, v34;
	v31 =	vsel vm2, v37, v32;
	v27 =	vsub.f32 v27, v29  }
0x1dd: {  	v29 =	vor.u32 $0x2, v24;
	v28 =	vsub.f32 v28, v30;
	v22 =	vsub.f32 v22, v31  }
0x1de: {  	v30 =	vor.u32 $0x1, v23;
	v31 =	vor.u32 $0x1, v24;
	v51 =	vshrl.u32 v27, $0x10  }
0x1df: {  	v52 =	vshrl.u32 v28, $0x10;
	v53 =	vshrl.u32 v22, $0x10;
	v32 =	vand.u32 $0x1, v51  }
0x1e0: {  	v34 =	vand.u32 $0x1, v52;
	v35 =	vand.u32 $0x1, v53;
	v27 =	vadd.s32 v32, v27  }
0x1e1: {  	v28 =	vadd.s32 v34, v28;
	v22 =	vadd.s32 v35, v22;
	v27 =	vadd.s32 $0x7FFF, v27  }
0x1e2: {  	v54 =	vld.idx.msk [tilespmem:v23+s16+$0x0], $0xffff;
	v28 =	vadd.s32 $0x7FFF, v28;
	v22 =	vadd.s32 $0x7FFF, v22;
	v27 =	vand.u32 $0xFFFF0000, v27  }
0x1e3: {  	v33 =	vld.idx.msk [tilespmem:v50+s16+$0x0], $0xffff;
	v28 =	vand.u32 $0xFFFF0000, v28;
	v22 =	vand.u32 $0xFFFF0000, v22;
	v56 =	vmul.f32 v27, v12  }
0x1e4: {  	v55 =	vld.idx.msk [tilespmem:v24+s16+$0x0], $0xffff;
	v57 =	vmul.f32 v28, v6;
	v58 =	vmul.f32 v22, v7  }
0x1e5: {  	v29 =	vld.idx.msk [tilespmem:v29+s16+$0x0], $0xffff;
	v38 =	vmul.f32 v28, v8;
	v39 =	vmul.f32 v22, v9  }
0x1e6: {  	v60 =	vor.u32 $0x4, v25;
	v30 =	vld.idx.msk [tilespmem:v30+s16+$0x0], $0xffff;
	v28 =	vmul.f32 v28, v10;
	v40 =	vmul.f32 v22, v11  }
0x1e7: {  	v31 =	vld.idx.msk [tilespmem:v31+s16+$0x0], $0xffff;
	v41 =	vmul.f32 v27, v5;
	v36 =	vadd.f32 v58, v57;
	v59 =	vadd.f32 v39, v38  }
0x1e8: {  	v62 =	vor.u32 $0x4, v26;
	v63 =	vor.u32 $0x3, v25;
	v28 =	vadd.f32 v40, v28  }
0x1e9: {  	v27 =	vmul.f32 v27, v4;
	v35 =	vadd.f32 v36, v56;
	v61 =	vadd.f32 v59, v41  }
0x1ea: {  	v26 =	vor.u32 $0x3, v26;
	v32 =	vsub.f32 v54, v55;
	v29 =	vsub.f32 v33, v29  }
0x1eb: {  	v25 =	vadd.f32 v28, v27;
	v27 =	vmul.f32 v35, v35;
	v28 =	vmul.f32 v61, v61  }
0x1ec: {  	v30 =	vsub.f32 v30, v31;
	v31 =	vshrl.u32 v32, $0x10;
	v33 =	vshrl.u32 v29, $0x10  }
0x1ed: {  	v25 =	vmul.f32 v25, v25;
	v39 =	vand.u32 $0x1, v33;
	v27 =	vadd.f32 v28, v27  }
0x1ee: {  	v29 =	vadd.s32 v39, v29;
	v28 =	vand.u32 $0x1, v31  }
0x1ef: {  	v31 =	vshrl.u32 v30, $0x10;
	v28 =	vadd.s32 v28, v32;
	v25 =	vadd.f32 v27, v25  }
0x1f0: {  	v44 =	vld.idx.msk [tilespmem:v62+s16+$0x0], $0xffff;
	v29 =	vadd.s32 $0x7FFF, v29;
	v27 =	vadd.s32 $0x7FFF, v28;
	v28 =	vand.u32 $0x1, v31  }
0x1f1: {  	s31 =	simm.s32 $0x20;
	v26 =	vld.idx.msk [tilespmem:v26+s16+$0x0], $0xffff;
	v29 =	vand.u32 $0xFFFF0000, v29;
	v28 =	vadd.s32 v28, v30;
	(erf) = vrcp.f32 v25  }
0x1f2: {  	s23 =	sand.u32 $0xFFFFFF80, s31;
	v31 =	vld.idx.msk [tilespmem:v63+s16+$0x0], $0xffff;
	v46 =	vmul.f32 v29, v19;
	v27 =	vand.u32 $0xFFFF0000, v27;
	v28 =	vadd.s32 $0x7FFF, v28  }
0x1f3: {  	s23 =	sadd.s32 $0x20, s23;
	v41 =	vld.idx.msk [tilespmem:v60+s16+$0x0], $0xffff;
	v30 =	vmul.f32 v27, v21;
	v40 =	vmul.f32 v27, v17;
	v28 =	vand.u32 $0xFFFF0000, v28  }
0x1f4: {  	v45 =	vmov s23;
	v42 =	vmul.f32 v28, v15;
	v43 =	vmul.f32 v28, v20  }
0x1f5: {  	v22 =	vimm.f32 $0.0e+00;
	v27 =	vmul.f32 v27, v18;
	v28 =	vmul.f32 v28, v16  }
0x1f6: {  	v47 =	vmul.f32 v29, v13;
	v32 =	vadd.f32 v42, v40;
	v30 =	vadd.f32 v43, v30  }
0x1f7: {  	v27 =	vadd.f32 v28, v27;
	v28 =	vmul.f32 v29, v14;
	v29 =	vadd.f32 v26, v31  }
0x1f8: {  	v36 =	vmul.f32 v44, v41;
	v34 =	vadd.f32 v47, v32;
	v30 =	vadd.f32 v46, v30  }
0x1f9: {  	v31 =	vshll.u32 v45, $0x3;
	v28 =	vadd.f32 v28, v27;
	v27 =	vmul.f32 $5.000000000e-01, v29  }
0x1fa: {  	v26 =	vor.u32 v0, v31;
	v29 =	vadd.f32 $5.000000000e-01, v34;
	v48 =	vadd.f32 $5.000000000e-01, v30;
	v49 =	vpop (erf)  }
0x1fb: {  	v50 =	vadd.f32 $5.000000000e-01, v28;
	v52 =	vmul.f32 v27, v27;
	v51 =	vmul.f32 v49, v25  }
0x1fc: {  	v27 =	vadd.s32 v1, v31;
	v53 =	vtrunc.f32 v29;
	v31 =	vtrunc.f32 v48  }
0x1fd: {  	v54 =	vtrunc.f32 v50;
	v55 =	vcvt.f32.s32 v31;
	v42 =	vsub.f32 $2.000000000e+00, v51  }
0x1fe: {  	v33 =	vor.u32 $0x1, v26;
	v39 =	vcvt.f32.s32 v53;
	v40 =	vcvt.f32.s32 v54  }
0x1ff: {  	v32 =	vor.u32 $0x2, v27;
	v41 =	vcvt.s32.f32 v55;
	v42 =	vmul.f32 v42, v49  }
0x200: {  	v31 =	vor.u32 $0x2, v26;
	v39 =	vcvt.s32.f32 v39;
	v40 =	vcvt.s32.f32 v40  }
0x201: {  	vm13 =	vlt.f32 v48, v41;
	v56 =	vadd.f32 $-1.000000000e+00, v41;
	v43 =	vmul.f32 v42, v25  }
0x202: {  	vm14 =	vlt.f32 v29, v39;
	v29 =	vadd.f32 $-1.000000000e+00, v39;
	v44 =	vadd.f32 $-1.000000000e+00, v40  }
0x203: {  	vm15 =	vlt.f32 v50, v40;
	v35 =	vsel vm13, v56, v41;
	v57 =	vsub.f32 $2.000000000e+00, v43  }
0x204: {  	v29 =	vsel vm14, v29, v39;
	v58 =	vsel vm15, v44, v40;
	v30 =	vsub.f32 v30, v35  }
0x205: {  	v59 =	vsub.f32 v34, v29;
	v39 =	vsub.f32 v28, v58;
	v29 =	vmul.f32 v57, v42  }
0x206: {  	v34 =	vor.u32 $0x1, v27;
	v28 =	vmul.f32 $4.000000000e+00, v36;
	v60 =	vshrl.u32 v30, $0x10  }
0x207: {  	v61 =	vshrl.u32 v59, $0x10;
	v62 =	vshrl.u32 v39, $0x10;
	v29 =	vmul.f32 v29, v52  }
0x208: {  	v36 =	vand.u32 $0x1, v61;
	v63 =	vand.u32 $0x1, v62;
	v37 =	vand.u32 $0x1, v60  }
0x209: {  	v35 =	vadd.s32 v36, v59;
	v37 =	vadd.s32 v37, v30;
	v30 =	vmul.f32 v29, v29  }
0x20a: {  	s24 =	simm.s32 $0x3;
	s23 =	simm.s32 $0x20;
	v36 =	vadd.s32 v63, v39;
	v35 =	vadd.s32 $0x7FFF, v35;
	v37 =	vadd.s32 $0x7FFF, v37  }
.LBB2_8:
0x20b: {  	p1 =	sne.s32 s24, $0x7F;
	v38 =	vld.idx.msk [tilespmem:v26+s16+$0x0], $0xffff;
	v36 =	vadd.s32 $0x7FFF, v36;
	v37 =	vand.u32 $0xFFFF0000, v37;
	v29 =	vmul.f32 v30, v29  }
0x20c: {  	v35 =	vand.u32 $0xFFFF0000, v35;
	v30 =	vld.idx.msk [tilespmem:v27+s16+$0x0], $0xffff;
	v36 =	vand.u32 $0xFFFF0000, v36;
	v39 =	vmul.f32 v37, v12  }
0x20d: {  	v40 =	vmul.f32 v35, v6;
	v41 =	vmul.f32 v37, v5;
	v31 =	vld.idx.msk [tilespmem:v31+s16+$0x0], $0xffff;
	v42 =	vadd.f32 $-1.000000000e+00, v29  }
0x20e: {  	v44 =	vmul.f32 v35, v8;
	v43 =	vmul.f32 v36, v7;
	v32 =	vld.idx.msk [tilespmem:v32+s16+$0x0], $0xffff  }
0x20f: {  	v45 =	vor.u32 $0x4, v23;
	v46 =	vmul.f32 v36, v9;
	v33 =	vld.idx.msk [tilespmem:v33+s16+$0x0], $0xffff;
	v29 =	vmul.f32 v42, v29  }
0x210: {  	v35 =	vmul.f32 v35, v10;
	v36 =	vmul.f32 v36, v11;
	v42 =	vor.u32 $0x4, v24;
	v34 =	vld.idx.msk [tilespmem:v34+s16+$0x0], $0xffff  }
0x211: {  	v40 =	vadd.f32 v43, v40;
	v43 =	vadd.f32 v46, v44;
	v28 =	vmul.f32 v29, v28  }
0x212: {  	vm0 =	vle.f32 v25, v2;
	v29 =	vadd.f32 v36, v35;
	v35 =	vmul.f32 v37, v4  }
0x213: {  	v25 =	vadd.f32 v40, v39;
	v36 =	vadd.f32 v43, v41;
	v28 =	vnsel vm0, $0x0, v28  }
0x214: {  	v30 =	vsub.f32 v38, v30;
	v37 =	vor.u32 $0x3, v23;
	v23 =	vmovc v26;
	v22 =	vadd.f32 v28, v22  }
0x215: {  	v26 =	vadd.f32 v29, v35;
	v25 =	vmul.f32 v25, v25;
	v28 =	vmul.f32 v36, v36  }
0x216: {  	v31 =	vsub.f32 v31, v32;
	v32 =	vor.u32 $0x3, v24;
	v24 =	vmovc v27;
	v29 =	vsub.f32 v33, v34  }
0x217: {  	v27 =	vshrl.u32 v30, $0x10;
	v26 =	vmul.f32 v26, v26;
	v25 =	vadd.f32 v28, v25  }
0x218: {  	v27 =	vand.u32 $0x1, v27;
	v33 =	vshrl.u32 v31, $0x10;
	v28 =	vshrl.u32 v29, $0x10  }
0x219: {  	v27 =	vadd.s32 v27, v30;
	v30 =	vand.u32 $0x1, v33;
	v25 =	vadd.f32 v25, v26  }
0x21a: {  	v26 =	vadd.s32 $0x7FFF, v27;
	v27 =	vand.u32 $0x1, v28;
	v28 =	vadd.s32 v30, v31;
	v30 =	vld.idx.msk [tilespmem:v37+s16+$0x0], $0xffff  }
0x21b: {  	v26 =	vand.u32 $0xFFFF0000, v26;
	v27 =	vadd.s32 v27, v29;
	v29 =	vld.idx.msk [tilespmem:v32+s16+$0x0], $0xffff;
	(erf) = vrcp.f32 v25  }
0x21c: {  	s25 =	sshll.u32 s24, $0x4;
	v28 =	vadd.s32 $0x7FFF, v28;
	v27 =	vadd.s32 $0x7FFF, v27;
	v31 =	vmul.f32 v26, v21  }
0x21d: {  	s23 =	sadd.s32 $0x10, s23;
	s25 =	sand.u32 $0xFFFFFF80, s25;
	v27 =	vand.u32 $0xFFFF0000, v27;
	v32 =	vmul.f32 v26, v17;
	v26 =	vmul.f32 v26, v18;
	v33 =	vld.idx.msk [tilespmem:v45+s16+$0x0], $0xffff  }
0x21e: {  	s25 =	sadd.s32 s25, s23;
	v28 =	vand.u32 $0xFFFF0000, v28;
	v34 =	vmul.f32 v27, v15;
	v35 =	vmul.f32 v27, v20;
	v36 =	vld.idx.msk [tilespmem:v42+s16+$0x0], $0xffff  }
0x21f: {  	v37 =	vmov s25;
	v38 =	vmul.f32 v28, v19;
	v27 =	vmul.f32 v27, v16  }
0x220: {  	v32 =	vadd.f32 v34, v32;
	v34 =	vmul.f32 v28, v13;
	v31 =	vadd.f32 v35, v31  }
0x221: {  	v27 =	vadd.f32 v27, v26;
	v28 =	vmul.f32 v28, v14;
	v29 =	vadd.f32 v29, v30  }
0x222: {  	v30 =	vshll.u32 v37, $0x3;
	v34 =	vadd.f32 v34, v32;
	v35 =	vadd.f32 v38, v31  }
0x223: {  	v28 =	vadd.f32 v28, v27;
	v26 =	vor.u32 v0, v30;
	v27 =	vmul.f32 $5.000000000e-01, v29  }
0x224: {  	v29 =	vadd.f32 $5.000000000e-01, v34;
	v37 =	vadd.f32 $5.000000000e-01, v35;
	v36 =	vmul.f32 v36, v33;
	v33 =	vpop (erf)  }
0x225: {  	v38 =	vadd.f32 $5.000000000e-01, v28;
	v39 =	vmul.f32 v27, v27;
	v31 =	vmul.f32 v33, v25  }
0x226: {  	v27 =	vadd.s32 v1, v30;
	v30 =	vtrunc.f32 v29;
	v32 =	vtrunc.f32 v37  }
0x227: {  	v40 =	vtrunc.f32 v38;
	v41 =	vcvt.f32.s32 v32;
	v42 =	vsub.f32 $2.000000000e+00, v31  }
0x228: {  	v30 =	vcvt.f32.s32 v30;
	v40 =	vcvt.f32.s32 v40;
	v31 =	vor.u32 $0x2, v26  }
0x229: {  	v32 =	vor.u32 $0x2, v27;
	v41 =	vcvt.s32.f32 v41;
	v42 =	vmul.f32 v42, v33  }
0x22a: {  	v30 =	vcvt.s32.f32 v30;
	v40 =	vcvt.s32.f32 v40;
	v33 =	vor.u32 $0x1, v26  }
0x22b: {  	vm0 =	vlt.f32 v37, v41;
	v37 =	vadd.f32 $-1.000000000e+00, v41;
	v43 =	vmul.f32 v42, v25  }
0x22c: {  	vm1 =	vlt.f32 v29, v30;
	v29 =	vadd.f32 $-1.000000000e+00, v30;
	v44 =	vadd.f32 $-1.000000000e+00, v40  }
0x22d: {  	vm2 =	vlt.f32 v38, v40;
	v37 =	vsel vm0, v37, v41;
	v38 =	vsub.f32 $2.000000000e+00, v43  }
0x22e: {  	v29 =	vsel vm1, v29, v30;
	v30 =	vsel vm2, v44, v40;
	v35 =	vsub.f32 v35, v37  }
0x22f: {  	v37 =	vsub.f32 v34, v29;
	v40 =	vsub.f32 v28, v30;
	v29 =	vmul.f32 v38, v42  }
.Ltmp3:
0x230: {  	v34 =	vor.u32 $0x1, v27;
	v28 =	vmul.f32 $4.000000000e+00, v36;
	v30 =	vshrl.u32 v35, $0x10;
	(pc) =	sbr.rel @p1 .LBB2_8-.Ltmp3, $4  }
0x231: {  	v36 =	vshrl.u32 v37, $0x10;
	v38 =	vshrl.u32 v40, $0x10;
	v29 =	vmul.f32 v29, v39  }
0x232: {  	v36 =	vand.u32 $0x1, v36;
	v30 =	vand.u32 $0x1, v30;
	v38 =	vand.u32 $0x1, v38  }
0x233: {  	v36 =	vadd.s32 v36, v37;
	v37 =	vadd.s32 v30, v35;
	v30 =	vmul.f32 v29, v29  }
0x234: {  	s24 =	sadd.s32 $0x1, s24;
	v35 =	vadd.s32 $0x7FFF, v36;
	v36 =	vadd.s32 v38, v40;
	v37 =	vadd.s32 $0x7FFF, v37  }
0x235: {  	_ =	sdelay $0x3  }
0x236: {  	v38 =	vld.idx.msk [tilespmem:v26+s16+$0x0], $0xffff  }
0x237: {  	v39 =	vld.idx.msk [tilespmem:v27+s16+$0x0], $0xffff  }
0x238: {  	v31 =	vld.idx.msk [tilespmem:v31+s16+$0x0], $0xffff  }
0x239: {  	v32 =	vld.idx.msk [tilespmem:v32+s16+$0x0], $0xffff  }
0x23a: {  	v33 =	vld.idx.msk [tilespmem:v33+s16+$0x0], $0xffff  }
0x23b: {  	v34 =	vld.idx.msk [tilespmem:v34+s16+$0x0], $0xffff;
	_ =	sdelay $0x2  }
0x23c: {  	v38 =	vsub.f32 v38, v39  }
0x23d: {  	v36 =	vadd.s32 $0x7FFF, v36;
	v37 =	vand.u32 $0xFFFF0000, v37;
	v49 =	vand.u32 $0xFFFF0000, v35  }
0x23e: {  	v33 =	vsub.f32 v33, v34;
	v31 =	vsub.f32 v31, v32;
	v48 =	vshrl.u32 v38, $0x10  }
0x23f: {  	v50 =	vmul.f32 v37, v12;
	v57 =	vmul.f32 v49, v6;
	v32 =	vand.u32 $0x1, v48  }
0x240: {  	v51 =	vshrl.u32 v33, $0x10;
	v40 =	vshrl.u32 v31, $0x10;
	v32 =	vadd.s32 v32, v38  }
0x241: {  	v52 =	vand.u32 $0x1, v40;
	v39 =	vand.u32 $0x1, v51;
	v32 =	vadd.s32 $0x7FFF, v32  }
0x242: {  	v31 =	vadd.s32 v52, v31;
	v33 =	vadd.s32 v39, v33;
	v32 =	vand.u32 $0xFFFF0000, v32  }
0x243: {  	v33 =	vadd.s32 $0x7FFF, v33;
	v31 =	vadd.s32 $0x7FFF, v31;
	v53 =	vmul.f32 v32, v21  }
0x244: {  	v33 =	vand.u32 $0xFFFF0000, v33;
	v54 =	vmul.f32 v32, v17;
	v32 =	vmul.f32 v32, v18  }
0x245: {  	v31 =	vand.u32 $0xFFFF0000, v31;
	v55 =	vmul.f32 v33, v15;
	v41 =	vmul.f32 v33, v20  }
0x246: {  	v36 =	vand.u32 $0xFFFF0000, v36;
	v33 =	vmul.f32 v33, v16;
	v42 =	vmul.f32 v31, v19  }
0x247: {  	v56 =	vmul.f32 v31, v13;
	v39 =	vadd.f32 v55, v54;
	v38 =	vadd.f32 v41, v53  }
0x248: {  	v58 =	vmul.f32 v37, v5;
	v31 =	vmul.f32 v31, v14;
	v32 =	vadd.f32 v33, v32  }
0x249: {  	v60 =	vmul.f32 v49, v8;
	v39 =	vadd.f32 v56, v39;
	v38 =	vadd.f32 v42, v38  }
0x24a: {  	v37 =	vmul.f32 v37, v4;
	v59 =	vmul.f32 v36, v7;
	v31 =	vadd.f32 v31, v32  }
0x24b: {  	v61 =	vmul.f32 v36, v9;
	v43 =	vadd.f32 $5.000000000e-01, v39;
	v44 =	vadd.f32 $5.000000000e-01, v38  }
0x24c: {  	v36 =	vmul.f32 v36, v11;
	v34 =	vmul.f32 v49, v10;
	v45 =	vadd.f32 $5.000000000e-01, v31  }
0x24d: {  	v62 =	vtrunc.f32 v43;
	v46 =	vtrunc.f32 v44  }
0x24e: {  	v40 =	vadd.f32 v59, v57;
	v63 =	vtrunc.f32 v45;
	v46 =	vcvt.f32.s32 v46  }
0x24f: {  	v34 =	vadd.f32 v36, v34;
	v48 =	vcvt.f32.s32 v62;
	v49 =	vcvt.f32.s32 v63  }
0x250: {  	v35 =	vadd.f32 v40, v50;
	v32 =	vadd.f32 v61, v60;
	v50 =	vcvt.s32.f32 v46  }
0x251: {  	v34 =	vadd.f32 v34, v37;
	v51 =	vcvt.s32.f32 v48;
	v52 =	vcvt.s32.f32 v49  }
0x252: {  	v32 =	vadd.f32 v32, v58;
	v53 =	vadd.f32 $-1.000000000e+00, v50  }
0x253: {  	vm0 =	vlt.f32 v44, v50;
	v54 =	vadd.f32 $-1.000000000e+00, v51;
	v55 =	vadd.f32 $-1.000000000e+00, v52  }
0x254: {  	vm1 =	vlt.f32 v43, v51;
	vm2 =	vlt.f32 v45, v52;
	v37 =	vsel vm0, v53, v50  }
0x255: {  	v33 =	vsel vm1, v54, v51;
	v36 =	vsel vm2, v55, v52;
	v37 =	vsub.f32 v38, v37  }
0x256: {  	v34 =	vmul.f32 v34, v34;
	v33 =	vsub.f32 v39, v33;
	v31 =	vsub.f32 v31, v36  }
0x257: {  	v35 =	vmul.f32 v35, v35;
	v32 =	vmul.f32 v32, v32;
	v56 =	vshrl.u32 v37, $0x10  }
0x258: {  	v57 =	vshrl.u32 v33, $0x10;
	v58 =	vshrl.u32 v31, $0x10;
	v36 =	vand.u32 $0x1, v56  }
0x259: {  	v38 =	vand.u32 $0x1, v57;
	v39 =	vand.u32 $0x1, v58;
	v36 =	vadd.s32 v36, v37  }
0x25a: {  	v33 =	vadd.s32 v38, v33;
	v31 =	vadd.s32 v39, v31;
	v36 =	vadd.s32 $0x7FFF, v36  }
0x25b: {  	v33 =	vadd.s32 $0x7FFF, v33;
	v31 =	vadd.s32 $0x7FFF, v31;
	v36 =	vand.u32 $0xFFFF0000, v36  }
0x25c: {  	v33 =	vand.u32 $0xFFFF0000, v33;
	v31 =	vand.u32 $0xFFFF0000, v31;
	v59 =	vmul.f32 v36, v12  }
0x25d: {  	v60 =	vmul.f32 v33, v6;
	v61 =	vmul.f32 v31, v7  }
0x25e: {  	v62 =	vmul.f32 v33, v8;
	v63 =	vmul.f32 v31, v9  }
0x25f: {  	v32 =	vadd.f32 v32, v35;
	v33 =	vmul.f32 v33, v10;
	v31 =	vmul.f32 v31, v11  }
0x260: {  	v44 =	vmul.f32 v36, v5;
	v38 =	vadd.f32 v61, v60;
	v45 =	vadd.f32 v63, v62  }
0x261: {  	v32 =	vadd.f32 v32, v34;
	v31 =	vadd.f32 v31, v33  }
0x262: {  	v46 =	vmul.f32 v36, v4;
	v47 =	vadd.f32 v38, v59;
	v35 =	vadd.f32 v45, v44  }
0x263: {  	(erf) = vrcp.f32 v32  }
0x264: {  	v31 =	vadd.f32 v31, v46;
	v48 =	vmul.f32 v47, v47;
	v49 =	vmul.f32 v35, v35;
	_ =	sdelay $0x1  }
0x265: {  	v31 =	vmul.f32 v31, v31;
	v33 =	vadd.f32 v49, v48;
	_ =	sdelay $0x1  }
0x266: {  	v50 =	vor.u32 $0x3, v23;
	v31 =	vadd.f32 v33, v31  }
0x267: {  	v23 =	vor.u32 $0x4, v23  }
0x268: {  	v51 =	vor.u32 $0x3, v24;
	(erf) = vrcp.f32 v31  }
0x269: {  	v24 =	vor.u32 $0x4, v24  }
0x26a: {  	v54 =	vor.u32 $0x3, v27  }
0x26b: {  	s23 =	simm.s32 $0x0;
	v52 =	vor.u32 $0x3, v26;
	v26 =	vor.u32 $0x4, v26;
	v34 =	vld.idx.msk [tilespmem:v50+s16+$0x0], $0xffff;
	v53 =	vpop (erf)  }
0x26c: {  	s23 =	sand.u32 $0xFFFFFF80, s23;
	v56 =	vor.u32 $0x4, v27;
	v23 =	vld.idx.msk [tilespmem:v23+s16+$0x0], $0xffff;
	v55 =	vmul.f32 v53, v32  }
0x26d: {  	s23 =	sadd.s32 $0x0, s23;
	v35 =	vld.idx.msk [tilespmem:v51+s16+$0x0], $0xffff  }
0x26e: {  	v57 =	vmov s23;
	v24 =	vld.idx.msk [tilespmem:v24+s16+$0x0], $0xffff;
	v27 =	vsub.f32 $2.000000000e+00, v55  }
0x26f: {  	v37 =	vld.idx.msk [tilespmem:v54+s16+$0x0], $0xffff;
	v38 =	vshll.u32 v57, $0x3  }
0x270: {  	v40 =	vld.idx.msk [tilespmem:v26+s16+$0x0], $0xffff;
	v36 =	vmul.f32 v27, v53;
	v27 =	vor.u32 v0, v38  }
0x271: {  	v39 =	vld.idx.msk [tilespmem:v56+s16+$0x0], $0xffff;
	v26 =	vadd.s32 v1, v38;
	v61 =	vor.u32 $0x2, v27;
	v59 =	vpop (erf)  }
0x272: {  	v62 =	vor.u32 $0x2, v26;
	v58 =	vmul.f32 v36, v32;
	v33 =	vld.idx.msk [tilespmem:v52+s16+$0x0], $0xffff;
	v34 =	vadd.f32 v35, v34;
	_ =	swait.ge [sflag:s20], $0x8000  }
0x273: {  	v60 =	vmul.f32 v59, v31;
	[sflag:s20] =	ssyncset.done $0x0  }
0x274: {  	v63 =	vor.u32 $0x1, v27;
	v35 =	vsub.f32 $2.000000000e+00, v58;
	v34 =	vmul.f32 $5.000000000e-01, v34;
	[sflag:s20] =	ssyncadd.s32 $0xFFFF8000  }
0x275: {  	v29 =	vmul.f32 v30, v29;
	v48 =	vor.u32 $0x1, v26;
	v30 =	vsub.f32 $2.000000000e+00, v60;
	v49 =	vld.idx.msk [tilespmem:v27+s18+$0x0], $0xffff  }
0x276: {  	v35 =	vmul.f32 v35, v36;
	v34 =	vmul.f32 v34, v34;
	v52 =	vld.idx.msk [tilespmem:v61+s18+$0x0], $0xffff  }
0x277: {  	v50 =	vadd.f32 $-1.000000000e+00, v29;
	v54 =	vld.idx.msk [tilespmem:v62+s18+$0x0], $0xffff;
	v30 =	vmul.f32 v30, v59  }
0x278: {  	v34 =	vmul.f32 v35, v34;
	v51 =	vld.idx.msk [tilespmem:v26+s18+$0x0], $0xffff  }
0x279: {  	v29 =	vmul.f32 v50, v29;
	v33 =	vadd.f32 v37, v33;
	v38 =	vld.idx.msk [tilespmem:v63+s18+$0x0], $0xffff;
	v53 =	vmul.f32 v30, v31  }
0x27a: {  	vm7 =	vle.f32 v25, v2;
	v23 =	vmul.f32 v24, v23;
	v55 =	vmul.f32 v34, v34;
	v36 =	vld.idx.msk [tilespmem:v48+s18+$0x0], $0xffff  }
0x27b: {  	v28 =	vmul.f32 v29, v28;
	v29 =	vmul.f32 $5.000000000e-01, v33;
	v56 =	vsub.f32 $2.000000000e+00, v53  }
0x27c: {  	v23 =	vmul.f32 $4.000000000e+00, v23;
	v24 =	vmul.f32 v55, v34;
	v58 =	vsub.f32 v52, v54  }
0x27d: {  	vm8 =	vle.f32 v32, v2;
	v25 =	vmul.f32 v29, v29;
	v29 =	vmul.f32 v56, v30  }
0x27e: {  	v57 =	vadd.f32 $-1.000000000e+00, v24;
	v30 =	vsub.f32 v49, v51;
	v61 =	vshrl.u32 v58, $0x10  }
0x27f: {  	v62 =	vand.u32 $0x1, v61;
	v25 =	vmul.f32 v29, v25;
	v29 =	vsub.f32 v38, v36  }
0x280: {  	v24 =	vmul.f32 v57, v24;
	v59 =	vshrl.u32 v30, $0x10;
	v34 =	vadd.s32 v62, v58  }
0x281: {  	v35 =	vand.u32 $0x1, v59;
	v34 =	vadd.s32 $0x7FFF, v34;
	v36 =	vshrl.u32 v29, $0x10  }
0x282: {  	v60 =	vmul.f32 v25, v25;
	v30 =	vadd.s32 v35, v30;
	v36 =	vand.u32 $0x1, v36  }
0x283: {  	v34 =	vand.u32 $0xFFFF0000, v34;
	v30 =	vadd.s32 $0x7FFF, v30;
	v29 =	vadd.s32 v36, v29  }
0x284: {  	v44 =	vmul.f32 v34, v13;
	v30 =	vand.u32 $0xFFFF0000, v30;
	v29 =	vadd.s32 $0x7FFF, v29  }
0x285: {  	v63 =	vmul.f32 v30, v21;
	v41 =	vmul.f32 v30, v17;
	v29 =	vand.u32 $0xFFFF0000, v29  }
0x286: {  	v28 =	vnsel vm7, $0x0, v28;
	v42 =	vmul.f32 v29, v15;
	v43 =	vmul.f32 v29, v20  }
0x287: {  	v22 =	vadd.f32 v28, v22;
	v30 =	vmul.f32 v30, v18;
	v28 =	vmul.f32 v29, v16  }
0x288: {  	v29 =	vmul.f32 v34, v19;
	v36 =	vadd.f32 v42, v41;
	v35 =	vadd.f32 v43, v63  }
0x289: {  	v25 =	vmul.f32 v60, v25;
	v28 =	vadd.f32 v28, v30;
	v30 =	vmul.f32 v34, v14  }
0x28a: {  	v23 =	vmul.f32 v24, v23;
	v45 =	vadd.f32 v44, v36;
	v29 =	vadd.f32 v29, v35  }
0x28b: {  	v24 =	vmul.f32 v39, v40;
	v46 =	vadd.f32 $-1.000000000e+00, v25;
	v28 =	vadd.f32 v30, v28  }
0x28c: {  	vm12 =	vle.f32 v31, v2;
	v30 =	vadd.f32 $5.000000000e-01, v45;
	v47 =	vadd.f32 $5.000000000e-01, v29  }
0x28d: {  	s30 =	simm.s32 $0x10;
	v24 =	vmul.f32 $4.000000000e+00, v24;
	v25 =	vmul.f32 v46, v25;
	v48 =	vadd.f32 $5.000000000e-01, v28  }
0x28e: {  	s23 =	sand.u32 $0xFFFFFF80, s30;
	v23 =	vnsel vm8, $0x0, v23;
	v49 =	vtrunc.f32 v30;
	v50 =	vtrunc.f32 v47  }
0x28f: {  	s23 =	sadd.s32 $0x10, s23;
	v22 =	vadd.f32 v23, v22;
	v23 =	vtrunc.f32 v48;
	v36 =	vcvt.f32.s32 v50  }
0x290: {  	v51 =	vmov s23;
	v35 =	vcvt.f32.s32 v49;
	v52 =	vcvt.f32.s32 v23  }
0x291: {  	v25 =	vmul.f32 v25, v24;
	v24 =	vshll.u32 v51, $0x3;
	v36 =	vcvt.s32.f32 v36  }
0x292: {  	v23 =	vor.u32 v0, v24;
	v35 =	vcvt.s32.f32 v35;
	v53 =	vcvt.s32.f32 v52  }
0x293: {  	v24 =	vadd.s32 v1, v24;
	v54 =	vor.u32 $0x2, v23;
	v55 =	vadd.f32 $-1.000000000e+00, v36  }
0x294: {  	vm9 =	vlt.f32 v47, v36;
	v56 =	vadd.f32 $-1.000000000e+00, v35;
	v57 =	vadd.f32 $-1.000000000e+00, v53  }
0x295: {  	vm10 =	vlt.f32 v30, v35;
	vm11 =	vlt.f32 v48, v53;
	v30 =	vsel vm9, v55, v36  }
0x296: {  	v32 =	vsel vm10, v56, v35;
	v34 =	vsel vm11, v57, v53;
	v29 =	vsub.f32 v29, v30  }
0x297: {  	v58 =	vor.u32 $0x1, v23;
	v32 =	vsub.f32 v45, v32;
	v28 =	vsub.f32 v28, v34  }
0x298: {  	v59 =	vor.u32 $0x1, v24;
	v30 =	vor.u32 $0x2, v24;
	v60 =	vshrl.u32 v29, $0x10  }
0x299: {  	v61 =	vshrl.u32 v32, $0x10;
	v62 =	vshrl.u32 v28, $0x10;
	v35 =	vand.u32 $0x1, v60  }
0x29a: {  	v63 =	vld.idx.msk [tilespmem:v23+s18+$0x0], $0xffff;
	v36 =	vand.u32 $0x1, v61;
	v37 =	vand.u32 $0x1, v62;
	v29 =	vadd.s32 v35, v29  }
0x29b: {  	v31 =	vld.idx.msk [tilespmem:v54+s18+$0x0], $0xffff;
	v32 =	vadd.s32 v36, v32;
	v28 =	vadd.s32 v37, v28;
	v29 =	vadd.s32 $0x7FFF, v29  }
0x29c: {  	s31 =	simm.s32 $0x20;
	v33 =	vld.idx.msk [tilespmem:v58+s18+$0x0], $0xffff;
	v32 =	vadd.s32 $0x7FFF, v32;
	v28 =	vadd.s32 $0x7FFF, v28;
	v29 =	vand.u32 $0xFFFF0000, v29  }
0x29d: {  	s23 =	sand.u32 $0xFFFFFF80, s31;
	v45 =	vld.idx.msk [tilespmem:v24+s18+$0x0], $0xffff;
	v32 =	vand.u32 $0xFFFF0000, v32;
	v28 =	vand.u32 $0xFFFF0000, v28;
	v46 =	vmul.f32 v29, v12  }
0x29e: {  	s23 =	sadd.s32 $0x20, s23;
	v34 =	vld.idx.msk [tilespmem:v59+s18+$0x0], $0xffff;
	v47 =	vmul.f32 v32, v6;
	v48 =	vmul.f32 v28, v7  }
0x29f: {  	v44 =	vmov s23;
	v30 =	vld.idx.msk [tilespmem:v30+s18+$0x0], $0xffff;
	v49 =	vmul.f32 v32, v8;
	v50 =	vmul.f32 v28, v9  }
0x2a0: {  	v53 =	vor.u32 $0x4, v27;
	v32 =	vmul.f32 v32, v10;
	v28 =	vmul.f32 v28, v11  }
0x2a1: {  	v51 =	vmul.f32 v29, v5;
	v38 =	vadd.f32 v48, v47;
	v52 =	vadd.f32 v50, v49  }
0x2a2: {  	v56 =	vor.u32 $0x4, v26;
	v35 =	vsub.f32 v63, v45;
	v28 =	vadd.f32 v28, v32  }
0x2a3: {  	v29 =	vmul.f32 v29, v4;
	v54 =	vadd.f32 v38, v46;
	v55 =	vadd.f32 v52, v51  }
0x2a4: {  	v27 =	vor.u32 $0x3, v27;
	v33 =	vsub.f32 v33, v34;
	v30 =	vsub.f32 v31, v30  }
0x2a5: {  	v28 =	vadd.f32 v28, v29;
	v29 =	vmul.f32 v54, v54;
	v57 =	vmul.f32 v55, v55  }
0x2a6: {  	v31 =	vor.u32 $0x3, v26;
	v26 =	vshrl.u32 v35, $0x10;
	v59 =	vshrl.u32 v30, $0x10  }
0x2a7: {  	v28 =	vmul.f32 v28, v28;
	v34 =	vand.u32 $0x1, v59;
	v29 =	vadd.f32 v57, v29  }
0x2a8: {  	v58 =	vshrl.u32 v33, $0x10;
	v26 =	vand.u32 $0x1, v26;
	v30 =	vadd.s32 v34, v30  }
0x2a9: {  	v35 =	vadd.s32 v26, v35;
	v30 =	vadd.s32 $0x7FFF, v30;
	v26 =	vadd.f32 v29, v28  }
0x2aa: {  	v25 =	vnsel vm12, $0x0, v25;
	v27 =	vld.idx.msk [tilespmem:v27+s18+$0x0], $0xffff;
	v30 =	vand.u32 $0xFFFF0000, v30;
	v29 =	vand.u32 $0x1, v58  }
0x2ab: {  	v62 =	vld.idx.msk [tilespmem:v53+s18+$0x0], $0xffff;
	v28 =	vadd.s32 $0x7FFF, v35;
	v29 =	vadd.s32 v29, v33;
	(erf) = vrcp.f32 v26  }
0x2ac: {  	v31 =	vld.idx.msk [tilespmem:v31+s18+$0x0], $0xffff;
	v45 =	vmul.f32 v30, v19;
	v28 =	vand.u32 $0xFFFF0000, v28;
	v29 =	vadd.s32 $0x7FFF, v29  }
0x2ad: {  	v43 =	vld.idx.msk [tilespmem:v56+s18+$0x0], $0xffff;
	v60 =	vmul.f32 v28, v21;
	v61 =	vmul.f32 v28, v17;
	v29 =	vand.u32 $0xFFFF0000, v29  }
0x2ae: {  	v22 =	vadd.f32 v25, v22;
	v63 =	vmul.f32 v29, v15;
	v42 =	vmul.f32 v29, v20  }
0x2af: {  	v25 =	vimm.f32 $0.0e+00;
	v28 =	vmul.f32 v28, v18;
	v29 =	vmul.f32 v29, v16  }
0x2b0: {  	v46 =	vmul.f32 v30, v13;
	v33 =	vadd.f32 v63, v61;
	v32 =	vadd.f32 v42, v60  }
0x2b1: {  	v28 =	vadd.f32 v29, v28;
	v29 =	vmul.f32 v30, v14;
	v30 =	vadd.f32 v31, v27  }
0x2b2: {  	v37 =	vmul.f32 v43, v62;
	v35 =	vadd.f32 v46, v33;
	v36 =	vadd.f32 v45, v32  }
0x2b3: {  	v31 =	vshll.u32 v44, $0x3;
	v29 =	vadd.f32 v29, v28;
	v28 =	vmul.f32 $5.000000000e-01, v30  }
0x2b4: {  	v27 =	vor.u32 v0, v31;
	v30 =	vadd.f32 $5.000000000e-01, v35;
	v47 =	vadd.f32 $5.000000000e-01, v36;
	v48 =	vpop (erf)  }
0x2b5: {  	v49 =	vadd.f32 $5.000000000e-01, v29;
	v51 =	vmul.f32 v28, v28;
	v50 =	vmul.f32 v48, v26  }
0x2b6: {  	v28 =	vadd.s32 v1, v31;
	v31 =	vtrunc.f32 v30;
	v52 =	vtrunc.f32 v47  }
0x2b7: {  	v53 =	vtrunc.f32 v49;
	v54 =	vcvt.f32.s32 v52;
	v55 =	vsub.f32 $2.000000000e+00, v50  }
0x2b8: {  	v32 =	vor.u32 $0x2, v27;
	v31 =	vcvt.f32.s32 v31;
	v41 =	vcvt.f32.s32 v53  }
0x2b9: {  	v34 =	vor.u32 $0x1, v27;
	v42 =	vcvt.s32.f32 v54;
	v43 =	vmul.f32 v55, v48  }
0x2ba: {  	v33 =	vor.u32 $0x2, v28;
	v31 =	vcvt.s32.f32 v31;
	v41 =	vcvt.s32.f32 v41  }
0x2bb: {  	vm13 =	vlt.f32 v47, v42;
	v56 =	vadd.f32 $-1.000000000e+00, v42;
	v57 =	vmul.f32 v43, v26  }
0x2bc: {  	vm14 =	vlt.f32 v30, v31;
	v30 =	vadd.f32 $-1.000000000e+00, v31;
	v58 =	vadd.f32 $-1.000000000e+00, v41  }
0x2bd: {  	vm15 =	vlt.f32 v49, v41;
	v38 =	vsel vm13, v56, v42;
	v59 =	vsub.f32 $2.000000000e+00, v57  }
0x2be: {  	v30 =	vsel vm14, v30, v31;
	v31 =	vsel vm15, v58, v41;
	v36 =	vsub.f32 v36, v38  }
0x2bf: {  	v60 =	vsub.f32 v35, v30;
	v41 =	vsub.f32 v29, v31;
	v30 =	vmul.f32 v59, v43  }
0x2c0: {  	v35 =	vor.u32 $0x1, v28;
	v29 =	vmul.f32 $4.000000000e+00, v37;
	v31 =	vshrl.u32 v36, $0x10  }
0x2c1: {  	v61 =	vshrl.u32 v60, $0x10;
	v62 =	vshrl.u32 v41, $0x10;
	v30 =	vmul.f32 v30, v51  }
0x2c2: {  	v37 =	vand.u32 $0x1, v61;
	v39 =	vand.u32 $0x1, v62;
	v31 =	vand.u32 $0x1, v31  }
0x2c3: {  	v37 =	vadd.s32 v37, v60;
	v63 =	vadd.s32 v31, v36;
	v31 =	vmul.f32 v30, v30  }
0x2c4: {  	s24 =	simm.s32 $0x3;
	s23 =	simm.s32 $0x20;
	v38 =	vadd.s32 v39, v41;
	v36 =	vadd.s32 $0x7FFF, v37;
	v37 =	vadd.s32 $0x7FFF, v63  }
.LBB2_10:
0x2c5: {  	p1 =	sne.s32 s24, $0x7F;
	v39 =	vld.idx.msk [tilespmem:v27+s18+$0x0], $0xffff;
	v38 =	vadd.s32 $0x7FFF, v38;
	v37 =	vand.u32 $0xFFFF0000, v37;
	v30 =	vmul.f32 v31, v30  }
0x2c6: {  	v36 =	vand.u32 $0xFFFF0000, v36;
	v31 =	vld.idx.msk [tilespmem:v28+s18+$0x0], $0xffff;
	v38 =	vand.u32 $0xFFFF0000, v38;
	v40 =	vmul.f32 v37, v12  }
0x2c7: {  	v41 =	vmul.f32 v36, v6;
	v42 =	vmul.f32 v37, v5;
	v32 =	vld.idx.msk [tilespmem:v32+s18+$0x0], $0xffff;
	v43 =	vadd.f32 $-1.000000000e+00, v30  }
0x2c8: {  	v45 =	vmul.f32 v36, v8;
	v44 =	vmul.f32 v38, v7;
	v33 =	vld.idx.msk [tilespmem:v33+s18+$0x0], $0xffff  }
0x2c9: {  	v46 =	vor.u32 $0x4, v23;
	v47 =	vmul.f32 v38, v9;
	v34 =	vld.idx.msk [tilespmem:v34+s18+$0x0], $0xffff;
	v30 =	vmul.f32 v43, v30  }
0x2ca: {  	v36 =	vmul.f32 v36, v10;
	v38 =	vmul.f32 v38, v11;
	v43 =	vor.u32 $0x4, v24;
	v35 =	vld.idx.msk [tilespmem:v35+s18+$0x0], $0xffff  }
0x2cb: {  	v41 =	vadd.f32 v44, v41;
	v44 =	vadd.f32 v47, v45;
	v29 =	vmul.f32 v30, v29  }
0x2cc: {  	vm0 =	vle.f32 v26, v2;
	v30 =	vadd.f32 v38, v36;
	v36 =	vmul.f32 v37, v4  }
0x2cd: {  	v26 =	vadd.f32 v41, v40;
	v37 =	vadd.f32 v44, v42;
	v29 =	vnsel vm0, $0x0, v29  }
0x2ce: {  	v31 =	vsub.f32 v39, v31;
	v38 =	vor.u32 $0x3, v23;
	v23 =	vmovc v27;
	v25 =	vadd.f32 v29, v25  }
0x2cf: {  	v27 =	vadd.f32 v30, v36;
	v26 =	vmul.f32 v26, v26;
	v29 =	vmul.f32 v37, v37  }
0x2d0: {  	v32 =	vsub.f32 v32, v33;
	v33 =	vor.u32 $0x3, v24;
	v24 =	vmovc v28;
	v30 =	vsub.f32 v34, v35  }
0x2d1: {  	v28 =	vshrl.u32 v31, $0x10;
	v27 =	vmul.f32 v27, v27;
	v26 =	vadd.f32 v29, v26  }
0x2d2: {  	v28 =	vand.u32 $0x1, v28;
	v34 =	vshrl.u32 v32, $0x10;
	v29 =	vshrl.u32 v30, $0x10  }
0x2d3: {  	v28 =	vadd.s32 v28, v31;
	v31 =	vand.u32 $0x1, v34;
	v26 =	vadd.f32 v26, v27  }
0x2d4: {  	v27 =	vadd.s32 $0x7FFF, v28;
	v28 =	vand.u32 $0x1, v29;
	v29 =	vadd.s32 v31, v32;
	v31 =	vld.idx.msk [tilespmem:v38+s18+$0x0], $0xffff  }
0x2d5: {  	v27 =	vand.u32 $0xFFFF0000, v27;
	v28 =	vadd.s32 v28, v30;
	v30 =	vld.idx.msk [tilespmem:v33+s18+$0x0], $0xffff;
	(erf) = vrcp.f32 v26  }
0x2d6: {  	s25 =	sshll.u32 s24, $0x4;
	v29 =	vadd.s32 $0x7FFF, v29;
	v28 =	vadd.s32 $0x7FFF, v28;
	v32 =	vmul.f32 v27, v21  }
0x2d7: {  	s23 =	sadd.s32 $0x10, s23;
	s25 =	sand.u32 $0xFFFFFF80, s25;
	v28 =	vand.u32 $0xFFFF0000, v28;
	v33 =	vmul.f32 v27, v17;
	v27 =	vmul.f32 v27, v18;
	v34 =	vld.idx.msk [tilespmem:v46+s18+$0x0], $0xffff  }
0x2d8: {  	s25 =	sadd.s32 s25, s23;
	v29 =	vand.u32 $0xFFFF0000, v29;
	v35 =	vmul.f32 v28, v15;
	v36 =	vmul.f32 v28, v20;
	v37 =	vld.idx.msk [tilespmem:v43+s18+$0x0], $0xffff  }
0x2d9: {  	v38 =	vmov s25;
	v39 =	vmul.f32 v29, v19;
	v28 =	vmul.f32 v28, v16  }
0x2da: {  	v33 =	vadd.f32 v35, v33;
	v35 =	vmul.f32 v29, v13;
	v32 =	vadd.f32 v36, v32  }
0x2db: {  	v28 =	vadd.f32 v28, v27;
	v29 =	vmul.f32 v29, v14;
	v30 =	vadd.f32 v30, v31  }
0x2dc: {  	v31 =	vshll.u32 v38, $0x3;
	v35 =	vadd.f32 v35, v33;
	v36 =	vadd.f32 v39, v32  }
0x2dd: {  	v29 =	vadd.f32 v29, v28;
	v27 =	vor.u32 v0, v31;
	v28 =	vmul.f32 $5.000000000e-01, v30  }
0x2de: {  	v30 =	vadd.f32 $5.000000000e-01, v35;
	v38 =	vadd.f32 $5.000000000e-01, v36;
	v37 =	vmul.f32 v37, v34;
	v34 =	vpop (erf)  }
0x2df: {  	v39 =	vadd.f32 $5.000000000e-01, v29;
	v40 =	vmul.f32 v28, v28;
	v32 =	vmul.f32 v34, v26  }
0x2e0: {  	v28 =	vadd.s32 v1, v31;
	v31 =	vtrunc.f32 v30;
	v33 =	vtrunc.f32 v38  }
0x2e1: {  	v41 =	vtrunc.f32 v39;
	v42 =	vcvt.f32.s32 v33;
	v43 =	vsub.f32 $2.000000000e+00, v32  }
0x2e2: {  	v31 =	vcvt.f32.s32 v31;
	v41 =	vcvt.f32.s32 v41;
	v32 =	vor.u32 $0x2, v27  }
0x2e3: {  	v33 =	vor.u32 $0x2, v28;
	v42 =	vcvt.s32.f32 v42;
	v43 =	vmul.f32 v43, v34  }
0x2e4: {  	v31 =	vcvt.s32.f32 v31;
	v41 =	vcvt.s32.f32 v41;
	v34 =	vor.u32 $0x1, v27  }
0x2e5: {  	vm0 =	vlt.f32 v38, v42;
	v38 =	vadd.f32 $-1.000000000e+00, v42;
	v44 =	vmul.f32 v43, v26  }
0x2e6: {  	vm1 =	vlt.f32 v30, v31;
	v30 =	vadd.f32 $-1.000000000e+00, v31;
	v45 =	vadd.f32 $-1.000000000e+00, v41  }
0x2e7: {  	vm2 =	vlt.f32 v39, v41;
	v38 =	vsel vm0, v38, v42;
	v39 =	vsub.f32 $2.000000000e+00, v44  }
0x2e8: {  	v30 =	vsel vm1, v30, v31;
	v31 =	vsel vm2, v45, v41;
	v36 =	vsub.f32 v36, v38  }
0x2e9: {  	v38 =	vsub.f32 v35, v30;
	v41 =	vsub.f32 v29, v31;
	v30 =	vmul.f32 v39, v43  }
.Ltmp4:
0x2ea: {  	v35 =	vor.u32 $0x1, v28;
	v29 =	vmul.f32 $4.000000000e+00, v37;
	v31 =	vshrl.u32 v36, $0x10;
	(pc) =	sbr.rel @p1 .LBB2_10-.Ltmp4, $4  }
0x2eb: {  	v37 =	vshrl.u32 v38, $0x10;
	v39 =	vshrl.u32 v41, $0x10;
	v30 =	vmul.f32 v30, v40  }
0x2ec: {  	v37 =	vand.u32 $0x1, v37;
	v31 =	vand.u32 $0x1, v31;
	v39 =	vand.u32 $0x1, v39  }
0x2ed: {  	v37 =	vadd.s32 v37, v38;
	v40 =	vadd.s32 v31, v36;
	v31 =	vmul.f32 v30, v30  }
0x2ee: {  	s24 =	sadd.s32 $0x1, s24;
	v36 =	vadd.s32 $0x7FFF, v37;
	v38 =	vadd.s32 v39, v41;
	v37 =	vadd.s32 $0x7FFF, v40  }
0x2ef: {  	_ =	sdelay $0x3  }
0x2f0: {  	v39 =	vld.idx.msk [tilespmem:v27+s18+$0x0], $0xffff  }
0x2f1: {  	v40 =	vld.idx.msk [tilespmem:v28+s18+$0x0], $0xffff  }
0x2f2: {  	v32 =	vld.idx.msk [tilespmem:v32+s18+$0x0], $0xffff  }
0x2f3: {  	v33 =	vld.idx.msk [tilespmem:v33+s18+$0x0], $0xffff  }
0x2f4: {  	v34 =	vld.idx.msk [tilespmem:v34+s18+$0x0], $0xffff  }
0x2f5: {  	v35 =	vld.idx.msk [tilespmem:v35+s18+$0x0], $0xffff;
	_ =	sdelay $0x2  }
0x2f6: {  	v39 =	vsub.f32 v39, v40;
	_ =	sdelay $0x1  }
0x2f7: {  	v34 =	vsub.f32 v34, v35;
	v32 =	vsub.f32 v32, v33;
	v49 =	vshrl.u32 v39, $0x10  }
0x2f8: {  	v50 =	vadd.s32 $0x7FFF, v38;
	v33 =	vand.u32 $0x1, v49  }
0x2f9: {  	v51 =	vshrl.u32 v34, $0x10;
	v52 =	vshrl.u32 v32, $0x10;
	v33 =	vadd.s32 v33, v39  }
0x2fa: {  	v53 =	vand.u32 $0x1, v52;
	v38 =	vand.u32 $0x1, v51;
	v33 =	vadd.s32 $0x7FFF, v33  }
0x2fb: {  	v32 =	vadd.s32 v53, v32;
	v34 =	vadd.s32 v38, v34;
	v33 =	vand.u32 $0xFFFF0000, v33  }
0x2fc: {  	v34 =	vadd.s32 $0x7FFF, v34;
	v32 =	vadd.s32 $0x7FFF, v32;
	v21 =	vmul.f32 v33, v21  }
0x2fd: {  	v34 =	vand.u32 $0xFFFF0000, v34;
	v17 =	vmul.f32 v33, v17;
	v18 =	vmul.f32 v33, v18  }
0x2fe: {  	v32 =	vand.u32 $0xFFFF0000, v32;
	v15 =	vmul.f32 v34, v15;
	v20 =	vmul.f32 v34, v20  }
0x2ff: {  	v54 =	vand.u32 $0xFFFF0000, v37;
	v16 =	vmul.f32 v34, v16;
	v19 =	vmul.f32 v32, v19  }
0x300: {  	v13 =	vmul.f32 v32, v13;
	v15 =	vadd.f32 v15, v17;
	v55 =	vadd.f32 v20, v21  }
0x301: {  	v56 =	vand.u32 $0xFFFF0000, v36;
	v14 =	vmul.f32 v32, v14;
	v16 =	vadd.f32 v16, v18  }
0x302: {  	v57 =	vand.u32 $0xFFFF0000, v50;
	v13 =	vadd.f32 v13, v15;
	v58 =	vadd.f32 v19, v55  }
0x303: {  	v59 =	vmul.f32 v54, v12;
	v60 =	vmul.f32 v56, v6;
	v14 =	vadd.f32 v14, v16  }
0x304: {  	v42 =	vmul.f32 v56, v8;
	v62 =	vadd.f32 $5.000000000e-01, v13;
	v63 =	vadd.f32 $5.000000000e-01, v58  }
0x305: {  	v61 =	vmul.f32 v57, v7;
	v35 =	vmul.f32 v57, v9;
	v43 =	vadd.f32 $5.000000000e-01, v14  }
0x306: {  	v44 =	vtrunc.f32 v62;
	v45 =	vtrunc.f32 v63  }
0x307: {  	v46 =	vtrunc.f32 v43;
	v38 =	vcvt.f32.s32 v45  }
0x308: {  	v37 =	vcvt.f32.s32 v44;
	v39 =	vcvt.f32.s32 v46  }
0x309: {  	v53 =	vmul.f32 v54, v5;
	v38 =	vcvt.s32.f32 v38  }
0x30a: {  	v34 =	vadd.f32 v35, v42;
	v47 =	vcvt.s32.f32 v37;
	v48 =	vcvt.s32.f32 v39  }
0x30b: {  	v20 =	vmul.f32 v56, v10;
	v18 =	vmul.f32 v57, v11;
	v49 =	vadd.f32 $-1.000000000e+00, v38  }
0x30c: {  	vm0 =	vlt.f32 v63, v38;
	v50 =	vadd.f32 $-1.000000000e+00, v47;
	v39 =	vadd.f32 $-1.000000000e+00, v48  }
0x30d: {  	vm1 =	vlt.f32 v62, v47;
	vm2 =	vlt.f32 v43, v48;
	v51 =	vsel vm0, v49, v38  }
0x30e: {  	v19 =	vsel vm1, v50, v47;
	v52 =	vsel vm2, v39, v48;
	v15 =	vsub.f32 v58, v51  }
0x30f: {  	v54 =	vmul.f32 v54, v4;
	v13 =	vsub.f32 v13, v19;
	v14 =	vsub.f32 v14, v52  }
0x310: {  	v16 =	vadd.f32 v61, v60;
	v18 =	vadd.f32 v18, v20;
	v55 =	vshrl.u32 v15, $0x10  }
0x311: {  	v56 =	vshrl.u32 v13, $0x10;
	v57 =	vshrl.u32 v14, $0x10;
	v20 =	vand.u32 $0x1, v55  }
0x312: {  	v32 =	vand.u32 $0x1, v56;
	v33 =	vand.u32 $0x1, v57;
	v15 =	vadd.s32 v20, v15  }
0x313: {  	v13 =	vadd.s32 v32, v13;
	v14 =	vadd.s32 v33, v14;
	v15 =	vadd.s32 $0x7FFF, v15  }
0x314: {  	v13 =	vadd.s32 $0x7FFF, v13;
	v14 =	vadd.s32 $0x7FFF, v14;
	v15 =	vand.u32 $0xFFFF0000, v15  }
0x315: {  	v13 =	vand.u32 $0xFFFF0000, v13;
	v14 =	vand.u32 $0xFFFF0000, v14;
	v58 =	vmul.f32 v15, v12  }
0x316: {  	v16 =	vadd.f32 v16, v59;
	v59 =	vmul.f32 v13, v6;
	v60 =	vmul.f32 v14, v7  }
0x317: {  	v61 =	vadd.f32 v34, v53;
	v62 =	vmul.f32 v13, v8;
	v63 =	vmul.f32 v14, v9  }
0x318: {  	v18 =	vadd.f32 v18, v54;
	v20 =	vmul.f32 v13, v10;
	v21 =	vmul.f32 v14, v11  }
0x319: {  	v32 =	vmul.f32 v15, v5;
	v6 =	vadd.f32 v60, v59;
	v33 =	vadd.f32 v63, v62  }
0x31a: {  	v35 =	vmul.f32 v61, v61;
	v34 =	vmul.f32 v16, v16;
	v10 =	vadd.f32 v21, v20  }
0x31b: {  	v36 =	vmul.f32 v15, v4;
	v6 =	vadd.f32 v6, v58;
	v5 =	vadd.f32 v33, v32  }
0x31c: {  	v37 =	vadd.f32 v35, v34;
	v38 =	vmul.f32 v18, v18  }
0x31d: {  	v4 =	vadd.f32 v10, v36;
	v6 =	vmul.f32 v6, v6;
	v5 =	vmul.f32 v5, v5;
	_ =	sdelay $0x1  }
0x31e: {  	v7 =	vadd.f32 v37, v38;
	v4 =	vmul.f32 v4, v4;
	v5 =	vadd.f32 v5, v6;
	_ =	sdelay $0x1  }
0x31f: {  	(erf) = vrcp.f32 v7;
	v4 =	vadd.f32 v5, v4;
	_ =	sdelay $0x1  }
0x320: {  	(erf) = vrcp.f32 v4;
	_ =	sdelay $0x1  }
0x321: {  	v41 =	vor.u32 $0x3, v27  }
0x322: {  	v40 =	vor.u32 $0x3, v24  }
0x323: {  	v39 =	vor.u32 $0x3, v23  }
0x324: {  	v43 =	vor.u32 $0x3, v28;
	_ =	sdelay $0x1  }
0x325: {  	v8 =	vld.idx.msk [tilespmem:v41+s18+$0x0], $0xffff;
	v42 =	vpop (erf)  }
0x326: {  	v6 =	vld.idx.msk [tilespmem:v40+s18+$0x0], $0xffff;
	v44 =	vmul.f32 v42, v7  }
0x327: {  	v5 =	vld.idx.msk [tilespmem:v39+s18+$0x0], $0xffff;
	v45 =	vpop (erf)  }
0x328: {  	v10 =	vld.idx.msk [tilespmem:v43+s18+$0x0], $0xffff;
	v11 =	vsub.f32 $2.000000000e+00, v44;
	v46 =	vmul.f32 v45, v4;
	_ =	sdelay $0x1  }
0x329: {  	v9 =	vmul.f32 v11, v42;
	v47 =	vsub.f32 $2.000000000e+00, v46  }
0x32a: {  	v50 =	vor.u32 $0x4, v24  }
0x32b: {  	v5 =	vadd.f32 v6, v5;
	v48 =	vmul.f32 v9, v7;
	v11 =	vmul.f32 v47, v45  }
0x32c: {  	v53 =	vor.u32 $0x4, v28;
	v49 =	vor.u32 $0x4, v23;
	v8 =	vadd.f32 v10, v8  }
0x32d: {  	v5 =	vmul.f32 $5.000000000e-01, v5;
	v6 =	vsub.f32 $2.000000000e+00, v48;
	v51 =	vmul.f32 v11, v4  }
0x32e: {  	v52 =	vor.u32 $0x4, v27;
	v8 =	vmul.f32 $5.000000000e-01, v8  }
0x32f: {  	v5 =	vmul.f32 v5, v5;
	v6 =	vmul.f32 v6, v9;
	v10 =	vsub.f32 $2.000000000e+00, v51  }
0x330: {  	v54 =	vld.idx.msk [tilespmem:v50+s18+$0x0], $0xffff;
	v8 =	vmul.f32 v8, v8  }
0x331: {  	v13 =	vld.idx.msk [tilespmem:v49+s18+$0x0], $0xffff;
	v5 =	vmul.f32 v6, v5;
	v10 =	vmul.f32 v10, v11  }
0x332: {  	v56 =	vmul.f32 v31, v30;
	v57 =	vld.idx.msk [tilespmem:v53+s18+$0x0], $0xffff  }
0x333: {  	v9 =	vld.idx.msk [tilespmem:v52+s18+$0x0], $0xffff;
	v55 =	vmul.f32 v5, v5;
	v8 =	vmul.f32 v10, v8;
	_ =	sdelay $0x1  }
0x334: {  	v58 =	vadd.f32 $-1.000000000e+00, v56;
	v5 =	vmul.f32 v55, v5;
	v59 =	vmul.f32 v8, v8  }
0x335: {  	v6 =	vmul.f32 v54, v13  }
0x336: {  	v60 =	vadd.f32 $-1.000000000e+00, v5;
	v11 =	vmul.f32 v58, v56;
	v8 =	vmul.f32 v59, v8  }
0x337: {  	v6 =	vmul.f32 $4.000000000e+00, v6;
	v9 =	vmul.f32 v57, v9  }
0x338: {  	v5 =	vmul.f32 v60, v5;
	v11 =	vmul.f32 v11, v29;
	v61 =	vadd.f32 $-1.000000000e+00, v8  }
0x339: {  	vm13 =	vle.f32 v26, v2;
	v9 =	vmul.f32 $4.000000000e+00, v9  }
0x33a: {  	v5 =	vmul.f32 v5, v6;
	v62 =	vnsel vm13, $0x0, v11;
	v8 =	vmul.f32 v61, v8  }
0x33b: {  	vm14 =	vle.f32 v7, v2;
	v6 =	vadd.f32 v62, v25  }
0x33c: {  	v5 =	vnsel vm14, $0x0, v5;
	v63 =	vmul.f32 v8, v9  }
0x33d: {  	vm15 =	vle.f32 v4, v2;
	v5 =	vadd.f32 v5, v6  }
0x33e: {  	v2 =	vnsel vm15, $0x0, v63  }
0x33f: {  	v2 =	vadd.f32 v2, v5  }
0x340: {  	v3 =	vadd.f32 v22, v3  }
0x341: {  	v2 =	vpsel !p0, $0x0, v2  }
0x342: {  	s22 =	sadd.s32 $0x1, s22;
	v2 =	vadd.f32 v2, v3  }
0x343: {  	p1 =	sne.s32 s22, s11  }
.Ltmp5:
0x344: {  	[tilespmem:$0x12018] =	vst v2;
	(pc) =	sbr.rel @p1 .LBB2_1-.Ltmp5, $4  }
0x345: {  	[hbm4b:s10+s4] =	stream.linear.scatter [tilespmem:s21], [sflag:$0x5], $0x10, $0x38;
	[tilespmem:$0x12028] =	vst v63  }
0x346: {  	_ =	swait.ge [sflag:s13], $0x10  }
0x347: {  	[sflag:s13] =	ssyncset.done $0x0  }
0x348: {  	[sflag:s13] =	ssyncadd.s32 $0xFFFFFFF0  }
0x349: {  	_ =	sfence.sel $0x180000  }
0x34a: {  	[bflag:$0x0] =	sbarrier.arrive $0xFFFF  }
0x34b: {  	p0 =	sne.s32 s2, $0x0;
	_ =	strace $0x90000047  }
0x34c: {  	s0 =	sadd.s32 @!p0 $0x100000, s0;
	[bflag:$0x2] =	sbarrier.arrive $0xFFFF  }
0x34d: {  	[sflag:s0] =	ssyncadd.tile.s32 @!p0 $0x1;
	_ =	shalt  }
.Lfunc_end2:
_tile_overlayer_lowered:
.L_overlay_start_2:
0x34e: {  	(tag) =	ssettag $0x2  }
0x34f: {  	s0 =	rddreg [dreg:$0x0];
	s2 =	stileid.u32  }
0x350: {  	s1 =	rddreg [dreg:$0x1];
	p0 =	sne.s32 s2, $0x0  }
0x351: {  	s3 =	rddreg [dreg:$0x2];
	[bflag:$0x3] =	sbarrier.arrive $0xFFFF;
	s2 =	simm.s32 @!p0 $0x1C05  }
0x352: {  	[timem:s3], [sflag:s2] =	dma.local @!p0 [hbm:s0], s1  }
0x353: {  	s0 =	simm.s32 @!p0 $0x5  }
0x354: {  	_ =	swait.ge @!p0 [sflag:s0], s1  }
0x355: {  	s1 =	ssub.s32 @!p0 $0x0, s1;
	[sflag:s0] =	ssyncset.done @!p0 $0x0  }
0x356: {  	[sflag:s0] =	ssyncadd.s32 @!p0 s1  }
0x357: {  	[bflag:$0x3] =	sbarrier.arrive $0xFFFF  }
0x358: {  	_ =	shalt  }

</sc_bundles>
